<compile_context>
chip_gen: v7x
topology: tpu7x:2x2x1
jax: 0.10.2.dev20260603
libtpu: 0.0.44.dev20260713+nightly
codegen_flags: <defaults>
</compile_context>

<pallas_src>
import functools

import jax
import jax.numpy as jnp
from jax import lax
from jax.experimental import pallas as pl
from jax.experimental.pallas import tpu as pltpu
from jax.experimental.pallas import tpu_sc as plsc

_N = 10000
_C = 128
_K = 16
_R = 2
_CO = _C * _R
_NP = 10240
_BLK = 128
_NBLK = _NP // _BLK

_NC = 2
_NS = 16
_NW = _NC * _NS
_NODES_PW = _NP // _NW
_CHUNK = 8
_NCHUNK = _NODES_PW // _CHUNK


def _proj_body(x_ref, wd_ref, w2_ref, bp_ref, a_ref, b_ref, sq_ref, xt_ref):
    x = x_ref[...]
    a_ref[...] = (
        jnp.dot(x, wd_ref[...], preferred_element_type=jnp.float32) + bp_ref[...]
    )
    b_ref[...] = jnp.dot(x, w2_ref[...], preferred_element_type=jnp.float32)
    sq_ref[...] = jnp.sum(x * x, axis=1, keepdims=True)
    xt_ref[...] = -2.0 * x.T


def _proj(xp, wd, w2, bp):
    return pl.pallas_call(
        _proj_body,
        grid=(_NBLK,),
        in_specs=[
            pl.BlockSpec((_BLK, _C), lambda i: (i, 0)),
            pl.BlockSpec((_C, _CO), lambda i: (0, 0)),
            pl.BlockSpec((_C, _CO), lambda i: (0, 0)),
            pl.BlockSpec((1, _CO), lambda i: (0, 0)),
        ],
        out_specs=[
            pl.BlockSpec((_BLK, _CO), lambda i: (i, 0)),
            pl.BlockSpec((_BLK, _CO), lambda i: (i, 0)),
            pl.BlockSpec((_BLK, 1), lambda i: (i, 0)),
            pl.BlockSpec((_C, _BLK), lambda i: (0, i)),
        ],
        out_shape=[
            jax.ShapeDtypeStruct((_NP, _CO), jnp.float32),
            jax.ShapeDtypeStruct((_NP, _CO), jnp.float32),
            jax.ShapeDtypeStruct((_NP, 1), jnp.float32),
            jax.ShapeDtypeStruct((_C, _NP), jnp.float32),
        ],
    )(xp, wd, w2, bp)


_G = 160
_S = _NP // _G


def _topk_body(x_ref, xt_ref, sq_ref, nb_ref):
    x = x_ref[...]
    xts = xt_ref[...]
    sqc = sq_ref[...]
    sqb = 0.25 * jnp.sum(xts * xts, axis=0, keepdims=True)
    d = sqc + sqb + jnp.dot(x, xts, preferred_element_type=jnp.float32)
    inf = jnp.float32(jnp.inf)

    d3 = d.reshape(_G, _S, _BLK)
    sio = lax.broadcasted_iota(jnp.int32, (_G, _S, _BLK), 1).astype(jnp.float32)
    sbig = jnp.float32(_S)

    def level(dd):
        g = jnp.min(dd, axis=1)
        eq = dd == g[:, None, :]
        a = jnp.min(jnp.where(eq, sio, sbig), axis=1)
        dd = jnp.where(eq, inf, dd)
        return g, a, dd

    g1, a1, d3 = level(d3)
    g2, a2, d3 = level(d3)
    g3, a3, _ = level(d3)

    gio = lax.broadcasted_iota(jnp.int32, (_G, _BLK), 0).astype(jnp.float32)
    kio = lax.broadcasted_iota(jnp.int32, (_K, _BLK), 0)
    nb = jnp.zeros((_K, _BLK), jnp.int32)
    gbig = jnp.float32(_G)
    for k in range(_K + 1):
        m = jnp.min(g1, axis=0, keepdims=True)
        candg = jnp.where(g1 == m, gio, gbig)
        gsel = jnp.min(candg, axis=0, keepdims=True)
        gm = gio == gsel
        amin = jnp.min(jnp.where(gm, a1, sbig), axis=0, keepdims=True)
        if k > 0:
            col = (gsel * _S + amin).astype(jnp.int32)
            nb = jnp.where(kio == k - 1, col, nb)
        g1 = jnp.where(gm, g2, g1)
        a1 = jnp.where(gm, a2, a1)
        g2 = jnp.where(gm, g3, g2)
        a2 = jnp.where(gm, a3, a2)
        g3 = jnp.where(gm, inf, g3)
    nb_ref[...] = nb


def _topk(xp, xt, sqc):
    return pl.pallas_call(
        _topk_body,
        grid=(_NBLK,),
        in_specs=[
            pl.BlockSpec((_NP, _C), lambda i: (0, 0)),
            pl.BlockSpec((_C, _BLK), lambda i: (0, i)),
            pl.BlockSpec((_NP, 1), lambda i: (0, 0)),
        ],
        out_specs=pl.BlockSpec((_K, _BLK), lambda i: (0, i)),
        out_shape=jax.ShapeDtypeStruct((_K, _NP), jnp.int32),
    )(xp, xt, sqc)


def _edge_body(nbf_hbm, bmat_hbm, amat_hbm, out_hbm,
               i0, i1, g0, g1, a0, a1, o0, o1,
               gs0, gs1, as0, as1, os0, os1):
    cid = lax.axis_index("c")
    sid = lax.axis_index("s")
    wid = sid * _NC + cid
    node0 = wid * _NODES_PW
    ibufs = (i0, i1)
    gbufs = (g0, g1)
    abufs = (a0, a1)
    obufs = (o0, o1)
    gsems = (gs0, gs1)
    asems = (as0, as1)
    osems = (os0, os1)

    def prefetch(c, b):
        pltpu.sync_copy(nbf_hbm.at[pl.ds(node0 * _K + c * (_CHUNK * _K),
                                         _CHUNK * _K)], ibufs[b])
        pltpu.async_copy(bmat_hbm.at[ibufs[b]], gbufs[b], gsems[b])
        pltpu.async_copy(amat_hbm.at[pl.ds(node0 + c * _CHUNK, _CHUNK)],
                         abufs[b], asems[b])

    for b in range(2):
        prefetch(b, b)

    def step(t, _):
        for b in range(2):
            c = 2 * t + b
            ib, gb, ab, ob = ibufs[b], gbufs[b], abufs[b], obufs[b]
            pltpu.make_async_copy(bmat_hbm.at[ib], gb, gsems[b]).wait()
            pltpu.make_async_copy(
                amat_hbm.at[pl.ds(node0, _CHUNK)], ab, asems[b]).wait()
            nbase = node0 + c * _CHUNK

            @pl.when(t >= 1)
            def _():
                pltpu.make_async_copy(
                    ob, out_hbm.at[pl.ds(node0, _CHUNK)], osems[b]).wait()

            def comp(cg, _):
                col = cg * 16
                for n in range(_CHUNK):
                    acc = gb[n * _K, pl.ds(col, 16)]
                    for j in range(1, _K):
                        acc = jnp.maximum(acc, gb[n * _K + j, pl.ds(col, 16)])
                    ob[n, pl.ds(col, 16)] = ab[n, pl.ds(col, 16)] + acc
                return 0

            lax.fori_loop(0, 16, comp, 0)
            pltpu.async_copy(ob, out_hbm.at[pl.ds(nbase, _CHUNK)], osems[b])

            @pl.when(c + 2 < _NCHUNK)
            def _():
                prefetch(c + 2, b)

        return 0

    lax.fori_loop(0, _NCHUNK // 2, step, 0)
    for b in range(2):
        pltpu.make_async_copy(
            obufs[b], out_hbm.at[pl.ds(node0, _CHUNK)], osems[b]).wait()


@functools.cache
def _make_edge():
  return functools.partial(
    pl.kernel,
    out_type=jax.ShapeDtypeStruct((_NP, _CO), jnp.float32),
    mesh=plsc.VectorSubcoreMesh(core_axis_name="c", subcore_axis_name="s",
                                num_cores=_NC, num_subcores=_NS),
    scratch_types=[
        pltpu.VMEM((_CHUNK * _K,), jnp.int32),
        pltpu.VMEM((_CHUNK * _K,), jnp.int32),
        pltpu.VMEM((_CHUNK * _K, _CO), jnp.float32),
        pltpu.VMEM((_CHUNK * _K, _CO), jnp.float32),
        pltpu.VMEM((_CHUNK, _CO), jnp.float32),
        pltpu.VMEM((_CHUNK, _CO), jnp.float32),
        pltpu.VMEM((_CHUNK, _CO), jnp.float32),
        pltpu.VMEM((_CHUNK, _CO), jnp.float32),
        pltpu.SemaphoreType.DMA,
        pltpu.SemaphoreType.DMA,
        pltpu.SemaphoreType.DMA,
        pltpu.SemaphoreType.DMA,
        pltpu.SemaphoreType.DMA,
        pltpu.SemaphoreType.DMA,
    ],
  )(_edge_body)


@jax.jit
def kernel(x, W, b):
    perm = jnp.concatenate([jnp.arange(0, _CO, 2), jnp.arange(1, _CO, 2)])
    Wp = W[:, perm]
    bp = b[perm].reshape(1, _CO)
    wd = Wp[:_C] - Wp[_C:]
    w2 = Wp[_C:]

    xp = jnp.pad(x, ((0, _NP - _N), (0, 0)), constant_values=1e4)

    a_mat, b_mat, sqc, xt = _proj(xp, wd, w2, bp)
    nb = _topk(xp, xt, sqc)
    hp = _make_edge()(nb.T.reshape(-1), b_mat, a_mat)
    return hp[:_N].reshape(_N * _R, _C)

# --- scband reference (transcript-rebuilt; emitter-appended) ---
"""Pipeline reference for scband-node-shuffle-10651518894813 (READ-ONLY COPY).

The authoritative reference and input builder live on the scoring server;
editing this copy changes nothing except your own understanding.
"""

import jax, jax.numpy as jnp
import numpy as np

N = 10000
C = 128
K = 16
R = 2


def setup_inputs(seed: int = 0) -> dict:
    key = jax.random.key(seed)
    k1, k2, k3 = jax.random.split(key, 3)
    x = jax.random.normal(k1, (N, C), dtype=jnp.float32)
    # EdgeConv linear: Linear(2*in_channels -> in_channels * r)
    W = jax.random.normal(k2, (2 * C, C * R), dtype=jnp.float32) * 0.05
    b = jax.random.normal(k3, (C * R,), dtype=jnp.float32) * 0.05
    return {"x": x, "W": W, "b": b}


def knn_indices(x, k):
    # pairwise squared euclidean distances
    sq = jnp.sum(x * x, axis=1)
    d = sq[:, None] + sq[None, :] - 2.0 * (x @ x.T)
    # exclude self-loops
    n = x.shape[0]
    d = d.at[jnp.arange(n), jnp.arange(n)].set(jnp.inf)
    _, idx = jax.lax.top_k(-d, k)  # [N, k] nearest neighbors
    return idx


def reference(x, W, b):
    # knn_graph: edge_index with source = neighbor j, target = node i
    nb = knn_indices(x, K)  # [N, K]
    # EdgeConv: out_i = max_j Linear([x_i, x_j - x_i])
    xi = jnp.broadcast_to(x[:, None, :], (N, K, C))
    xj = jnp.take(x, nb, axis=0)  # gather neighbor features [N, K, C]
    msg = jnp.concatenate([xi, xj - xi], axis=-1) @ W + b  # [N, K, C*R]
    h = jnp.max(msg, axis=1)  # max aggregation -> [N, C*R]
    # PointShuffle: [N, r*C] -> [r*N, C]
    out = h.reshape(N, 1, C, R).transpose(0, 3, 2, 1).reshape(N * R, C)
    return out

if __name__ == "__main__":
    import jax
    _d = setup_inputs()
    print(jax.jit(kernel)(*tuple(_d.values())))

</pallas_src>

<mosaic_0001>
#map = affine_map<(d0, d1) -> (0)>
#map1 = affine_map<(d0, d1) -> (0, 0)>
module attributes {stable_mosaic.version = 14 : i64} {
  func.func @_edge_body(%arg0: i32, %arg1: i32, %arg2: memref<163840xi32, #tpu.memory_space<hbm>>, %arg3: memref<10240x256xf32, #tpu.memory_space<hbm>>, %arg4: memref<10240x256xf32, #tpu.memory_space<hbm>>, %arg5: memref<10240x256xf32, #tpu.memory_space<hbm>>, %arg6: memref<128xi32, #tpu.memory_space<vmem>>, %arg7: memref<128xi32, #tpu.memory_space<vmem>>, %arg8: memref<128x256xf32, #tpu.memory_space<vmem>>, %arg9: memref<128x256xf32, #tpu.memory_space<vmem>>, %arg10: memref<8x256xf32, #tpu.memory_space<vmem>>, %arg11: memref<8x256xf32, #tpu.memory_space<vmem>>, %arg12: memref<8x256xf32, #tpu.memory_space<vmem>>, %arg13: memref<8x256xf32, #tpu.memory_space<vmem>>, %arg14: memref<!tpu.dma_semaphore, #tpu.memory_space<semaphore_mem>>, %arg15: memref<!tpu.dma_semaphore, #tpu.memory_space<semaphore_mem>>, %arg16: memref<!tpu.dma_semaphore, #tpu.memory_space<semaphore_mem>>, %arg17: memref<!tpu.dma_semaphore, #tpu.memory_space<semaphore_mem>>, %arg18: memref<!tpu.dma_semaphore, #tpu.memory_space<semaphore_mem>>, %arg19: memref<!tpu.dma_semaphore, #tpu.memory_space<semaphore_mem>>) attributes {dimension_semantics = [#tpu.dimension_semantics<core_parallel>, #tpu.dimension_semantics<subcore_parallel>], iteration_bounds = array<i64: 2, 16>, scalar_prefetch = 0 : i64, scratch_operands = 14 : i64, tpu.core_type = #tpu.core_type<sc_vector_subcore>, window_params = [{transform_indices = #map}, {transform_indices = #map1}, {transform_indices = #map1}, {transform_indices = #map1}]} {
    %mul3A = arith.constant 2 : i32
    %mul3A_0 = arith.muli %arg1, %mul3A : i32
    %add3A = arith.addi %mul3A_0, %arg0 : i32
    %mul3A_1 = arith.constant 320 : i32
    %mul3A_2 = arith.muli %add3A, %mul3A_1 : i32
    %mul3A_3 = arith.constant 16 : i32
    %mul3A_4 = arith.muli %mul3A_2, %mul3A_3 : i32
    %add3A_5 = arith.constant 0 : i32
    %add3A_6 = arith.addi %mul3A_4, %add3A_5 : i32
    "tpu.region"() ({
      %run_scoped3A = tpu.sem_alloc : memref<!tpu.dma_semaphore, #tpu.memory_space<semaphore_mem>>
      %dma_start3A_41 = tpu.memref_slice %arg2[%add3A_6] : memref<163840xi32, #tpu.memory_space<hbm>> -> memref<128xi32, #tpu.memory_space<hbm>>
      %dma_start3A_42 = tpu.memref_slice %arg2[%add3A_6] : memref<163840xi32, #tpu.memory_space<hbm>> -> memref<128xi32, #tpu.memory_space<hbm>>
      tpu.enqueue_dma source(%dma_start3A_42 : memref<128xi32, #tpu.memory_space<hbm>>) target(%arg6 : memref<128xi32, #tpu.memory_space<vmem>>) target_semaphore(%run_scoped3A : memref<!tpu.dma_semaphore, #tpu.memory_space<semaphore_mem>>)
      %dma_wait3A_43 = tpu.memref_slice %arg2[%add3A_6] : memref<163840xi32, #tpu.memory_space<hbm>> -> memref<128xi32, #tpu.memory_space<hbm>>
      %dma_wait3A_44 = tpu.memref_slice %arg2[%add3A_6] : memref<163840xi32, #tpu.memory_space<hbm>> -> memref<128xi32, #tpu.memory_space<hbm>>
      tpu.wait_dma2 semaphore(%run_scoped3A : memref<!tpu.dma_semaphore, #tpu.memory_space<semaphore_mem>>) src(%dma_wait3A_44 : memref<128xi32, #tpu.memory_space<hbm>>) dst(%arg6 : memref<128xi32, #tpu.memory_space<vmem>>)
      tpu.yield
    }) : () -> ()
    %dma_start3A = arith.constant 0 : i32
    %dma_start3A_7 = arith.constant 0 : i32
    %dma_start3A_8 = tpu.memref_slice %arg3[%dma_start3A, %dma_start3A_7] : memref<10240x256xf32, #tpu.memory_space<hbm>> -> memref<10240x256xf32, #tpu.memory_space<hbm>>
    tpu.enqueue_indirect_dma source(%dma_start3A_8 : memref<10240x256xf32, #tpu.memory_space<hbm>>) target(%arg8 : memref<128x256xf32, #tpu.memory_space<vmem>>) offsets(%arg6 : memref<128xi32, #tpu.memory_space<vmem>>) semaphore(%arg14 : memref<!tpu.dma_semaphore, #tpu.memory_space<semaphore_mem>>)
    %add3A_9 = arith.constant 0 : i32
    %add3A_10 = arith.addi %mul3A_2, %add3A_9 : i32
    %dma_start3A_11 = arith.constant 0 : i32
    %dma_start3A_12 = tpu.memref_slice %arg4[%add3A_10, %dma_start3A_11] : memref<10240x256xf32, #tpu.memory_space<hbm>> -> memref<8x256xf32, #tpu.memory_space<hbm>>
    %dma_start3A_13 = arith.constant 0 : i32
    %dma_start3A_14 = tpu.memref_slice %arg4[%add3A_10, %dma_start3A_13] : memref<10240x256xf32, #tpu.memory_space<hbm>> -> memref<8x256xf32, #tpu.memory_space<hbm>>
    tpu.enqueue_dma source(%dma_start3A_14 : memref<8x256xf32, #tpu.memory_space<hbm>>) target(%arg10 : memref<8x256xf32, #tpu.memory_space<vmem>>) target_semaphore(%arg16 : memref<!tpu.dma_semaphore, #tpu.memory_space<semaphore_mem>>)
    %mul3A_15 = arith.constant 16 : i32
    %mul3A_16 = arith.muli %mul3A_2, %mul3A_15 : i32
    %add3A_17 = arith.constant 128 : i32
    %add3A_18 = arith.addi %mul3A_16, %add3A_17 : i32
    "tpu.region"() ({
      %run_scoped3A = tpu.sem_alloc : memref<!tpu.dma_semaphore, #tpu.memory_space<semaphore_mem>>
      %dma_start3A_41 = tpu.memref_slice %arg2[%add3A_18] : memref<163840xi32, #tpu.memory_space<hbm>> -> memref<128xi32, #tpu.memory_space<hbm>>
      %dma_start3A_42 = tpu.memref_slice %arg2[%add3A_18] : memref<163840xi32, #tpu.memory_space<hbm>> -> memref<128xi32, #tpu.memory_space<hbm>>
      tpu.enqueue_dma source(%dma_start3A_42 : memref<128xi32, #tpu.memory_space<hbm>>) target(%arg7 : memref<128xi32, #tpu.memory_space<vmem>>) target_semaphore(%run_scoped3A : memref<!tpu.dma_semaphore, #tpu.memory_space<semaphore_mem>>)
      %dma_wait3A_43 = tpu.memref_slice %arg2[%add3A_18] : memref<163840xi32, #tpu.memory_space<hbm>> -> memref<128xi32, #tpu.memory_space<hbm>>
      %dma_wait3A_44 = tpu.memref_slice %arg2[%add3A_18] : memref<163840xi32, #tpu.memory_space<hbm>> -> memref<128xi32, #tpu.memory_space<hbm>>
      tpu.wait_dma2 semaphore(%run_scoped3A : memref<!tpu.dma_semaphore, #tpu.memory_space<semaphore_mem>>) src(%dma_wait3A_44 : memref<128xi32, #tpu.memory_space<hbm>>) dst(%arg7 : memref<128xi32, #tpu.memory_space<vmem>>)
      tpu.yield
    }) : () -> ()
    %dma_start3A_19 = arith.constant 0 : i32
    %dma_start3A_20 = arith.constant 0 : i32
    %dma_start3A_21 = tpu.memref_slice %arg3[%dma_start3A_19, %dma_start3A_20] : memref<10240x256xf32, #tpu.memory_space<hbm>> -> memref<10240x256xf32, #tpu.memory_space<hbm>>
    tpu.enqueue_indirect_dma source(%dma_start3A_21 : memref<10240x256xf32, #tpu.memory_space<hbm>>) target(%arg9 : memref<128x256xf32, #tpu.memory_space<vmem>>) offsets(%arg7 : memref<128xi32, #tpu.memory_space<vmem>>) semaphore(%arg15 : memref<!tpu.dma_semaphore, #tpu.memory_space<semaphore_mem>>)
    %add3A_22 = arith.constant 8 : i32
    %add3A_23 = arith.addi %mul3A_2, %add3A_22 : i32
    %dma_start3A_24 = arith.constant 0 : i32
    %dma_start3A_25 = tpu.memref_slice %arg4[%add3A_23, %dma_start3A_24] : memref<10240x256xf32, #tpu.memory_space<hbm>> -> memref<8x256xf32, #tpu.memory_space<hbm>>
    %dma_start3A_26 = arith.constant 0 : i32
    %dma_start3A_27 = tpu.memref_slice %arg4[%add3A_23, %dma_start3A_26] : memref<10240x256xf32, #tpu.memory_space<hbm>> -> memref<8x256xf32, #tpu.memory_space<hbm>>
    tpu.enqueue_dma source(%dma_start3A_27 : memref<8x256xf32, #tpu.memory_space<hbm>>) target(%arg11 : memref<8x256xf32, #tpu.memory_space<vmem>>) target_semaphore(%arg17 : memref<!tpu.dma_semaphore, #tpu.memory_space<semaphore_mem>>)
    %scan3A = arith.constant 0 : i32
    %scan3A_28 = arith.constant 0 : i32
    %scan3A_29 = arith.constant 20 : i32
    %scan3A_30 = arith.addi %scan3A_28, %scan3A_29 : i32
    %scan3A_31 = arith.constant 1 : i32
    %scan3A_32 = scf.for %scan3A_41 = %scan3A_28 to %scan3A_30 step %scan3A_31 iter_args(%scan3A_42 = %scan3A) -> (i32)  : i32 {
      %mul3A_43 = arith.constant 2 : i32
      %mul3A_44 = arith.muli %mul3A_43, %scan3A_41 : i32
      %add3A_45 = arith.constant 0 : i32
      %add3A_46 = arith.addi %mul3A_44, %add3A_45 : i32
      %dma_wait3A_47 = arith.constant 0 : i32
      %dma_wait3A_48 = arith.constant 0 : i32
      %dma_wait3A_49 = tpu.memref_slice %arg3[%dma_wait3A_47, %dma_wait3A_48] : memref<10240x256xf32, #tpu.memory_space<hbm>> -> memref<10240x256xf32, #tpu.memory_space<hbm>>
      tpu.wait_indirect_dma semaphore(%arg14 : memref<!tpu.dma_semaphore, #tpu.memory_space<semaphore_mem>>) src(%dma_wait3A_49 : memref<10240x256xf32, #tpu.memory_space<hbm>>) dst(%arg8 : memref<128x256xf32, #tpu.memory_space<vmem>>)
      %dma_wait3A_50 = arith.constant 0 : i32
      %dma_wait3A_51 = tpu.memref_slice %arg4[%mul3A_2, %dma_wait3A_50] : memref<10240x256xf32, #tpu.memory_space<hbm>> -> memref<8x256xf32, #tpu.memory_space<hbm>>
      %dma_wait3A_52 = arith.constant 0 : i32
      %dma_wait3A_53 = tpu.memref_slice %arg4[%mul3A_2, %dma_wait3A_52] : memref<10240x256xf32, #tpu.memory_space<hbm>> -> memref<8x256xf32, #tpu.memory_space<hbm>>
      tpu.wait_dma2 semaphore(%arg16 : memref<!tpu.dma_semaphore, #tpu.memory_space<semaphore_mem>>) src(%dma_wait3A_53 : memref<8x256xf32, #tpu.memory_space<hbm>>) dst(%arg10 : memref<8x256xf32, #tpu.memory_space<vmem>>)
      %mul3A_54 = arith.constant 8 : i32
      %mul3A_55 = arith.muli %add3A_46, %mul3A_54 : i32
      %add3A_56 = arith.addi %mul3A_2, %mul3A_55 : i32
      %ge3A = arith.constant 1 : i32
      %ge3A_57 = arith.cmpi sge, %scan3A_41, %ge3A : i32
      %convert_element_type3A = arith.extui %ge3A_57 : i1 to i32
      %cond3A = arith.constant 0 : i32
      %cond3A_58 = arith.cmpi ne, %convert_element_type3A, %cond3A : i32
      scf.if %cond3A_58 {
        %dma_wait3A_114 = arith.constant 0 : i32
        %dma_wait3A_115 = tpu.memref_slice %arg5[%mul3A_2, %dma_wait3A_114] : memref<10240x256xf32, #tpu.memory_space<hbm>> -> memref<8x256xf32, #tpu.memory_space<hbm>>
        %dma_wait3A_116 = arith.constant 0 : i32
        %dma_wait3A_117 = tpu.memref_slice %arg5[%mul3A_2, %dma_wait3A_116] : memref<10240x256xf32, #tpu.memory_space<hbm>> -> memref<8x256xf32, #tpu.memory_space<hbm>>
        tpu.wait_dma2 semaphore(%arg18 : memref<!tpu.dma_semaphore, #tpu.memory_space<semaphore_mem>>) src(%arg12 : memref<8x256xf32, #tpu.memory_space<vmem>>) dst(%dma_wait3A_117 : memref<8x256xf32, #tpu.memory_space<hbm>>)
      } else {
      }
      %scan3A_59 = arith.constant 0 : i32
      %scan3A_60 = arith.constant 0 : i32
      %scan3A_61 = arith.constant 16 : i32
      %scan3A_62 = arith.addi %scan3A_60, %scan3A_61 : i32
      %scan3A_63 = arith.constant 1 : i32
      %scan3A_64 = scf.for %scan3A_114 = %scan3A_60 to %scan3A_62 step %scan3A_63 iter_args(%scan3A_115 = %scan3A_59) -> (i32)  : i32 {
        %mul3A_116 = arith.constant 16 : i32
        %mul3A_117 = arith.muli %scan3A_114, %mul3A_116 : i32
        %get3A = arith.constant 0 : i32
        %get3A_118 = arith.index_cast %get3A : i32 to index
        %get3A_119 = arith.index_cast %mul3A_117 : i32 to index
        %get3A_120 = tpu.vector_load %arg8[%get3A_118, %get3A_119] {strides = array<i32>} : memref<128x256xf32, #tpu.memory_space<vmem>>, vector<1x16xf32>,
        %get3A_121 = vector.shape_cast %get3A_120 : vector<1x16xf32> to vector<16xf32>
        %get3A_122 = arith.constant 1 : i32
        %get3A_123 = arith.index_cast %get3A_122 : i32 to index
        %get3A_124 = arith.index_cast %mul3A_117 : i32 to index
        %get3A_125 = tpu.vector_load %arg8[%get3A_123, %get3A_124] {strides = array<i32>} : memref<128x256xf32, #tpu.memory_space<vmem>>, vector<1x16xf32>,
        %get3A_126 = vector.shape_cast %get3A_125 : vector<1x16xf32> to vector<16xf32>
        %max3A = arith.maximumf %get3A_121, %get3A_126 : vector<16xf32>
        %get3A_127 = arith.constant 2 : i32
        %get3A_128 = arith.index_cast %get3A_127 : i32 to index
        %get3A_129 = arith.index_cast %mul3A_117 : i32 to index
        %get3A_130 = tpu.vector_load %arg8[%get3A_128, %get3A_129] {strides = array<i32>} : memref<128x256xf32, #tpu.memory_space<vmem>>, vector<1x16xf32>,
        %get3A_131 = vector.shape_cast %get3A_130 : vector<1x16xf32> to vector<16xf32>
        %max3A_132 = arith.maximumf %max3A, %get3A_131 : vector<16xf32>
        %get3A_133 = arith.constant 3 : i32
        %get3A_134 = arith.index_cast %get3A_133 : i32 to index
        %get3A_135 = arith.index_cast %mul3A_117 : i32 to index
        %get3A_136 = tpu.vector_load %arg8[%get3A_134, %get3A_135] {strides = array<i32>} : memref<128x256xf32, #tpu.memory_space<vmem>>, vector<1x16xf32>,
        %get3A_137 = vector.shape_cast %get3A_136 : vector<1x16xf32> to vector<16xf32>
        %max3A_138 = arith.maximumf %max3A_132, %get3A_137 : vector<16xf32>
        %get3A_139 = arith.constant 4 : i32
        %get3A_140 = arith.index_cast %get3A_139 : i32 to index
        %get3A_141 = arith.index_cast %mul3A_117 : i32 to index
        %get3A_142 = tpu.vector_load %arg8[%get3A_140, %get3A_141] {strides = array<i32>} : memref<128x256xf32, #tpu.memory_space<vmem>>, vector<1x16xf32>,
        %get3A_143 = vector.shape_cast %get3A_142 : vector<1x16xf32> to vector<16xf32>
        %max3A_144 = arith.maximumf %max3A_138, %get3A_143 : vector<16xf32>
        %get3A_145 = arith.constant 5 : i32
        %get3A_146 = arith.index_cast %get3A_145 : i32 to index
        %get3A_147 = arith.index_cast %mul3A_117 : i32 to index
        %get3A_148 = tpu.vector_load %arg8[%get3A_146, %get3A_147] {strides = array<i32>} : memref<128x256xf32, #tpu.memory_space<vmem>>, vector<1x16xf32>,
        %get3A_149 = vector.shape_cast %get3A_148 : vector<1x16xf32> to vector<16xf32>
        %max3A_150 = arith.maximumf %max3A_144, %get3A_149 : vector<16xf32>
        %get3A_151 = arith.constant 6 : i32
        %get3A_152 = arith.index_cast %get3A_151 : i32 to index
        %get3A_153 = arith.index_cast %mul3A_117 : i32 to index
        %get3A_154 = tpu.vector_load %arg8[%get3A_152, %get3A_153] {strides = array<i32>} : memref<128x256xf32, #tpu.memory_space<vmem>>, vector<1x16xf32>,
        %get3A_155 = vector.shape_cast %get3A_154 : vector<1x16xf32> to vector<16xf32>
        %max3A_156 = arith.maximumf %max3A_150, %get3A_155 : vector<16xf32>
        %get3A_157 = arith.constant 7 : i32
        %get3A_158 = arith.index_cast %get3A_157 : i32 to index
        %get3A_159 = arith.index_cast %mul3A_117 : i32 to index
        %get3A_160 = tpu.vector_load %arg8[%get3A_158, %get3A_159] {strides = array<i32>} : memref<128x256xf32, #tpu.memory_space<vmem>>, vector<1x16xf32>,
        %get3A_161 = vector.shape_cast %get3A_160 : vector<1x16xf32> to vector<16xf32>
        %max3A_162 = arith.maximumf %max3A_156, %get3A_161 : vector<16xf32>
        %get3A_163 = arith.constant 8 : i32
        %get3A_164 = arith.index_cast %get3A_163 : i32 to index
        %get3A_165 = arith.index_cast %mul3A_117 : i32 to index
        %get3A_166 = tpu.vector_load %arg8[%get3A_164, %get3A_165] {strides = array<i32>} : memref<128x256xf32, #tpu.memory_space<vmem>>, vector<1x16xf32>,
        %get3A_167 = vector.shape_cast %get3A_166 : vector<1x16xf32> to vector<16xf32>
        %max3A_168 = arith.maximumf %max3A_162, %get3A_167 : vector<16xf32>
        %get3A_169 = arith.constant 9 : i32
        %get3A_170 = arith.index_cast %get3A_169 : i32 to index
        %get3A_171 = arith.index_cast %mul3A_117 : i32 to index
        %get3A_172 = tpu.vector_load %arg8[%get3A_170, %get3A_171] {strides = array<i32>} : memref<128x256xf32, #tpu.memory_space<vmem>>, vector<1x16xf32>,
        %get3A_173 = vector.shape_cast %get3A_172 : vector<1x16xf32> to vector<16xf32>
        %max3A_174 = arith.maximumf %max3A_168, %get3A_173 : vector<16xf32>
        %get3A_175 = arith.constant 10 : i32
        %get3A_176 = arith.index_cast %get3A_175 : i32 to index
        %get3A_177 = arith.index_cast %mul3A_117 : i32 to index
        %get3A_178 = tpu.vector_load %arg8[%get3A_176, %get3A_177] {strides = array<i32>} : memref<128x256xf32, #tpu.memory_space<vmem>>, vector<1x16xf32>,
        %get3A_179 = vector.shape_cast %get3A_178 : vector<1x16xf32> to vector<16xf32>
        %max3A_180 = arith.maximumf %max3A_174, %get3A_179 : vector<16xf32>
        %get3A_181 = arith.constant 11 : i32
        %get3A_182 = arith.index_cast %get3A_181 : i32 to index
        %get3A_183 = arith.index_cast %mul3A_117 : i32 to index
        %get3A_184 = tpu.vector_load %arg8[%get3A_182, %get3A_183] {strides = array<i32>} : memref<128x256xf32, #tpu.memory_space<vmem>>, vector<1x16xf32>,
        %get3A_185 = vector.shape_cast %get3A_184 : vector<1x16xf32> to vector<16xf32>
        %max3A_186 = arith.maximumf %max3A_180, %get3A_185 : vector<16xf32>
        %get3A_187 = arith.constant 12 : i32
        %get3A_188 = arith.index_cast %get3A_187 : i32 to index
        %get3A_189 = arith.index_cast %mul3A_117 : i32 to index
        %get3A_190 = tpu.vector_load %arg8[%get3A_188, %get3A_189] {strides = array<i32>} : memref<128x256xf32, #tpu.memory_space<vmem>>, vector<1x16xf32>,
        %get3A_191 = vector.shape_cast %get3A_190 : vector<1x16xf32> to vector<16xf32>
        %max3A_192 = arith.maximumf %max3A_186, %get3A_191 : vector<16xf32>
        %get3A_193 = arith.constant 13 : i32
        %get3A_194 = arith.index_cast %get3A_193 : i32 to index
        %get3A_195 = arith.index_cast %mul3A_117 : i32 to index
        %get3A_196 = tpu.vector_load %arg8[%get3A_194, %get3A_195] {strides = array<i32>} : memref<128x256xf32, #tpu.memory_space<vmem>>, vector<1x16xf32>,
        %get3A_197 = vector.shape_cast %get3A_196 : vector<1x16xf32> to vector<16xf32>
        %max3A_198 = arith.maximumf %max3A_192, %get3A_197 : vector<16xf32>
        %get3A_199 = arith.constant 14 : i32
        %get3A_200 = arith.index_cast %get3A_199 : i32 to index
        %get3A_201 = arith.index_cast %mul3A_117 : i32 to index
        %get3A_202 = tpu.vector_load %arg8[%get3A_200, %get3A_201] {strides = array<i32>} : memref<128x256xf32, #tpu.memory_space<vmem>>, vector<1x16xf32>,
        %get3A_203 = vector.shape_cast %get3A_202 : vector<1x16xf32> to vector<16xf32>
        %max3A_204 = arith.maximumf %max3A_198, %get3A_203 : vector<16xf32>
        %get3A_205 = arith.constant 15 : i32
        %get3A_206 = arith.index_cast %get3A_205 : i32 to index
        %get3A_207 = arith.index_cast %mul3A_117 : i32 to index
        %get3A_208 = tpu.vector_load %arg8[%get3A_206, %get3A_207] {strides = array<i32>} : memref<128x256xf32, #tpu.memory_space<vmem>>, vector<1x16xf32>,
        %get3A_209 = vector.shape_cast %get3A_208 : vector<1x16xf32> to vector<16xf32>
        %max3A_210 = arith.maximumf %max3A_204, %get3A_209 : vector<16xf32>
        %get3A_211 = arith.constant 0 : i32
        %get3A_212 = arith.index_cast %get3A_211 : i32 to index
        %get3A_213 = arith.index_cast %mul3A_117 : i32 to index
        %get3A_214 = tpu.vector_load %arg10[%get3A_212, %get3A_213] {strides = array<i32>} : memref<8x256xf32, #tpu.memory_space<vmem>>, vector<1x16xf32>,
        %get3A_215 = vector.shape_cast %get3A_214 : vector<1x16xf32> to vector<16xf32>
        %add3A_216 = arith.addf %get3A_215, %max3A_210 : vector<16xf32>
        %swap3A = arith.constant 0 : i32
        %swap3A_217 = arith.index_cast %swap3A : i32 to index
        %swap3A_218 = arith.index_cast %mul3A_117 : i32 to index
        %swap3A_219 = tpu.vector_load %arg12[%swap3A_217, %swap3A_218] {strides = array<i32>} : memref<8x256xf32, #tpu.memory_space<vmem>>, vector<1x16xf32>,
        %swap3A_220 = vector.shape_cast %swap3A_219 : vector<1x16xf32> to vector<16xf32>
        %swap3A_221 = vector.shape_cast %add3A_216 : vector<16xf32> to vector<1x16xf32>
        tpu.vector_store %arg12[%swap3A_217, %swap3A_218], %swap3A_221 {strides = array<i32>} : memref<8x256xf32, #tpu.memory_space<vmem>>, vector<1x16xf32>,
        %get3A_222 = arith.constant 16 : i32
        %get3A_223 = arith.index_cast %get3A_222 : i32 to index
        %get3A_224 = arith.index_cast %mul3A_117 : i32 to index
        %get3A_225 = tpu.vector_load %arg8[%get3A_223, %get3A_224] {strides = array<i32>} : memref<128x256xf32, #tpu.memory_space<vmem>>, vector<1x16xf32>,
        %get3A_226 = vector.shape_cast %get3A_225 : vector<1x16xf32> to vector<16xf32>
        %get3A_227 = arith.constant 17 : i32
        %get3A_228 = arith.index_cast %get3A_227 : i32 to index
        %get3A_229 = arith.index_cast %mul3A_117 : i32 to index
        %get3A_230 = tpu.vector_load %arg8[%get3A_228, %get3A_229] {strides = array<i32>} : memref<128x256xf32, #tpu.memory_space<vmem>>, vector<1x16xf32>,
        %get3A_231 = vector.shape_cast %get3A_230 : vector<1x16xf32> to vector<16xf32>
        %max3A_232 = arith.maximumf %get3A_226, %get3A_231 : vector<16xf32>
        %get3A_233 = arith.constant 18 : i32
        %get3A_234 = arith.index_cast %get3A_233 : i32 to index
        %get3A_235 = arith.index_cast %mul3A_117 : i32 to index
        %get3A_236 = tpu.vector_load %arg8[%get3A_234, %get3A_235] {strides = array<i32>} : memref<128x256xf32, #tpu.memory_space<vmem>>, vector<1x16xf32>,
        %get3A_237 = vector.shape_cast %get3A_236 : vector<1x16xf32> to vector<16xf32>
        %max3A_238 = arith.maximumf %max3A_232, %get3A_237 : vector<16xf32>
        %get3A_239 = arith.constant 19 : i32
        %get3A_240 = arith.index_cast %get3A_239 : i32 to index
        %get3A_241 = arith.index_cast %mul3A_117 : i32 to index
        %get3A_242 = tpu.vector_load %arg8[%get3A_240, %get3A_241] {strides = array<i32>} : memref<128x256xf32, #tpu.memory_space<vmem>>, vector<1x16xf32>,
        %get3A_243 = vector.shape_cast %get3A_242 : vector<1x16xf32> to vector<16xf32>
        %max3A_244 = arith.maximumf %max3A_238, %get3A_243 : vector<16xf32>
        %get3A_245 = arith.constant 20 : i32
        %get3A_246 = arith.index_cast %get3A_245 : i32 to index
        %get3A_247 = arith.index_cast %mul3A_117 : i32 to index
        %get3A_248 = tpu.vector_load %arg8[%get3A_246, %get3A_247] {strides = array<i32>} : memref<128x256xf32, #tpu.memory_space<vmem>>, vector<1x16xf32>,
        %get3A_249 = vector.shape_cast %get3A_248 : vector<1x16xf32> to vector<16xf32>
        %max3A_250 = arith.maximumf %max3A_244, %get3A_249 : vector<16xf32>
        %get3A_251 = arith.constant 21 : i32
        %get3A_252 = arith.index_cast %get3A_251 : i32 to index
        %get3A_253 = arith.index_cast %mul3A_117 : i32 to index
        %get3A_254 = tpu.vector_load %arg8[%get3A_252, %get3A_253] {strides = array<i32>} : memref<128x256xf32, #tpu.memory_space<vmem>>, vector<1x16xf32>,
        %get3A_255 = vector.shape_cast %get3A_254 : vector<1x16xf32> to vector<16xf32>
        %max3A_256 = arith.maximumf %max3A_250, %get3A_255 : vector<16xf32>
        %get3A_257 = arith.constant 22 : i32
        %get3A_258 = arith.index_cast %get3A_257 : i32 to index
        %get3A_259 = arith.index_cast %mul3A_117 : i32 to index
        %get3A_260 = tpu.vector_load %arg8[%get3A_258, %get3A_259] {strides = array<i32>} : memref<128x256xf32, #tpu.memory_space<vmem>>, vector<1x16xf32>,
        %get3A_261 = vector.shape_cast %get3A_260 : vector<1x16xf32> to vector<16xf32>
        %max3A_262 = arith.maximumf %max3A_256, %get3A_261 : vector<16xf32>
        %get3A_263 = arith.constant 23 : i32
        %get3A_264 = arith.index_cast %get3A_263 : i32 to index
        %get3A_265 = arith.index_cast %mul3A_117 : i32 to index
        %get3A_266 = tpu.vector_load %arg8[%get3A_264, %get3A_265] {strides = array<i32>} : memref<128x256xf32, #tpu.memory_space<vmem>>, vector<1x16xf32>,
        %get3A_267 = vector.shape_cast %get3A_266 : vector<1x16xf32> to vector<16xf32>
        %max3A_268 = arith.maximumf %max3A_262, %get3A_267 : vector<16xf32>
        %get3A_269 = arith.constant 24 : i32
        %get3A_270 = arith.index_cast %get3A_269 : i32 to index
        %get3A_271 = arith.index_cast %mul3A_117 : i32 to index
        %get3A_272 = tpu.vector_load %arg8[%get3A_270, %get3A_271] {strides = array<i32>} : memref<128x256xf32, #tpu.memory_space<vmem>>, vector<1x16xf32>,
        %get3A_273 = vector.shape_cast %get3A_272 : vector<1x16xf32> to vector<16xf32>
        %max3A_274 = arith.maximumf %max3A_268, %get3A_273 : vector<16xf32>
        %get3A_275 = arith.constant 25 : i32
        %get3A_276 = arith.index_cast %get3A_275 : i32 to index
        %get3A_277 = arith.index_cast %mul3A_117 : i32 to index
        %get3A_278 = tpu.vector_load %arg8[%get3A_276, %get3A_277] {strides = array<i32>} : memref<128x256xf32, #tpu.memory_space<vmem>>, vector<1x16xf32>,
        %get3A_279 = vector.shape_cast %get3A_278 : vector<1x16xf32> to vector<16xf32>
        %max3A_280 = arith.maximumf %max3A_274, %get3A_279 : vector<16xf32>
        %get3A_281 = arith.constant 26 : i32
        %get3A_282 = arith.index_cast %get3A_281 : i32 to index
        %get3A_283 = arith.index_cast %mul3A_117 : i32 to index
        %get3A_284 = tpu.vector_load %arg8[%get3A_282, %get3A_283] {strides = array<i32>} : memref<128x256xf32, #tpu.memory_space<vmem>>, vector<1x16xf32>,
        %get3A_285 = vector.shape_cast %get3A_284 : vector<1x16xf32> to vector<16xf32>
        %max3A_286 = arith.maximumf %max3A_280, %get3A_285 : vector<16xf32>
        %get3A_287 = arith.constant 27 : i32
        %get3A_288 = arith.index_cast %get3A_287 : i32 to index
        %get3A_289 = arith.index_cast %mul3A_117 : i32 to index
        %get3A_290 = tpu.vector_load %arg8[%get3A_288, %get3A_289] {strides = array<i32>} : memref<128x256xf32, #tpu.memory_space<vmem>>, vector<1x16xf32>,
        %get3A_291 = vector.shape_cast %get3A_290 : vector<1x16xf32> to vector<16xf32>
        %max3A_292 = arith.maximumf %max3A_286, %get3A_291 : vector<16xf32>
        %get3A_293 = arith.constant 28 : i32
        %get3A_294 = arith.index_cast %get3A_293 : i32 to index
        %get3A_295 = arith.index_cast %mul3A_117 : i32 to index
        %get3A_296 = tpu.vector_load %arg8[%get3A_294, %get3A_295] {strides = array<i32>} : memref<128x256xf32, #tpu.memory_space<vmem>>, vector<1x16xf32>,
        %get3A_297 = vector.shape_cast %get3A_296 : vector<1x16xf32> to vector<16xf32>
        %max3A_298 = arith.maximumf %max3A_292, %get3A_297 : vector<16xf32>
        %get3A_299 = arith.constant 29 : i32
        %get3A_300 = arith.index_cast %get3A_299 : i32 to index
        %get3A_301 = arith.index_cast %mul3A_117 : i32 to index
        %get3A_302 = tpu.vector_load %arg8[%get3A_300, %get3A_301] {strides = array<i32>} : memref<128x256xf32, #tpu.memory_space<vmem>>, vector<1x16xf32>,
        %get3A_303 = vector.shape_cast %get3A_302 : vector<1x16xf32> to vector<16xf32>
        %max3A_304 = arith.maximumf %max3A_298, %get3A_303 : vector<16xf32>
        %get3A_305 = arith.constant 30 : i32
        %get3A_306 = arith.index_cast %get3A_305 : i32 to index
        %get3A_307 = arith.index_cast %mul3A_117 : i32 to index
        %get3A_308 = tpu.vector_load %arg8[%get3A_306, %get3A_307] {strides = array<i32>} : memref<128x256xf32, #tpu.memory_space<vmem>>, vector<1x16xf32>,
        %get3A_309 = vector.shape_cast %get3A_308 : vector<1x16xf32> to vector<16xf32>
        %max3A_310 = arith.maximumf %max3A_304, %get3A_309 : vector<16xf32>
        %get3A_311 = arith.constant 31 : i32
        %get3A_312 = arith.index_cast %get3A_311 : i32 to index
        %get3A_313 = arith.index_cast %mul3A_117 : i32 to index
        %get3A_314 = tpu.vector_load %arg8[%get3A_312, %get3A_313] {strides = array<i32>} : memref<128x256xf32, #tpu.memory_space<vmem>>, vector<1x16xf32>,
        %get3A_315 = vector.shape_cast %get3A_314 : vector<1x16xf32> to vector<16xf32>
        %max3A_316 = arith.maximumf %max3A_310, %get3A_315 : vector<16xf32>
        %get3A_317 = arith.constant 1 : i32
        %get3A_318 = arith.index_cast %get3A_317 : i32 to index
        %get3A_319 = arith.index_cast %mul3A_117 : i32 to index
        %get3A_320 = tpu.vector_load %arg10[%get3A_318, %get3A_319] {strides = array<i32>} : memref<8x256xf32, #tpu.memory_space<vmem>>, vector<1x16xf32>,
        %get3A_321 = vector.shape_cast %get3A_320 : vector<1x16xf32> to vector<16xf32>
        %add3A_322 = arith.addf %get3A_321, %max3A_316 : vector<16xf32>
        %swap3A_323 = arith.constant 1 : i32
        %swap3A_324 = arith.index_cast %swap3A_323 : i32 to index
        %swap3A_325 = arith.index_cast %mul3A_117 : i32 to index
        %swap3A_326 = tpu.vector_load %arg12[%swap3A_324, %swap3A_325] {strides = array<i32>} : memref<8x256xf32, #tpu.memory_space<vmem>>, vector<1x16xf32>,
        %swap3A_327 = vector.shape_cast %swap3A_326 : vector<1x16xf32> to vector<16xf32>
        %swap3A_328 = vector.shape_cast %add3A_322 : vector<16xf32> to vector<1x16xf32>
        tpu.vector_store %arg12[%swap3A_324, %swap3A_325], %swap3A_328 {strides = array<i32>} : memref<8x256xf32, #tpu.memory_space<vmem>>, vector<1x16xf32>,
        %get3A_329 = arith.constant 32 : i32
        %get3A_330 = arith.index_cast %get3A_329 : i32 to index
        %get3A_331 = arith.index_cast %mul3A_117 : i32 to index
        %get3A_332 = tpu.vector_load %arg8[%get3A_330, %get3A_331] {strides = array<i32>} : memref<128x256xf32, #tpu.memory_space<vmem>>, vector<1x16xf32>,
        %get3A_333 = vector.shape_cast %get3A_332 : vector<1x16xf32> to vector<16xf32>
        %get3A_334 = arith.constant 33 : i32
        %get3A_335 = arith.index_cast %get3A_334 : i32 to index
        %get3A_336 = arith.index_cast %mul3A_117 : i32 to index
        %get3A_337 = tpu.vector_load %arg8[%get3A_335, %get3A_336] {strides = array<i32>} : memref<128x256xf32, #tpu.memory_space<vmem>>, vector<1x16xf32>,
        %get3A_338 = vector.shape_cast %get3A_337 : vector<1x16xf32> to vector<16xf32>
        %max3A_339 = arith.maximumf %get3A_333, %get3A_338 : vector<16xf32>
        %get3A_340 = arith.constant 34 : i32
        %get3A_341 = arith.index_cast %get3A_340 : i32 to index
        %get3A_342 = arith.index_cast %mul3A_117 : i32 to index
        %get3A_343 = tpu.vector_load %arg8[%get3A_341, %get3A_342] {strides = array<i32>} : memref<128x256xf32, #tpu.memory_space<vmem>>, vector<1x16xf32>,
        %get3A_344 = vector.shape_cast %get3A_343 : vector<1x16xf32> to vector<16xf32>
        %max3A_345 = arith.maximumf %max3A_339, %get3A_344 : vector<16xf32>
        %get3A_346 = arith.constant 35 : i32
        %get3A_347 = arith.index_cast %get3A_346 : i32 to index
        %get3A_348 = arith.index_cast %mul3A_117 : i32 to index
        %get3A_349 = tpu.vector_load %arg8[%get3A_347, %get3A_348] {strides = array<i32>} : memref<128x256xf32, #tpu.memory_space<vmem>>, vector<1x16xf32>,
        %get3A_350 = vector.shape_cast %get3A_349 : vector<1x16xf32> to vector<16xf32>
        %max3A_351 = arith.maximumf %max3A_345, %get3A_350 : vector<16xf32>
        %get3A_352 = arith.constant 36 : i32
        %get3A_353 = arith.index_cast %get3A_352 : i32 to index
        %get3A_354 = arith.index_cast %mul3A_117 : i32 to index
        %get3A_355 = tpu.vector_load %arg8[%get3A_353, %get3A_354] {strides = array<i32>} : memref<128x256xf32, #tpu.memory_space<vmem>>, vector<1x16xf32>,
        %get3A_356 = vector.shape_cast %get3A_355 : vector<1x16xf32> to vector<16xf32>
        %max3A_357 = arith.maximumf %max3A_351, %get3A_356 : vector<16xf32>
        %get3A_358 = arith.constant 37 : i32
        %get3A_359 = arith.index_cast %get3A_358 : i32 to index
        %get3A_360 = arith.index_cast %mul3A_117 : i32 to index
        %get3A_361 = tpu.vector_load %arg8[%get3A_359, %get3A_360] {strides = array<i32>} : memref<128x256xf32, #tpu.memory_space<vmem>>, vector<1x16xf32>,
        %get3A_362 = vector.shape_cast %get3A_361 : vector<1x16xf32> to vector<16xf32>
        %max3A_363 = arith.maximumf %max3A_357, %get3A_362 : vector<16xf32>
        %get3A_364 = arith.constant 38 : i32
        %get3A_365 = arith.index_cast %get3A_364 : i32 to index
        %get3A_366 = arith.index_cast %mul3A_117 : i32 to index
        %get3A_367 = tpu.vector_load %arg8[%get3A_365, %get3A_366] {strides = array<i32>} : memref<128x256xf32, #tpu.memory_space<vmem>>, vector<1x16xf32>,
        %get3A_368 = vector.shape_cast %get3A_367 : vector<1x16xf32> to vector<16xf32>
        %max3A_369 = arith.maximumf %max3A_363, %get3A_368 : vector<16xf32>
        %get3A_370 = arith.constant 39 : i32
        %get3A_371 = arith.index_cast %get3A_370 : i32 to index
        %get3A_372 = arith.index_cast %mul3A_117 : i32 to index
        %get3A_373 = tpu.vector_load %arg8[%get3A_371, %get3A_372] {strides = array<i32>} : memref<128x256xf32, #tpu.memory_space<vmem>>, vector<1x16xf32>,
        %get3A_374 = vector.shape_cast %get3A_373 : vector<1x16xf32> to vector<16xf32>
        %max3A_375 = arith.maximumf %max3A_369, %get3A_374 : vector<16xf32>
        %get3A_376 = arith.constant 40 : i32
        %get3A_377 = arith.index_cast %get3A_376 : i32 to index
        %get3A_378 = arith.index_cast %mul3A_117 : i32 to index
        %get3A_379 = tpu.vector_load %arg8[%get3A_377, %get3A_378] {strides = array<i32>} : memref<128x256xf32, #tpu.memory_space<vmem>>, vector<1x16xf32>,
        %get3A_380 = vector.shape_cast %get3A_379 : vector<1x16xf32> to vector<16xf32>
        %max3A_381 = arith.maximumf %max3A_375, %get3A_380 : vector<16xf32>
        %get3A_382 = arith.constant 41 : i32
        %get3A_383 = arith.index_cast %get3A_382 : i32 to index
        %get3A_384 = arith.index_cast %mul3A_117 : i32 to index
        %get3A_385 = tpu.vector_load %arg8[%get3A_383, %get3A_384] {strides = array<i32>} : memref<128x256xf32, #tpu.memory_space<vmem>>, vector<1x16xf32>,
        %get3A_386 = vector.shape_cast %get3A_385 : vector<1x16xf32> to vector<16xf32>
        %max3A_387 = arith.maximumf %max3A_381, %get3A_386 : vector<16xf32>
        %get3A_388 = arith.constant 42 : i32
        %get3A_389 = arith.index_cast %get3A_388 : i32 to index
        %get3A_390 = arith.index_cast %mul3A_117 : i32 to index
        %get3A_391 = tpu.vector_load %arg8[%get3A_389, %get3A_390] {strides = array<i32>} : memref<128x256xf32, #tpu.memory_space<vmem>>, vector<1x16xf32>,
        %get3A_392 = vector.shape_cast %get3A_391 : vector<1x16xf32> to vector<16xf32>
        %max3A_393 = arith.maximumf %max3A_387, %get3A_392 : vector<16xf32>
        %get3A_394 = arith.constant 43 : i32
        %get3A_395 = arith.index_cast %get3A_394 : i32 to index
        %get3A_396 = arith.index_cast %mul3A_117 : i32 to index
        %get3A_397 = tpu.vector_load %arg8[%get3A_395, %get3A_396] {strides = array<i32>} : memref<128x256xf32, #tpu.memory_space<vmem>>, vector<1x16xf32>,
        %get3A_398 = vector.shape_cast %get3A_397 : vector<1x16xf32> to vector<16xf32>
        %max3A_399 = arith.maximumf %max3A_393, %get3A_398 : vector<16xf32>
        %get3A_400 = arith.constant 44 : i32
        %get3A_401 = arith.index_cast %get3A_400 : i32 to index
        %get3A_402 = arith.index_cast %mul3A_117 : i32 to index
        %get3A_403 = tpu.vector_load %arg8[%get3A_401, %get3A_402] {strides = array<i32>} : memref<128x256xf32, #tpu.memory_space<vmem>>, vector<1x16xf32>,
        %get3A_404 = vector.shape_cast %get3A_403 : vector<1x16xf32> to vector<16xf32>
        %max3A_405 = arith.maximumf %max3A_399, %get3A_404 : vector<16xf32>
        %get3A_406 = arith.constant 45 : i32
        %get3A_407 = arith.index_cast %get3A_406 : i32 to index
        %get3A_408 = arith.index_cast %mul3A_117 : i32 to index
        %get3A_409 = tpu.vector_load %arg8[%get3A_407, %get3A_408] {strides = array<i32>} : memref<128x256xf32, #tpu.memory_space<vmem>>, vector<1x16xf32>,
        %get3A_410 = vector.shape_cast %get3A_409 : vector<1x16xf32> to vector<16xf32>
        %max3A_411 = arith.maximumf %max3A_405, %get3A_410 : vector<16xf32>
        %get3A_412 = arith.constant 46 : i32
        %get3A_413 = arith.index_cast %get3A_412 : i32 to index
        %get3A_414 = arith.index_cast %mul3A_117 : i32 to index
        %get3A_415 = tpu.vector_load %arg8[%get3A_413, %get3A_414] {strides = array<i32>} : memref<128x256xf32, #tpu.memory_space<vmem>>, vector<1x16xf32>,
        %get3A_416 = vector.shape_cast %get3A_415 : vector<1x16xf32> to vector<16xf32>
        %max3A_417 = arith.maximumf %max3A_411, %get3A_416 : vector<16xf32>
        %get3A_418 = arith.constant 47 : i32
        %get3A_419 = arith.index_cast %get3A_418 : i32 to index
        %get3A_420 = arith.index_cast %mul3A_117 : i32 to index
        %get3A_421 = tpu.vector_load %arg8[%get3A_419, %get3A_420] {strides = array<i32>} : memref<128x256xf32, #tpu.memory_space<vmem>>, vector<1x16xf32>,
        %get3A_422 = vector.shape_cast %get3A_421 : vector<1x16xf32> to vector<16xf32>
        %max3A_423 = arith.maximumf %max3A_417, %get3A_422 : vector<16xf32>
        %get3A_424 = arith.constant 2 : i32
        %get3A_425 = arith.index_cast %get3A_424 : i32 to index
        %get3A_426 = arith.index_cast %mul3A_117 : i32 to index
        %get3A_427 = tpu.vector_load %arg10[%get3A_425, %get3A_426] {strides = array<i32>} : memref<8x256xf32, #tpu.memory_space<vmem>>, vector<1x16xf32>,
        %get3A_428 = vector.shape_cast %get3A_427 : vector<1x16xf32> to vector<16xf32>
        %add3A_429 = arith.addf %get3A_428, %max3A_423 : vector<16xf32>
        %swap3A_430 = arith.constant 2 : i32
        %swap3A_431 = arith.index_cast %swap3A_430 : i32 to index
        %swap3A_432 = arith.index_cast %mul3A_117 : i32 to index
        %swap3A_433 = tpu.vector_load %arg12[%swap3A_431, %swap3A_432] {strides = array<i32>} : memref<8x256xf32, #tpu.memory_space<vmem>>, vector<1x16xf32>,
        %swap3A_434 = vector.shape_cast %swap3A_433 : vector<1x16xf32> to vector<16xf32>
        %swap3A_435 = vector.shape_cast %add3A_429 : vector<16xf32> to vector<1x16xf32>
        tpu.vector_store %arg12[%swap3A_431, %swap3A_432], %swap3A_435 {strides = array<i32>} : memref<8x256xf32, #tpu.memory_space<vmem>>, vector<1x16xf32>,
        %get3A_436 = arith.constant 48 : i32
        %get3A_437 = arith.index_cast %get3A_436 : i32 to index
        %get3A_438 = arith.index_cast %mul3A_117 : i32 to index
        %get3A_439 = tpu.vector_load %arg8[%get3A_437, %get3A_438] {strides = array<i32>} : memref<128x256xf32, #tpu.memory_space<vmem>>, vector<1x16xf32>,
        %get3A_440 = vector.shape_cast %get3A_439 : vector<1x16xf32> to vector<16xf32>
        %get3A_441 = arith.constant 49 : i32
        %get3A_442 = arith.index_cast %get3A_441 : i32 to index
        %get3A_443 = arith.index_cast %mul3A_117 : i32 to index
        %get3A_444 = tpu.vector_load %arg8[%get3A_442, %get3A_443] {strides = array<i32>} : memref<128x256xf32, #tpu.memory_space<vmem>>, vector<1x16xf32>,
        %get3A_445 = vector.shape_cast %get3A_444 : vector<1x16xf32> to vector<16xf32>
        %max3A_446 = arith.maximumf %get3A_440, %get3A_445 : vector<16xf32>
        %get3A_447 = arith.constant 50 : i32
        %get3A_448 = arith.index_cast %get3A_447 : i32 to index
        %get3A_449 = arith.index_cast %mul3A_117 : i32 to index
        %get3A_450 = tpu.vector_load %arg8[%get3A_448, %get3A_449] {strides = array<i32>} : memref<128x256xf32, #tpu.memory_space<vmem>>, vector<1x16xf32>,
        %get3A_451 = vector.shape_cast %get3A_450 : vector<1x16xf32> to vector<16xf32>
        %max3A_452 = arith.maximumf %max3A_446, %get3A_451 : vector<16xf32>
        %get3A_453 = arith.constant 51 : i32
        %get3A_454 = arith.index_cast %get3A_453 : i32 to index
        %get3A_455 = arith.index_cast %mul3A_117 : i32 to index
        %get3A_456 = tpu.vector_load %arg8[%get3A_454, %get3A_455] {strides = array<i32>} : memref<128x256xf32, #tpu.memory_space<vmem>>, vector<1x16xf32>,
        %get3A_457 = vector.shape_cast %get3A_456 : vector<1x16xf32> to vector<16xf32>
        %max3A_458 = arith.maximumf %max3A_452, %get3A_457 : vector<16xf32>
        %get3A_459 = arith.constant 52 : i32
        %get3A_460 = arith.index_cast %get3A_459 : i32 to index
        %get3A_461 = arith.index_cast %mul3A_117 : i32 to index
        %get3A_462 = tpu.vector_load %arg8[%get3A_460, %get3A_461] {strides = array<i32>} : memref<128x256xf32, #tpu.memory_space<vmem>>, vector<1x16xf32>,
        %get3A_463 = vector.shape_cast %get3A_462 : vector<1x16xf32> to vector<16xf32>
        %max3A_464 = arith.maximumf %max3A_458, %get3A_463 : vector<16xf32>
        %get3A_465 = arith.constant 53 : i32
        %get3A_466 = arith.index_cast %get3A_465 : i32 to index
        %get3A_467 = arith.index_cast %mul3A_117 : i32 to index
        %get3A_468 = tpu.vector_load %arg8[%get3A_466, %get3A_467] {strides = array<i32>} : memref<128x256xf32, #tpu.memory_space<vmem>>, vector<1x16xf32>,
        %get3A_469 = vector.shape_cast %get3A_468 : vector<1x16xf32> to vector<16xf32>
        %max3A_470 = arith.maximumf %max3A_464, %get3A_469 : vector<16xf32>
        %get3A_471 = arith.constant 54 : i32
        %get3A_472 = arith.index_cast %get3A_471 : i32 to index
        %get3A_473 = arith.index_cast %mul3A_117 : i32 to index
        %get3A_474 = tpu.vector_load %arg8[%get3A_472, %get3A_473] {strides = array<i32>} : memref<128x256xf32, #tpu.memory_space<vmem>>, vector<1x16xf32>,
        %get3A_475 = vector.shape_cast %get3A_474 : vector<1x16xf32> to vector<16xf32>
        %max3A_476 = arith.maximumf %max3A_470, %get3A_475 : vector<16xf32>
        %get3A_477 = arith.constant 55 : i32
        %get3A_478 = arith.index_cast %get3A_477 : i32 to index
        %get3A_479 = arith.index_cast %mul3A_117 : i32 to index
        %get3A_480 = tpu.vector_load %arg8[%get3A_478, %get3A_479] {strides = array<i32>} : memref<128x256xf32, #tpu.memory_space<vmem>>, vector<1x16xf32>,
        %get3A_481 = vector.shape_cast %get3A_480 : vector<1x16xf32> to vector<16xf32>
        %max3A_482 = arith.maximumf %max3A_476, %get3A_481 : vector<16xf32>
        %get3A_483 = arith.constant 56 : i32
        %get3A_484 = arith.index_cast %get3A_483 : i32 to index
        %get3A_485 = arith.index_cast %mul3A_117 : i32 to index
        %get3A_486 = tpu.vector_load %arg8[%get3A_484, %get3A_485] {strides = array<i32>} : memref<128x256xf32, #tpu.memory_space<vmem>>, vector<1x16xf32>,
        %get3A_487 = vector.shape_cast %get3A_486 : vector<1x16xf32> to vector<16xf32>
        %max3A_488 = arith.maximumf %max3A_482, %get3A_487 : vector<16xf32>
        %get3A_489 = arith.constant 57 : i32
        %get3A_490 = arith.index_cast %get3A_489 : i32 to index
        %get3A_491 = arith.index_cast %mul3A_117 : i32 to index
        %get3A_492 = tpu.vector_load %arg8[%get3A_490, %get3A_491] {strides = array<i32>} : memref<128x256xf32, #tpu.memory_space<vmem>>, vector<1x16xf32>,
        %get3A_493 = vector.shape_cast %get3A_492 : vector<1x16xf32> to vector<16xf32>
        %max3A_494 = arith.maximumf %max3A_488, %get3A_493 : vector<16xf32>
        %get3A_495 = arith.constant 58 : i32
        %get3A_496 = arith.index_cast %get3A_495 : i32 to index
        %get3A_497 = arith.index_cast %mul3A_117 : i32 to index
        %get3A_498 = tpu.vector_load %arg8[%get3A_496, %get3A_497] {strides = array<i32>} : memref<128x256xf32, #tpu.memory_space<vmem>>, vector<1x16xf32>,
        %get3A_499 = vector.shape_cast %get3A_498 : vector<1x16xf32> to vector<16xf32>
        %max3A_500 = arith.maximumf %max3A_494, %get3A_499 : vector<16xf32>
        %get3A_501 = arith.constant 59 : i32
        %get3A_502 = arith.index_cast %get3A_501 : i32 to index
        %get3A_503 = arith.index_cast %mul3A_117 : i32 to index
        %get3A_504 = tpu.vector_load %arg8[%get3A_502, %get3A_503] {strides = array<i32>} : memref<128x256xf32, #tpu.memory_space<vmem>>, vector<1x16xf32>,
        %get3A_505 = vector.shape_cast %get3A_504 : vector<1x16xf32> to vector<16xf32>
        %max3A_506 = arith.maximumf %max3A_500, %get3A_505 : vector<16xf32>
        %get3A_507 = arith.constant 60 : i32
        %get3A_508 = arith.index_cast %get3A_507 : i32 to index
        %get3A_509 = arith.index_cast %mul3A_117 : i32 to index
        %get3A_510 = tpu.vector_load %arg8[%get3A_508, %get3A_509] {strides = array<i32>} : memref<128x256xf32, #tpu.memory_space<vmem>>, vector<1x16xf32>,
        %get3A_511 = vector.shape_cast %get3A_510 : vector<1x16xf32> to vector<16xf32>
        %max3A_512 = arith.maximumf %max3A_506, %get3A_511 : vector<16xf32>
        %get3A_513 = arith.constant 61 : i32
        %get3A_514 = arith.index_cast %get3A_513 : i32 to index
        %get3A_515 = arith.index_cast %mul3A_117 : i32 to index
        %get3A_516 = tpu.vector_load %arg8[%get3A_514, %get3A_515] {strides = array<i32>} : memref<128x256xf32, #tpu.memory_space<vmem>>, vector<1x16xf32>,
        %get3A_517 = vector.shape_cast %get3A_516 : vector<1x16xf32> to vector<16xf32>
        %max3A_518 = arith.maximumf %max3A_512, %get3A_517 : vector<16xf32>
        %get3A_519 = arith.constant 62 : i32
        %get3A_520 = arith.index_cast %get3A_519 : i32 to index
        %get3A_521 = arith.index_cast %mul3A_117 : i32 to index
        %get3A_522 = tpu.vector_load %arg8[%get3A_520, %get3A_521] {strides = array<i32>} : memref<128x256xf32, #tpu.memory_space<vmem>>, vector<1x16xf32>,
        %get3A_523 = vector.shape_cast %get3A_522 : vector<1x16xf32> to vector<16xf32>
        %max3A_524 = arith.maximumf %max3A_518, %get3A_523 : vector<16xf32>
        %get3A_525 = arith.constant 63 : i32
        %get3A_526 = arith.index_cast %get3A_525 : i32 to index
        %get3A_527 = arith.index_cast %mul3A_117 : i32 to index
        %get3A_528 = tpu.vector_load %arg8[%get3A_526, %get3A_527] {strides = array<i32>} : memref<128x256xf32, #tpu.memory_space<vmem>>, vector<1x16xf32>,
        %get3A_529 = vector.shape_cast %get3A_528 : vector<1x16xf32> to vector<16xf32>
        %max3A_530 = arith.maximumf %max3A_524, %get3A_529 : vector<16xf32>
        %get3A_531 = arith.constant 3 : i32
        %get3A_532 = arith.index_cast %get3A_531 : i32 to index
        %get3A_533 = arith.index_cast %mul3A_117 : i32 to index
        %get3A_534 = tpu.vector_load %arg10[%get3A_532, %get3A_533] {strides = array<i32>} : memref<8x256xf32, #tpu.memory_space<vmem>>, vector<1x16xf32>,
        %get3A_535 = vector.shape_cast %get3A_534 : vector<1x16xf32> to vector<16xf32>
        %add3A_536 = arith.addf %get3A_535, %max3A_530 : vector<16xf32>
        %swap3A_537 = arith.constant 3 : i32
        %swap3A_538 = arith.index_cast %swap3A_537 : i32 to index
        %swap3A_539 = arith.index_cast %mul3A_117 : i32 to index
        %swap3A_540 = tpu.vector_load %arg12[%swap3A_538, %swap3A_539] {strides = array<i32>} : memref<8x256xf32, #tpu.memory_space<vmem>>, vector<1x16xf32>,
        %swap3A_541 = vector.shape_cast %swap3A_540 : vector<1x16xf32> to vector<16xf32>
        %swap3A_542 = vector.shape_cast %add3A_536 : vector<16xf32> to vector<1x16xf32>
        tpu.vector_store %arg12[%swap3A_538, %swap3A_539], %swap3A_542 {strides = array<i32>} : memref<8x256xf32, #tpu.memory_space<vmem>>, vector<1x16xf32>,
        %get3A_543 = arith.constant 64 : i32
        %get3A_544 = arith.index_cast %get3A_543 : i32 to index
        %get3A_545 = arith.index_cast %mul3A_117 : i32 to index
        %get3A_546 = tpu.vector_load %arg8[%get3A_544, %get3A_545] {strides = array<i32>} : memref<128x256xf32, #tpu.memory_space<vmem>>, vector<1x16xf32>,
        %get3A_547 = vector.shape_cast %get3A_546 : vector<1x16xf32> to vector<16xf32>
        %get3A_548 = arith.constant 65 : i32
        %get3A_549 = arith.index_cast %get3A_548 : i32 to index
        %get3A_550 = arith.index_cast %mul3A_117 : i32 to index
        %get3A_551 = tpu.vector_load %arg8[%get3A_549, %get3A_550] {strides = array<i32>} : memref<128x256xf32, #tpu.memory_space<vmem>>, vector<1x16xf32>,
        %get3A_552 = vector.shape_cast %get3A_551 : vector<1x16xf32> to vector<16xf32>
        %max3A_553 = arith.maximumf %get3A_547, %get3A_552 : vector<16xf32>
        %get3A_554 = arith.constant 66 : i32
        %get3A_555 = arith.index_cast %get3A_554 : i32 to index
        %get3A_556 = arith.index_cast %mul3A_117 : i32 to index
        %get3A_557 = tpu.vector_load %arg8[%get3A_555, %get3A_556] {strides = array<i32>} : memref<128x256xf32, #tpu.memory_space<vmem>>, vector<1x16xf32>,
        %get3A_558 = vector.shape_cast %get3A_557 : vector<1x16xf32> to vector<16xf32>
        %max3A_559 = arith.maximumf %max3A_553, %get3A_558 : vector<16xf32>
        %get3A_560 = arith.constant 67 : i32
        %get3A_561 = arith.index_cast %get3A_560 : i32 to index
        %get3A_562 = arith.index_cast %mul3A_117 : i32 to index
        %get3A_563 = tpu.vector_load %arg8[%get3A_561, %get3A_562] {strides = array<i32>} : memref<128x256xf32, #tpu.memory_space<vmem>>, vector<1x16xf32>,
        %get3A_564 = vector.shape_cast %get3A_563 : vector<1x16xf32> to vector<16xf32>
        %max3A_565 = arith.maximumf %max3A_559, %get3A_564 : vector<16xf32>
        %get3A_566 = arith.constant 68 : i32
        %get3A_567 = arith.index_cast %get3A_566 : i32 to index
        %get3A_568 = arith.index_cast %mul3A_117 : i32 to index
        %get3A_569 = tpu.vector_load %arg8[%get3A_567, %get3A_568] {strides = array<i32>} : memref<128x256xf32, #tpu.memory_space<vmem>>, vector<1x16xf32>,
        %get3A_570 = vector.shape_cast %get3A_569 : vector<1x16xf32> to vector<16xf32>
        %max3A_571 = arith.maximumf %max3A_565, %get3A_570 : vector<16xf32>
        %get3A_572 = arith.constant 69 : i32
        %get3A_573 = arith.index_cast %get3A_572 : i32 to index
        %get3A_574 = arith.index_cast %mul3A_117 : i32 to index
        %get3A_575 = tpu.vector_load %arg8[%get3A_573, %get3A_574] {strides = array<i32>} : memref<128x256xf32, #tpu.memory_space<vmem>>, vector<1x16xf32>,
        %get3A_576 = vector.shape_cast %get3A_575 : vector<1x16xf32> to vector<16xf32>
        %max3A_577 = arith.maximumf %max3A_571, %get3A_576 : vector<16xf32>
        %get3A_578 = arith.constant 70 : i32
        %get3A_579 = arith.index_cast %get3A_578 : i32 to index
        %get3A_580 = arith.index_cast %mul3A_117 : i32 to index
        %get3A_581 = tpu.vector_load %arg8[%get3A_579, %get3A_580] {strides = array<i32>} : memref<128x256xf32, #tpu.memory_space<vmem>>, vector<1x16xf32>,
        %get3A_582 = vector.shape_cast %get3A_581 : vector<1x16xf32> to vector<16xf32>
        %max3A_583 = arith.maximumf %max3A_577, %get3A_582 : vector<16xf32>
        %get3A_584 = arith.constant 71 : i32
        %get3A_585 = arith.index_cast %get3A_584 : i32 to index
        %get3A_586 = arith.index_cast %mul3A_117 : i32 to index
        %get3A_587 = tpu.vector_load %arg8[%get3A_585, %get3A_586] {strides = array<i32>} : memref<128x256xf32, #tpu.memory_space<vmem>>, vector<1x16xf32>,
        %get3A_588 = vector.shape_cast %get3A_587 : vector<1x16xf32> to vector<16xf32>
        %max3A_589 = arith.maximumf %max3A_583, %get3A_588 : vector<16xf32>
        %get3A_590 = arith.constant 72 : i32
        %get3A_591 = arith.index_cast %get3A_590 : i32 to index
        %get3A_592 = arith.index_cast %mul3A_117 : i32 to index
        %get3A_593 = tpu.vector_load %arg8[%get3A_591, %get3A_592] {strides = array<i32>} : memref<128x256xf32, #tpu.memory_space<vmem>>, vector<1x16xf32>,
        %get3A_594 = vector.shape_cast %get3A_593 : vector<1x16xf32> to vector<16xf32>
        %max3A_595 = arith.maximumf %max3A_589, %get3A_594 : vector<16xf32>
        %get3A_596 = arith.constant 73 : i32
        %get3A_597 = arith.index_cast %get3A_596 : i32 to index
        %get3A_598 = arith.index_cast %mul3A_117 : i32 to index
        %get3A_599 = tpu.vector_load %arg8[%get3A_597, %get3A_598] {strides = array<i32>} : memref<128x256xf32, #tpu.memory_space<vmem>>, vector<1x16xf32>,
        %get3A_600 = vector.shape_cast %get3A_599 : vector<1x16xf32> to vector<16xf32>
        %max3A_601 = arith.maximumf %max3A_595, %get3A_600 : vector<16xf32>
        %get3A_602 = arith.constant 74 : i32
        %get3A_603 = arith.index_cast %get3A_602 : i32 to index
        %get3A_604 = arith.index_cast %mul3A_117 : i32 to index
        %get3A_605 = tpu.vector_load %arg8[%get3A_603, %get3A_604] {strides = array<i32>} : memref<128x256xf32, #tpu.memory_space<vmem>>, vector<1x16xf32>,
        %get3A_606 = vector.shape_cast %get3A_605 : vector<1x16xf32> to vector<16xf32>
        %max3A_607 = arith.maximumf %max3A_601, %get3A_606 : vector<16xf32>
        %get3A_608 = arith.constant 75 : i32
        %get3A_609 = arith.index_cast %get3A_608 : i32 to index
        %get3A_610 = arith.index_cast %mul3A_117 : i32 to index
        %get3A_611 = tpu.vector_load %arg8[%get3A_609, %get3A_610] {strides = array<i32>} : memref<128x256xf32, #tpu.memory_space<vmem>>, vector<1x16xf32>,
        %get3A_612 = vector.shape_cast %get3A_611 : vector<1x16xf32> to vector<16xf32>
        %max3A_613 = arith.maximumf %max3A_607, %get3A_612 : vector<16xf32>
        %get3A_614 = arith.constant 76 : i32
        %get3A_615 = arith.index_cast %get3A_614 : i32 to index
        %get3A_616 = arith.index_cast %mul3A_117 : i32 to index
        %get3A_617 = tpu.vector_load %arg8[%get3A_615, %get3A_616] {strides = array<i32>} : memref<128x256xf32, #tpu.memory_space<vmem>>, vector<1x16xf32>,
        %get3A_618 = vector.shape_cast %get3A_617 : vector<1x16xf32> to vector<16xf32>
        %max3A_619 = arith.maximumf %max3A_613, %get3A_618 : vector<16xf32>
        %get3A_620 = arith.constant 77 : i32
        %get3A_621 = arith.index_cast %get3A_620 : i32 to index
        %get3A_622 = arith.index_cast %mul3A_117 : i32 to index
        %get3A_623 = tpu.vector_load %arg8[%get3A_621, %get3A_622] {strides = array<i32>} : memref<128x256xf32, #tpu.memory_space<vmem>>, vector<1x16xf32>,
        %get3A_624 = vector.shape_cast %get3A_623 : vector<1x16xf32> to vector<16xf32>
        %max3A_625 = arith.maximumf %max3A_619, %get3A_624 : vector<16xf32>
        %get3A_626 = arith.constant 78 : i32
        %get3A_627 = arith.index_cast %get3A_626 : i32 to index
        %get3A_628 = arith.index_cast %mul3A_117 : i32 to index
        %get3A_629 = tpu.vector_load %arg8[%get3A_627, %get3A_628] {strides = array<i32>} : memref<128x256xf32, #tpu.memory_space<vmem>>, vector<1x16xf32>,
        %get3A_630 = vector.shape_cast %get3A_629 : vector<1x16xf32> to vector<16xf32>
        %max3A_631 = arith.maximumf %max3A_625, %get3A_630 : vector<16xf32>
        %get3A_632 = arith.constant 79 : i32
        %get3A_633 = arith.index_cast %get3A_632 : i32 to index
        %get3A_634 = arith.index_cast %mul3A_117 : i32 to index
        %get3A_635 = tpu.vector_load %arg8[%get3A_633, %get3A_634] {strides = array<i32>} : memref<128x256xf32, #tpu.memory_space<vmem>>, vector<1x16xf32>,
        %get3A_636 = vector.shape_cast %get3A_635 : vector<1x16xf32> to vector<16xf32>
        %max3A_637 = arith.maximumf %max3A_631, %get3A_636 : vector<16xf32>
        %get3A_638 = arith.constant 4 : i32
        %get3A_639 = arith.index_cast %get3A_638 : i32 to index
        %get3A_640 = arith.index_cast %mul3A_117 : i32 to index
        %get3A_641 = tpu.vector_load %arg10[%get3A_639, %get3A_640] {strides = array<i32>} : memref<8x256xf32, #tpu.memory_space<vmem>>, vector<1x16xf32>,
        %get3A_642 = vector.shape_cast %get3A_641 : vector<1x16xf32> to vector<16xf32>
        %add3A_643 = arith.addf %get3A_642, %max3A_637 : vector<16xf32>
        %swap3A_644 = arith.constant 4 : i32
        %swap3A_645 = arith.index_cast %swap3A_644 : i32 to index
        %swap3A_646 = arith.index_cast %mul3A_117 : i32 to index
        %swap3A_647 = tpu.vector_load %arg12[%swap3A_645, %swap3A_646] {strides = array<i32>} : memref<8x256xf32, #tpu.memory_space<vmem>>, vector<1x16xf32>,
        %swap3A_648 = vector.shape_cast %swap3A_647 : vector<1x16xf32> to vector<16xf32>
        %swap3A_649 = vector.shape_cast %add3A_643 : vector<16xf32> to vector<1x16xf32>
        tpu.vector_store %arg12[%swap3A_645, %swap3A_646], %swap3A_649 {strides = array<i32>} : memref<8x256xf32, #tpu.memory_space<vmem>>, vector<1x16xf32>,
        %get3A_650 = arith.constant 80 : i32
        %get3A_651 = arith.index_cast %get3A_650 : i32 to index
        %get3A_652 = arith.index_cast %mul3A_117 : i32 to index
        %get3A_653 = tpu.vector_load %arg8[%get3A_651, %get3A_652] {strides = array<i32>} : memref<128x256xf32, #tpu.memory_space<vmem>>, vector<1x16xf32>,
        %get3A_654 = vector.shape_cast %get3A_653 : vector<1x16xf32> to vector<16xf32>
        %get3A_655 = arith.constant 81 : i32
        %get3A_656 = arith.index_cast %get3A_655 : i32 to index
        %get3A_657 = arith.index_cast %mul3A_117 : i32 to index
        %get3A_658 = tpu.vector_load %arg8[%get3A_656, %get3A_657] {strides = array<i32>} : memref<128x256xf32, #tpu.memory_space<vmem>>, vector<1x16xf32>,
        %get3A_659 = vector.shape_cast %get3A_658 : vector<1x16xf32> to vector<16xf32>
        %max3A_660 = arith.maximumf %get3A_654, %get3A_659 : vector<16xf32>
        %get3A_661 = arith.constant 82 : i32
        %get3A_662 = arith.index_cast %get3A_661 : i32 to index
        %get3A_663 = arith.index_cast %mul3A_117 : i32 to index
        %get3A_664 = tpu.vector_load %arg8[%get3A_662, %get3A_663] {strides = array<i32>} : memref<128x256xf32, #tpu.memory_space<vmem>>, vector<1x16xf32>,
        %get3A_665 = vector.shape_cast %get3A_664 : vector<1x16xf32> to vector<16xf32>
        %max3A_666 = arith.maximumf %max3A_660, %get3A_665 : vector<16xf32>
        %get3A_667 = arith.constant 83 : i32
        %get3A_668 = arith.index_cast %get3A_667 : i32 to index
        %get3A_669 = arith.index_cast %mul3A_117 : i32 to index
        %get3A_670 = tpu.vector_load %arg8[%get3A_668, %get3A_669] {strides = array<i32>} : memref<128x256xf32, #tpu.memory_space<vmem>>, vector<1x16xf32>,
        %get3A_671 = vector.shape_cast %get3A_670 : vector<1x16xf32> to vector<16xf32>
        %max3A_672 = arith.maximumf %max3A_666, %get3A_671 : vector<16xf32>
        %get3A_673 = arith.constant 84 : i32
        %get3A_674 = arith.index_cast %get3A_673 : i32 to index
        %get3A_675 = arith.index_cast %mul3A_117 : i32 to index
        %get3A_676 = tpu.vector_load %arg8[%get3A_674, %get3A_675] {strides = array<i32>} : memref<128x256xf32, #tpu.memory_space<vmem>>, vector<1x16xf32>,
        %get3A_677 = vector.shape_cast %get3A_676 : vector<1x16xf32> to vector<16xf32>
        %max3A_678 = arith.maximumf %max3A_672, %get3A_677 : vector<16xf32>
        %get3A_679 = arith.constant 85 : i32
        %get3A_680 = arith.index_cast %get3A_679 : i32 to index
        %get3A_681 = arith.index_cast %mul3A_117 : i32 to index
        %get3A_682 = tpu.vector_load %arg8[%get3A_680, %get3A_681] {strides = array<i32>} : memref<128x256xf32, #tpu.memory_space<vmem>>, vector<1x16xf32>,
        %get3A_683 = vector.shape_cast %get3A_682 : vector<1x16xf32> to vector<16xf32>
        %max3A_684 = arith.maximumf %max3A_678, %get3A_683 : vector<16xf32>
        %get3A_685 = arith.constant 86 : i32
        %get3A_686 = arith.index_cast %get3A_685 : i32 to index
        %get3A_687 = arith.index_cast %mul3A_117 : i32 to index
        %get3A_688 = tpu.vector_load %arg8[%get3A_686, %get3A_687] {strides = array<i32>} : memref<128x256xf32, #tpu.memory_space<vmem>>, vector<1x16xf32>,
        %get3A_689 = vector.shape_cast %get3A_688 : vector<1x16xf32> to vector<16xf32>
        %max3A_690 = arith.maximumf %max3A_684, %get3A_689 : vector<16xf32>
        %get3A_691 = arith.constant 87 : i32
        %get3A_692 = arith.index_cast %get3A_691 : i32 to index
        %get3A_693 = arith.index_cast %mul3A_117 : i32 to index
        %get3A_694 = tpu.vector_load %arg8[%get3A_692, %get3A_693] {strides = array<i32>} : memref<128x256xf32, #tpu.memory_space<vmem>>, vector<1x16xf32>,
        %get3A_695 = vector.shape_cast %get3A_694 : vector<1x16xf32> to vector<16xf32>
        %max3A_696 = arith.maximumf %max3A_690, %get3A_695 : vector<16xf32>
        %get3A_697 = arith.constant 88 : i32
        %get3A_698 = arith.index_cast %get3A_697 : i32 to index
        %get3A_699 = arith.index_cast %mul3A_117 : i32 to index
        %get3A_700 = tpu.vector_load %arg8[%get3A_698, %get3A_699] {strides = array<i32>} : memref<128x256xf32, #tpu.memory_space<vmem>>, vector<1x16xf32>,
        %get3A_701 = vector.shape_cast %get3A_700 : vector<1x16xf32> to vector<16xf32>
        %max3A_702 = arith.maximumf %max3A_696, %get3A_701 : vector<16xf32>
        %get3A_703 = arith.constant 89 : i32
        %get3A_704 = arith.index_cast %get3A_703 : i32 to index
        %get3A_705 = arith.index_cast %mul3A_117 : i32 to index
        %get3A_706 = tpu.vector_load %arg8[%get3A_704, %get3A_705] {strides = array<i32>} : memref<128x256xf32, #tpu.memory_space<vmem>>, vector<1x16xf32>,
        %get3A_707 = vector.shape_cast %get3A_706 : vector<1x16xf32> to vector<16xf32>
        %max3A_708 = arith.maximumf %max3A_702, %get3A_707 : vector<16xf32>
        %get3A_709 = arith.constant 90 : i32
        %get3A_710 = arith.index_cast %get3A_709 : i32 to index
        %get3A_711 = arith.index_cast %mul3A_117 : i32 to index
        %get3A_712 = tpu.vector_load %arg8[%get3A_710, %get3A_711] {strides = array<i32>} : memref<128x256xf32, #tpu.memory_space<vmem>>, vector<1x16xf32>,
        %get3A_713 = vector.shape_cast %get3A_712 : vector<1x16xf32> to vector<16xf32>
        %max3A_714 = arith.maximumf %max3A_708, %get3A_713 : vector<16xf32>
        %get3A_715 = arith.constant 91 : i32
        %get3A_716 = arith.index_cast %get3A_715 : i32 to index
        %get3A_717 = arith.index_cast %mul3A_117 : i32 to index
        %get3A_718 = tpu.vector_load %arg8[%get3A_716, %get3A_717] {strides = array<i32>} : memref<128x256xf32, #tpu.memory_space<vmem>>, vector<1x16xf32>,
        %get3A_719 = vector.shape_cast %get3A_718 : vector<1x16xf32> to vector<16xf32>
        %max3A_720 = arith.maximumf %max3A_714, %get3A_719 : vector<16xf32>
        %get3A_721 = arith.constant 92 : i32
        %get3A_722 = arith.index_cast %get3A_721 : i32 to index
        %get3A_723 = arith.index_cast %mul3A_117 : i32 to index
        %get3A_724 = tpu.vector_load %arg8[%get3A_722, %get3A_723] {strides = array<i32>} : memref<128x256xf32, #tpu.memory_space<vmem>>, vector<1x16xf32>,
        %get3A_725 = vector.shape_cast %get3A_724 : vector<1x16xf32> to vector<16xf32>
        %max3A_726 = arith.maximumf %max3A_720, %get3A_725 : vector<16xf32>
        %get3A_727 = arith.constant 93 : i32
        %get3A_728 = arith.index_cast %get3A_727 : i32 to index
        %get3A_729 = arith.index_cast %mul3A_117 : i32 to index
        %get3A_730 = tpu.vector_load %arg8[%get3A_728, %get3A_729] {strides = array<i32>} : memref<128x256xf32, #tpu.memory_space<vmem>>, vector<1x16xf32>,
        %get3A_731 = vector.shape_cast %get3A_730 : vector<1x16xf32> to vector<16xf32>
        %max3A_732 = arith.maximumf %max3A_726, %get3A_731 : vector<16xf32>
        %get3A_733 = arith.constant 94 : i32
        %get3A_734 = arith.index_cast %get3A_733 : i32 to index
        %get3A_735 = arith.index_cast %mul3A_117 : i32 to index
        %get3A_736 = tpu.vector_load %arg8[%get3A_734, %get3A_735] {strides = array<i32>} : memref<128x256xf32, #tpu.memory_space<vmem>>, vector<1x16xf32>,
        %get3A_737 = vector.shape_cast %get3A_736 : vector<1x16xf32> to vector<16xf32>
        %max3A_738 = arith.maximumf %max3A_732, %get3A_737 : vector<16xf32>
        %get3A_739 = arith.constant 95 : i32
        %get3A_740 = arith.index_cast %get3A_739 : i32 to index
        %get3A_741 = arith.index_cast %mul3A_117 : i32 to index
        %get3A_742 = tpu.vector_load %arg8[%get3A_740, %get3A_741] {strides = array<i32>} : memref<128x256xf32, #tpu.memory_space<vmem>>, vector<1x16xf32>,
        %get3A_743 = vector.shape_cast %get3A_742 : vector<1x16xf32> to vector<16xf32>
        %max3A_744 = arith.maximumf %max3A_738, %get3A_743 : vector<16xf32>
        %get3A_745 = arith.constant 5 : i32
        %get3A_746 = arith.index_cast %get3A_745 : i32 to index
        %get3A_747 = arith.index_cast %mul3A_117 : i32 to index
        %get3A_748 = tpu.vector_load %arg10[%get3A_746, %get3A_747] {strides = array<i32>} : memref<8x256xf32, #tpu.memory_space<vmem>>, vector<1x16xf32>,
        %get3A_749 = vector.shape_cast %get3A_748 : vector<1x16xf32> to vector<16xf32>
        %add3A_750 = arith.addf %get3A_749, %max3A_744 : vector<16xf32>
        %swap3A_751 = arith.constant 5 : i32
        %swap3A_752 = arith.index_cast %swap3A_751 : i32 to index
        %swap3A_753 = arith.index_cast %mul3A_117 : i32 to index
        %swap3A_754 = tpu.vector_load %arg12[%swap3A_752, %swap3A_753] {strides = array<i32>} : memref<8x256xf32, #tpu.memory_space<vmem>>, vector<1x16xf32>,
        %swap3A_755 = vector.shape_cast %swap3A_754 : vector<1x16xf32> to vector<16xf32>
        %swap3A_756 = vector.shape_cast %add3A_750 : vector<16xf32> to vector<1x16xf32>
        tpu.vector_store %arg12[%swap3A_752, %swap3A_753], %swap3A_756 {strides = array<i32>} : memref<8x256xf32, #tpu.memory_space<vmem>>, vector<1x16xf32>,
        %get3A_757 = arith.constant 96 : i32
        %get3A_758 = arith.index_cast %get3A_757 : i32 to index
        %get3A_759 = arith.index_cast %mul3A_117 : i32 to index
        %get3A_760 = tpu.vector_load %arg8[%get3A_758, %get3A_759] {strides = array<i32>} : memref<128x256xf32, #tpu.memory_space<vmem>>, vector<1x16xf32>,
        %get3A_761 = vector.shape_cast %get3A_760 : vector<1x16xf32> to vector<16xf32>
        %get3A_762 = arith.constant 97 : i32
        %get3A_763 = arith.index_cast %get3A_762 : i32 to index
        %get3A_764 = arith.index_cast %mul3A_117 : i32 to index
        %get3A_765 = tpu.vector_load %arg8[%get3A_763, %get3A_764] {strides = array<i32>} : memref<128x256xf32, #tpu.memory_space<vmem>>, vector<1x16xf32>,
        %get3A_766 = vector.shape_cast %get3A_765 : vector<1x16xf32> to vector<16xf32>
        %max3A_767 = arith.maximumf %get3A_761, %get3A_766 : vector<16xf32>
        %get3A_768 = arith.constant 98 : i32
        %get3A_769 = arith.index_cast %get3A_768 : i32 to index
        %get3A_770 = arith.index_cast %mul3A_117 : i32 to index
        %get3A_771 = tpu.vector_load %arg8[%get3A_769, %get3A_770] {strides = array<i32>} : memref<128x256xf32, #tpu.memory_space<vmem>>, vector<1x16xf32>,
        %get3A_772 = vector.shape_cast %get3A_771 : vector<1x16xf32> to vector<16xf32>
        %max3A_773 = arith.maximumf %max3A_767, %get3A_772 : vector<16xf32>
        %get3A_774 = arith.constant 99 : i32
        %get3A_775 = arith.index_cast %get3A_774 : i32 to index
        %get3A_776 = arith.index_cast %mul3A_117 : i32 to index
        %get3A_777 = tpu.vector_load %arg8[%get3A_775, %get3A_776] {strides = array<i32>} : memref<128x256xf32, #tpu.memory_space<vmem>>, vector<1x16xf32>,
        %get3A_778 = vector.shape_cast %get3A_777 : vector<1x16xf32> to vector<16xf32>
        %max3A_779 = arith.maximumf %max3A_773, %get3A_778 : vector<16xf32>
        %get3A_780 = arith.constant 100 : i32
        %get3A_781 = arith.index_cast %get3A_780 : i32 to index
        %get3A_782 = arith.index_cast %mul3A_117 : i32 to index
        %get3A_783 = tpu.vector_load %arg8[%get3A_781, %get3A_782] {strides = array<i32>} : memref<128x256xf32, #tpu.memory_space<vmem>>, vector<1x16xf32>,
        %get3A_784 = vector.shape_cast %get3A_783 : vector<1x16xf32> to vector<16xf32>
        %max3A_785 = arith.maximumf %max3A_779, %get3A_784 : vector<16xf32>
        %get3A_786 = arith.constant 101 : i32
        %get3A_787 = arith.index_cast %get3A_786 : i32 to index
        %get3A_788 = arith.index_cast %mul3A_117 : i32 to index
        %get3A_789 = tpu.vector_load %arg8[%get3A_787, %get3A_788] {strides = array<i32>} : memref<128x256xf32, #tpu.memory_space<vmem>>, vector<1x16xf32>,
        %get3A_790 = vector.shape_cast %get3A_789 : vector<1x16xf32> to vector<16xf32>
        %max3A_791 = arith.maximumf %max3A_785, %get3A_790 : vector<16xf32>
        %get3A_792 = arith.constant 102 : i32
        %get3A_793 = arith.index_cast %get3A_792 : i32 to index
        %get3A_794 = arith.index_cast %mul3A_117 : i32 to index
        %get3A_795 = tpu.vector_load %arg8[%get3A_793, %get3A_794] {strides = array<i32>} : memref<128x256xf32, #tpu.memory_space<vmem>>, vector<1x16xf32>,
        %get3A_796 = vector.shape_cast %get3A_795 : vector<1x16xf32> to vector<16xf32>
        %max3A_797 = arith.maximumf %max3A_791, %get3A_796 : vector<16xf32>
        %get3A_798 = arith.constant 103 : i32
        %get3A_799 = arith.index_cast %get3A_798 : i32 to index
        %get3A_800 = arith.index_cast %mul3A_117 : i32 to index
        %get3A_801 = tpu.vector_load %arg8[%get3A_799, %get3A_800] {strides = array<i32>} : memref<128x256xf32, #tpu.memory_space<vmem>>, vector<1x16xf32>,
        %get3A_802 = vector.shape_cast %get3A_801 : vector<1x16xf32> to vector<16xf32>
        %max3A_803 = arith.maximumf %max3A_797, %get3A_802 : vector<16xf32>
        %get3A_804 = arith.constant 104 : i32
        %get3A_805 = arith.index_cast %get3A_804 : i32 to index
        %get3A_806 = arith.index_cast %mul3A_117 : i32 to index
        %get3A_807 = tpu.vector_load %arg8[%get3A_805, %get3A_806] {strides = array<i32>} : memref<128x256xf32, #tpu.memory_space<vmem>>, vector<1x16xf32>,
        %get3A_808 = vector.shape_cast %get3A_807 : vector<1x16xf32> to vector<16xf32>
        %max3A_809 = arith.maximumf %max3A_803, %get3A_808 : vector<16xf32>
        %get3A_810 = arith.constant 105 : i32
        %get3A_811 = arith.index_cast %get3A_810 : i32 to index
        %get3A_812 = arith.index_cast %mul3A_117 : i32 to index
        %get3A_813 = tpu.vector_load %arg8[%get3A_811, %get3A_812] {strides = array<i32>} : memref<128x256xf32, #tpu.memory_space<vmem>>, vector<1x16xf32>,
        %get3A_814 = vector.shape_cast %get3A_813 : vector<1x16xf32> to vector<16xf32>
        %max3A_815 = arith.maximumf %max3A_809, %get3A_814 : vector<16xf32>
        %get3A_816 = arith.constant 106 : i32
        %get3A_817 = arith.index_cast %get3A_816 : i32 to index
        %get3A_818 = arith.index_cast %mul3A_117 : i32 to index
        %get3A_819 = tpu.vector_load %arg8[%get3A_817, %get3A_818] {strides = array<i32>} : memref<128x256xf32, #tpu.memory_space<vmem>>, vector<1x16xf32>,
        %get3A_820 = vector.shape_cast %get3A_819 : vector<1x16xf32> to vector<16xf32>
        %max3A_821 = arith.maximumf %max3A_815, %get3A_820 : vector<16xf32>
        %get3A_822 = arith.constant 107 : i32
        %get3A_823 = arith.index_cast %get3A_822 : i32 to index
        %get3A_824 = arith.index_cast %mul3A_117 : i32 to index
        %get3A_825 = tpu.vector_load %arg8[%get3A_823, %get3A_824] {strides = array<i32>} : memref<128x256xf32, #tpu.memory_space<vmem>>, vector<1x16xf32>,
        %get3A_826 = vector.shape_cast %get3A_825 : vector<1x16xf32> to vector<16xf32>
        %max3A_827 = arith.maximumf %max3A_821, %get3A_826 : vector<16xf32>
        %get3A_828 = arith.constant 108 : i32
        %get3A_829 = arith.index_cast %get3A_828 : i32 to index
        %get3A_830 = arith.index_cast %mul3A_117 : i32 to index
        %get3A_831 = tpu.vector_load %arg8[%get3A_829, %get3A_830] {strides = array<i32>} : memref<128x256xf32, #tpu.memory_space<vmem>>, vector<1x16xf32>,
        %get3A_832 = vector.shape_cast %get3A_831 : vector<1x16xf32> to vector<16xf32>
        %max3A_833 = arith.maximumf %max3A_827, %get3A_832 : vector<16xf32>
        %get3A_834 = arith.constant 109 : i32
        %get3A_835 = arith.index_cast %get3A_834 : i32 to index
        %get3A_836 = arith.index_cast %mul3A_117 : i32 to index
        %get3A_837 = tpu.vector_load %arg8[%get3A_835, %get3A_836] {strides = array<i32>} : memref<128x256xf32, #tpu.memory_space<vmem>>, vector<1x16xf32>,
        %get3A_838 = vector.shape_cast %get3A_837 : vector<1x16xf32> to vector<16xf32>
        %max3A_839 = arith.maximumf %max3A_833, %get3A_838 : vector<16xf32>
        %get3A_840 = arith.constant 110 : i32
        %get3A_841 = arith.index_cast %get3A_840 : i32 to index
        %get3A_842 = arith.index_cast %mul3A_117 : i32 to index
        %get3A_843 = tpu.vector_load %arg8[%get3A_841, %get3A_842] {strides = array<i32>} : memref<128x256xf32, #tpu.memory_space<vmem>>, vector<1x16xf32>,
        %get3A_844 = vector.shape_cast %get3A_843 : vector<1x16xf32> to vector<16xf32>
        %max3A_845 = arith.maximumf %max3A_839, %get3A_844 : vector<16xf32>
        %get3A_846 = arith.constant 111 : i32
        %get3A_847 = arith.index_cast %get3A_846 : i32 to index
        %get3A_848 = arith.index_cast %mul3A_117 : i32 to index
        %get3A_849 = tpu.vector_load %arg8[%get3A_847, %get3A_848] {strides = array<i32>} : memref<128x256xf32, #tpu.memory_space<vmem>>, vector<1x16xf32>,
        %get3A_850 = vector.shape_cast %get3A_849 : vector<1x16xf32> to vector<16xf32>
        %max3A_851 = arith.maximumf %max3A_845, %get3A_850 : vector<16xf32>
        %get3A_852 = arith.constant 6 : i32
        %get3A_853 = arith.index_cast %get3A_852 : i32 to index
        %get3A_854 = arith.index_cast %mul3A_117 : i32 to index
        %get3A_855 = tpu.vector_load %arg10[%get3A_853, %get3A_854] {strides = array<i32>} : memref<8x256xf32, #tpu.memory_space<vmem>>, vector<1x16xf32>,
        %get3A_856 = vector.shape_cast %get3A_855 : vector<1x16xf32> to vector<16xf32>
        %add3A_857 = arith.addf %get3A_856, %max3A_851 : vector<16xf32>
        %swap3A_858 = arith.constant 6 : i32
        %swap3A_859 = arith.index_cast %swap3A_858 : i32 to index
        %swap3A_860 = arith.index_cast %mul3A_117 : i32 to index
        %swap3A_861 = tpu.vector_load %arg12[%swap3A_859, %swap3A_860] {strides = array<i32>} : memref<8x256xf32, #tpu.memory_space<vmem>>, vector<1x16xf32>,
        %swap3A_862 = vector.shape_cast %swap3A_861 : vector<1x16xf32> to vector<16xf32>
        %swap3A_863 = vector.shape_cast %add3A_857 : vector<16xf32> to vector<1x16xf32>
        tpu.vector_store %arg12[%swap3A_859, %swap3A_860], %swap3A_863 {strides = array<i32>} : memref<8x256xf32, #tpu.memory_space<vmem>>, vector<1x16xf32>,
        %get3A_864 = arith.constant 112 : i32
        %get3A_865 = arith.index_cast %get3A_864 : i32 to index
        %get3A_866 = arith.index_cast %mul3A_117 : i32 to index
        %get3A_867 = tpu.vector_load %arg8[%get3A_865, %get3A_866] {strides = array<i32>} : memref<128x256xf32, #tpu.memory_space<vmem>>, vector<1x16xf32>,
        %get3A_868 = vector.shape_cast %get3A_867 : vector<1x16xf32> to vector<16xf32>
        %get3A_869 = arith.constant 113 : i32
        %get3A_870 = arith.index_cast %get3A_869 : i32 to index
        %get3A_871 = arith.index_cast %mul3A_117 : i32 to index
        %get3A_872 = tpu.vector_load %arg8[%get3A_870, %get3A_871] {strides = array<i32>} : memref<128x256xf32, #tpu.memory_space<vmem>>, vector<1x16xf32>,
        %get3A_873 = vector.shape_cast %get3A_872 : vector<1x16xf32> to vector<16xf32>
        %max3A_874 = arith.maximumf %get3A_868, %get3A_873 : vector<16xf32>
        %get3A_875 = arith.constant 114 : i32
        %get3A_876 = arith.index_cast %get3A_875 : i32 to index
        %get3A_877 = arith.index_cast %mul3A_117 : i32 to index
        %get3A_878 = tpu.vector_load %arg8[%get3A_876, %get3A_877] {strides = array<i32>} : memref<128x256xf32, #tpu.memory_space<vmem>>, vector<1x16xf32>,
        %get3A_879 = vector.shape_cast %get3A_878 : vector<1x16xf32> to vector<16xf32>
        %max3A_880 = arith.maximumf %max3A_874, %get3A_879 : vector<16xf32>
        %get3A_881 = arith.constant 115 : i32
        %get3A_882 = arith.index_cast %get3A_881 : i32 to index
        %get3A_883 = arith.index_cast %mul3A_117 : i32 to index
        %get3A_884 = tpu.vector_load %arg8[%get3A_882, %get3A_883] {strides = array<i32>} : memref<128x256xf32, #tpu.memory_space<vmem>>, vector<1x16xf32>,
        %get3A_885 = vector.shape_cast %get3A_884 : vector<1x16xf32> to vector<16xf32>
        %max3A_886 = arith.maximumf %max3A_880, %get3A_885 : vector<16xf32>
        %get3A_887 = arith.constant 116 : i32
        %get3A_888 = arith.index_cast %get3A_887 : i32 to index
        %get3A_889 = arith.index_cast %mul3A_117 : i32 to index
        %get3A_890 = tpu.vector_load %arg8[%get3A_888, %get3A_889] {strides = array<i32>} : memref<128x256xf32, #tpu.memory_space<vmem>>, vector<1x16xf32>,
        %get3A_891 = vector.shape_cast %get3A_890 : vector<1x16xf32> to vector<16xf32>
        %max3A_892 = arith.maximumf %max3A_886, %get3A_891 : vector<16xf32>
        %get3A_893 = arith.constant 117 : i32
        %get3A_894 = arith.index_cast %get3A_893 : i32 to index
        %get3A_895 = arith.index_cast %mul3A_117 : i32 to index
        %get3A_896 = tpu.vector_load %arg8[%get3A_894, %get3A_895] {strides = array<i32>} : memref<128x256xf32, #tpu.memory_space<vmem>>, vector<1x16xf32>,
        %get3A_897 = vector.shape_cast %get3A_896 : vector<1x16xf32> to vector<16xf32>
        %max3A_898 = arith.maximumf %max3A_892, %get3A_897 : vector<16xf32>
        %get3A_899 = arith.constant 118 : i32
        %get3A_900 = arith.index_cast %get3A_899 : i32 to index
        %get3A_901 = arith.index_cast %mul3A_117 : i32 to index
        %get3A_902 = tpu.vector_load %arg8[%get3A_900, %get3A_901] {strides = array<i32>} : memref<128x256xf32, #tpu.memory_space<vmem>>, vector<1x16xf32>,
        %get3A_903 = vector.shape_cast %get3A_902 : vector<1x16xf32> to vector<16xf32>
        %max3A_904 = arith.maximumf %max3A_898, %get3A_903 : vector<16xf32>
        %get3A_905 = arith.constant 119 : i32
        %get3A_906 = arith.index_cast %get3A_905 : i32 to index
        %get3A_907 = arith.index_cast %mul3A_117 : i32 to index
        %get3A_908 = tpu.vector_load %arg8[%get3A_906, %get3A_907] {strides = array<i32>} : memref<128x256xf32, #tpu.memory_space<vmem>>, vector<1x16xf32>,
        %get3A_909 = vector.shape_cast %get3A_908 : vector<1x16xf32> to vector<16xf32>
        %max3A_910 = arith.maximumf %max3A_904, %get3A_909 : vector<16xf32>
        %get3A_911 = arith.constant 120 : i32
        %get3A_912 = arith.index_cast %get3A_911 : i32 to index
        %get3A_913 = arith.index_cast %mul3A_117 : i32 to index
        %get3A_914 = tpu.vector_load %arg8[%get3A_912, %get3A_913] {strides = array<i32>} : memref<128x256xf32, #tpu.memory_space<vmem>>, vector<1x16xf32>,
        %get3A_915 = vector.shape_cast %get3A_914 : vector<1x16xf32> to vector<16xf32>
        %max3A_916 = arith.maximumf %max3A_910, %get3A_915 : vector<16xf32>
        %get3A_917 = arith.constant 121 : i32
        %get3A_918 = arith.index_cast %get3A_917 : i32 to index
        %get3A_919 = arith.index_cast %mul3A_117 : i32 to index
        %get3A_920 = tpu.vector_load %arg8[%get3A_918, %get3A_919] {strides = array<i32>} : memref<128x256xf32, #tpu.memory_space<vmem>>, vector<1x16xf32>,
        %get3A_921 = vector.shape_cast %get3A_920 : vector<1x16xf32> to vector<16xf32>
        %max3A_922 = arith.maximumf %max3A_916, %get3A_921 : vector<16xf32>
        %get3A_923 = arith.constant 122 : i32
        %get3A_924 = arith.index_cast %get3A_923 : i32 to index
        %get3A_925 = arith.index_cast %mul3A_117 : i32 to index
        %get3A_926 = tpu.vector_load %arg8[%get3A_924, %get3A_925] {strides = array<i32>} : memref<128x256xf32, #tpu.memory_space<vmem>>, vector<1x16xf32>,
        %get3A_927 = vector.shape_cast %get3A_926 : vector<1x16xf32> to vector<16xf32>
        %max3A_928 = arith.maximumf %max3A_922, %get3A_927 : vector<16xf32>
        %get3A_929 = arith.constant 123 : i32
        %get3A_930 = arith.index_cast %get3A_929 : i32 to index
        %get3A_931 = arith.index_cast %mul3A_117 : i32 to index
        %get3A_932 = tpu.vector_load %arg8[%get3A_930, %get3A_931] {strides = array<i32>} : memref<128x256xf32, #tpu.memory_space<vmem>>, vector<1x16xf32>,
        %get3A_933 = vector.shape_cast %get3A_932 : vector<1x16xf32> to vector<16xf32>
        %max3A_934 = arith.maximumf %max3A_928, %get3A_933 : vector<16xf32>
        %get3A_935 = arith.constant 124 : i32
        %get3A_936 = arith.index_cast %get3A_935 : i32 to index
        %get3A_937 = arith.index_cast %mul3A_117 : i32 to index
        %get3A_938 = tpu.vector_load %arg8[%get3A_936, %get3A_937] {strides = array<i32>} : memref<128x256xf32, #tpu.memory_space<vmem>>, vector<1x16xf32>,
        %get3A_939 = vector.shape_cast %get3A_938 : vector<1x16xf32> to vector<16xf32>
        %max3A_940 = arith.maximumf %max3A_934, %get3A_939 : vector<16xf32>
        %get3A_941 = arith.constant 125 : i32
        %get3A_942 = arith.index_cast %get3A_941 : i32 to index
        %get3A_943 = arith.index_cast %mul3A_117 : i32 to index
        %get3A_944 = tpu.vector_load %arg8[%get3A_942, %get3A_943] {strides = array<i32>} : memref<128x256xf32, #tpu.memory_space<vmem>>, vector<1x16xf32>,
        %get3A_945 = vector.shape_cast %get3A_944 : vector<1x16xf32> to vector<16xf32>
        %max3A_946 = arith.maximumf %max3A_940, %get3A_945 : vector<16xf32>
        %get3A_947 = arith.constant 126 : i32
        %get3A_948 = arith.index_cast %get3A_947 : i32 to index
        %get3A_949 = arith.index_cast %mul3A_117 : i32 to index
        %get3A_950 = tpu.vector_load %arg8[%get3A_948, %get3A_949] {strides = array<i32>} : memref<128x256xf32, #tpu.memory_space<vmem>>, vector<1x16xf32>,
        %get3A_951 = vector.shape_cast %get3A_950 : vector<1x16xf32> to vector<16xf32>
        %max3A_952 = arith.maximumf %max3A_946, %get3A_951 : vector<16xf32>
        %get3A_953 = arith.constant 127 : i32
        %get3A_954 = arith.index_cast %get3A_953 : i32 to index
        %get3A_955 = arith.index_cast %mul3A_117 : i32 to index
        %get3A_956 = tpu.vector_load %arg8[%get3A_954, %get3A_955] {strides = array<i32>} : memref<128x256xf32, #tpu.memory_space<vmem>>, vector<1x16xf32>,
        %get3A_957 = vector.shape_cast %get3A_956 : vector<1x16xf32> to vector<16xf32>
        %max3A_958 = arith.maximumf %max3A_952, %get3A_957 : vector<16xf32>
        %get3A_959 = arith.constant 7 : i32
        %get3A_960 = arith.index_cast %get3A_959 : i32 to index
        %get3A_961 = arith.index_cast %mul3A_117 : i32 to index
        %get3A_962 = tpu.vector_load %arg10[%get3A_960, %get3A_961] {strides = array<i32>} : memref<8x256xf32, #tpu.memory_space<vmem>>, vector<1x16xf32>,
        %get3A_963 = vector.shape_cast %get3A_962 : vector<1x16xf32> to vector<16xf32>
        %add3A_964 = arith.addf %get3A_963, %max3A_958 : vector<16xf32>
        %swap3A_965 = arith.constant 7 : i32
        %swap3A_966 = arith.index_cast %swap3A_965 : i32 to index
        %swap3A_967 = arith.index_cast %mul3A_117 : i32 to index
        %swap3A_968 = tpu.vector_load %arg12[%swap3A_966, %swap3A_967] {strides = array<i32>} : memref<8x256xf32, #tpu.memory_space<vmem>>, vector<1x16xf32>,
        %swap3A_969 = vector.shape_cast %swap3A_968 : vector<1x16xf32> to vector<16xf32>
        %swap3A_970 = vector.shape_cast %add3A_964 : vector<16xf32> to vector<1x16xf32>
        tpu.vector_store %arg12[%swap3A_966, %swap3A_967], %swap3A_970 {strides = array<i32>} : memref<8x256xf32, #tpu.memory_space<vmem>>, vector<1x16xf32>,
        %scan3A_971 = arith.constant 0 : i32
        scf.yield %scan3A_971 : i32
      }
      %scan3A_65 = arith.constant 16 : i32
      %dma_start3A_66 = arith.constant 0 : i32
      %dma_start3A_67 = tpu.memref_slice %arg5[%add3A_56, %dma_start3A_66] : memref<10240x256xf32, #tpu.memory_space<hbm>> -> memref<8x256xf32, #tpu.memory_space<hbm>>
      %dma_start3A_68 = arith.constant 0 : i32
      %dma_start3A_69 = tpu.memref_slice %arg5[%add3A_56, %dma_start3A_68] : memref<10240x256xf32, #tpu.memory_space<hbm>> -> memref<8x256xf32, #tpu.memory_space<hbm>>
      tpu.enqueue_dma source(%arg12 : memref<8x256xf32, #tpu.memory_space<vmem>>) target(%dma_start3A_69 : memref<8x256xf32, #tpu.memory_space<hbm>>) target_semaphore(%arg18 : memref<!tpu.dma_semaphore, #tpu.memory_space<semaphore_mem>>)
      %add3A_70 = arith.constant 2 : i32
      %add3A_71 = arith.addi %add3A_46, %add3A_70 : i32
      %lt3A = arith.constant 40 : i32
      %lt3A_72 = arith.cmpi slt, %add3A_71, %lt3A : i32
      %convert_element_type3A_73 = arith.extui %lt3A_72 : i1 to i32
      %cond3A_74 = arith.constant 0 : i32
      %cond3A_75 = arith.cmpi ne, %convert_element_type3A_73, %cond3A_74 : i32
      scf.if %cond3A_75 {
        %add3A_114 = arith.constant 2 : i32
        %add3A_115 = arith.addi %add3A_46, %add3A_114 : i32
        %mul3A_116 = arith.constant 16 : i32
        %mul3A_117 = arith.muli %mul3A_2, %mul3A_116 : i32
        %mul3A_118 = arith.constant 128 : i32
        %mul3A_119 = arith.muli %add3A_115, %mul3A_118 : i32
        %add3A_120 = arith.addi %mul3A_117, %mul3A_119 : i32
        "tpu.region"() ({
          %run_scoped3A = tpu.sem_alloc : memref<!tpu.dma_semaphore, #tpu.memory_space<semaphore_mem>>
          %dma_start3A_131 = tpu.memref_slice %arg2[%add3A_120] : memref<163840xi32, #tpu.memory_space<hbm>> -> memref<128xi32, #tpu.memory_space<hbm>>
          %dma_start3A_132 = tpu.memref_slice %arg2[%add3A_120] : memref<163840xi32, #tpu.memory_space<hbm>> -> memref<128xi32, #tpu.memory_space<hbm>>
          tpu.enqueue_dma source(%dma_start3A_132 : memref<128xi32, #tpu.memory_space<hbm>>) target(%arg6 : memref<128xi32, #tpu.memory_space<vmem>>) target_semaphore(%run_scoped3A : memref<!tpu.dma_semaphore, #tpu.memory_space<semaphore_mem>>)
          %dma_wait3A_133 = tpu.memref_slice %arg2[%add3A_120] : memref<163840xi32, #tpu.memory_space<hbm>> -> memref<128xi32, #tpu.memory_space<hbm>>
          %dma_wait3A_134 = tpu.memref_slice %arg2[%add3A_120] : memref<163840xi32, #tpu.memory_space<hbm>> -> memref<128xi32, #tpu.memory_space<hbm>>
          tpu.wait_dma2 semaphore(%run_scoped3A : memref<!tpu.dma_semaphore, #tpu.memory_space<semaphore_mem>>) src(%dma_wait3A_134 : memref<128xi32, #tpu.memory_space<hbm>>) dst(%arg6 : memref<128xi32, #tpu.memory_space<vmem>>)
          tpu.yield
        }) : () -> ()
        %dma_start3A_121 = arith.constant 0 : i32
        %dma_start3A_122 = arith.constant 0 : i32
        %dma_start3A_123 = tpu.memref_slice %arg3[%dma_start3A_121, %dma_start3A_122] : memref<10240x256xf32, #tpu.memory_space<hbm>> -> memref<10240x256xf32, #tpu.memory_space<hbm>>
        tpu.enqueue_indirect_dma source(%dma_start3A_123 : memref<10240x256xf32, #tpu.memory_space<hbm>>) target(%arg8 : memref<128x256xf32, #tpu.memory_space<vmem>>) offsets(%arg6 : memref<128xi32, #tpu.memory_space<vmem>>) semaphore(%arg14 : memref<!tpu.dma_semaphore, #tpu.memory_space<semaphore_mem>>)
        %mul3A_124 = arith.constant 8 : i32
        %mul3A_125 = arith.muli %add3A_115, %mul3A_124 : i32
        %add3A_126 = arith.addi %mul3A_2, %mul3A_125 : i32
        %dma_start3A_127 = arith.constant 0 : i32
        %dma_start3A_128 = tpu.memref_slice %arg4[%add3A_126, %dma_start3A_127] : memref<10240x256xf32, #tpu.memory_space<hbm>> -> memref<8x256xf32, #tpu.memory_space<hbm>>
        %dma_start3A_129 = arith.constant 0 : i32
        %dma_start3A_130 = tpu.memref_slice %arg4[%add3A_126, %dma_start3A_129] : memref<10240x256xf32, #tpu.memory_space<hbm>> -> memref<8x256xf32, #tpu.memory_space<hbm>>
        tpu.enqueue_dma source(%dma_start3A_130 : memref<8x256xf32, #tpu.memory_space<hbm>>) target(%arg10 : memref<8x256xf32, #tpu.memory_space<vmem>>) target_semaphore(%arg16 : memref<!tpu.dma_semaphore, #tpu.memory_space<semaphore_mem>>)
      } else {
      }
      %mul3A_76 = arith.constant 2 : i32
      %mul3A_77 = arith.muli %mul3A_76, %scan3A_41 : i32
      %add3A_78 = arith.constant 1 : i32
      %add3A_79 = arith.addi %mul3A_77, %add3A_78 : i32
      %dma_wait3A_80 = arith.constant 0 : i32
      %dma_wait3A_81 = arith.constant 0 : i32
      %dma_wait3A_82 = tpu.memref_slice %arg3[%dma_wait3A_80, %dma_wait3A_81] : memref<10240x256xf32, #tpu.memory_space<hbm>> -> memref<10240x256xf32, #tpu.memory_space<hbm>>
      tpu.wait_indirect_dma semaphore(%arg15 : memref<!tpu.dma_semaphore, #tpu.memory_space<semaphore_mem>>) src(%dma_wait3A_82 : memref<10240x256xf32, #tpu.memory_space<hbm>>) dst(%arg9 : memref<128x256xf32, #tpu.memory_space<vmem>>)
      %dma_wait3A_83 = arith.constant 0 : i32
      %dma_wait3A_84 = tpu.memref_slice %arg4[%mul3A_2, %dma_wait3A_83] : memref<10240x256xf32, #tpu.memory_space<hbm>> -> memref<8x256xf32, #tpu.memory_space<hbm>>
      %dma_wait3A_85 = arith.constant 0 : i32
      %dma_wait3A_86 = tpu.memref_slice %arg4[%mul3A_2, %dma_wait3A_85] : memref<10240x256xf32, #tpu.memory_space<hbm>> -> memref<8x256xf32, #tpu.memory_space<hbm>>
      tpu.wait_dma2 semaphore(%arg17 : memref<!tpu.dma_semaphore, #tpu.memory_space<semaphore_mem>>) src(%dma_wait3A_86 : memref<8x256xf32, #tpu.memory_space<hbm>>) dst(%arg11 : memref<8x256xf32, #tpu.memory_space<vmem>>)
      %mul3A_87 = arith.constant 8 : i32
      %mul3A_88 = arith.muli %add3A_79, %mul3A_87 : i32
      %add3A_89 = arith.addi %mul3A_2, %mul3A_88 : i32
      %ge3A_90 = arith.constant 1 : i32
      %ge3A_91 = arith.cmpi sge, %scan3A_41, %ge3A_90 : i32
      %convert_element_type3A_92 = arith.extui %ge3A_91 : i1 to i32
      %cond3A_93 = arith.constant 0 : i32
      %cond3A_94 = arith.cmpi ne, %convert_element_type3A_92, %cond3A_93 : i32
      scf.if %cond3A_94 {
        %dma_wait3A_114 = arith.constant 0 : i32
        %dma_wait3A_115 = tpu.memref_slice %arg5[%mul3A_2, %dma_wait3A_114] : memref<10240x256xf32, #tpu.memory_space<hbm>> -> memref<8x256xf32, #tpu.memory_space<hbm>>
        %dma_wait3A_116 = arith.constant 0 : i32
        %dma_wait3A_117 = tpu.memref_slice %arg5[%mul3A_2, %dma_wait3A_116] : memref<10240x256xf32, #tpu.memory_space<hbm>> -> memref<8x256xf32, #tpu.memory_space<hbm>>
        tpu.wait_dma2 semaphore(%arg19 : memref<!tpu.dma_semaphore, #tpu.memory_space<semaphore_mem>>) src(%arg13 : memref<8x256xf32, #tpu.memory_space<vmem>>) dst(%dma_wait3A_117 : memref<8x256xf32, #tpu.memory_space<hbm>>)
      } else {
      }
      %scan3A_95 = arith.constant 0 : i32
      %scan3A_96 = arith.constant 0 : i32
      %scan3A_97 = arith.constant 16 : i32
      %scan3A_98 = arith.addi %scan3A_96, %scan3A_97 : i32
      %scan3A_99 = arith.constant 1 : i32
      %scan3A_100 = scf.for %scan3A_114 = %scan3A_96 to %scan3A_98 step %scan3A_99 iter_args(%scan3A_115 = %scan3A_95) -> (i32)  : i32 {
        %mul3A_116 = arith.constant 16 : i32
        %mul3A_117 = arith.muli %scan3A_114, %mul3A_116 : i32
        %get3A = arith.constant 0 : i32
        %get3A_118 = arith.index_cast %get3A : i32 to index
        %get3A_119 = arith.index_cast %mul3A_117 : i32 to index
        %get3A_120 = tpu.vector_load %arg9[%get3A_118, %get3A_119] {strides = array<i32>} : memref<128x256xf32, #tpu.memory_space<vmem>>, vector<1x16xf32>,
        %get3A_121 = vector.shape_cast %get3A_120 : vector<1x16xf32> to vector<16xf32>
        %get3A_122 = arith.constant 1 : i32
        %get3A_123 = arith.index_cast %get3A_122 : i32 to index
        %get3A_124 = arith.index_cast %mul3A_117 : i32 to index
        %get3A_125 = tpu.vector_load %arg9[%get3A_123, %get3A_124] {strides = array<i32>} : memref<128x256xf32, #tpu.memory_space<vmem>>, vector<1x16xf32>,
        %get3A_126 = vector.shape_cast %get3A_125 : vector<1x16xf32> to vector<16xf32>
        %max3A = arith.maximumf %get3A_121, %get3A_126 : vector<16xf32>
        %get3A_127 = arith.constant 2 : i32
        %get3A_128 = arith.index_cast %get3A_127 : i32 to index
        %get3A_129 = arith.index_cast %mul3A_117 : i32 to index
        %get3A_130 = tpu.vector_load %arg9[%get3A_128, %get3A_129] {strides = array<i32>} : memref<128x256xf32, #tpu.memory_space<vmem>>, vector<1x16xf32>,
        %get3A_131 = vector.shape_cast %get3A_130 : vector<1x16xf32> to vector<16xf32>
        %max3A_132 = arith.maximumf %max3A, %get3A_131 : vector<16xf32>
        %get3A_133 = arith.constant 3 : i32
        %get3A_134 = arith.index_cast %get3A_133 : i32 to index
        %get3A_135 = arith.index_cast %mul3A_117 : i32 to index
        %get3A_136 = tpu.vector_load %arg9[%get3A_134, %get3A_135] {strides = array<i32>} : memref<128x256xf32, #tpu.memory_space<vmem>>, vector<1x16xf32>,
        %get3A_137 = vector.shape_cast %get3A_136 : vector<1x16xf32> to vector<16xf32>
        %max3A_138 = arith.maximumf %max3A_132, %get3A_137 : vector<16xf32>
        %get3A_139 = arith.constant 4 : i32
        %get3A_140 = arith.index_cast %get3A_139 : i32 to index
        %get3A_141 = arith.index_cast %mul3A_117 : i32 to index
        %get3A_142 = tpu.vector_load %arg9[%get3A_140, %get3A_141] {strides = array<i32>} : memref<128x256xf32, #tpu.memory_space<vmem>>, vector<1x16xf32>,
        %get3A_143 = vector.shape_cast %get3A_142 : vector<1x16xf32> to vector<16xf32>
        %max3A_144 = arith.maximumf %max3A_138, %get3A_143 : vector<16xf32>
        %get3A_145 = arith.constant 5 : i32
        %get3A_146 = arith.index_cast %get3A_145 : i32 to index
        %get3A_147 = arith.index_cast %mul3A_117 : i32 to index
        %get3A_148 = tpu.vector_load %arg9[%get3A_146, %get3A_147] {strides = array<i32>} : memref<128x256xf32, #tpu.memory_space<vmem>>, vector<1x16xf32>,
        %get3A_149 = vector.shape_cast %get3A_148 : vector<1x16xf32> to vector<16xf32>
        %max3A_150 = arith.maximumf %max3A_144, %get3A_149 : vector<16xf32>
        %get3A_151 = arith.constant 6 : i32
        %get3A_152 = arith.index_cast %get3A_151 : i32 to index
        %get3A_153 = arith.index_cast %mul3A_117 : i32 to index
        %get3A_154 = tpu.vector_load %arg9[%get3A_152, %get3A_153] {strides = array<i32>} : memref<128x256xf32, #tpu.memory_space<vmem>>, vector<1x16xf32>,
        %get3A_155 = vector.shape_cast %get3A_154 : vector<1x16xf32> to vector<16xf32>
        %max3A_156 = arith.maximumf %max3A_150, %get3A_155 : vector<16xf32>
        %get3A_157 = arith.constant 7 : i32
        %get3A_158 = arith.index_cast %get3A_157 : i32 to index
        %get3A_159 = arith.index_cast %mul3A_117 : i32 to index
        %get3A_160 = tpu.vector_load %arg9[%get3A_158, %get3A_159] {strides = array<i32>} : memref<128x256xf32, #tpu.memory_space<vmem>>, vector<1x16xf32>,
        %get3A_161 = vector.shape_cast %get3A_160 : vector<1x16xf32> to vector<16xf32>
        %max3A_162 = arith.maximumf %max3A_156, %get3A_161 : vector<16xf32>
        %get3A_163 = arith.constant 8 : i32
        %get3A_164 = arith.index_cast %get3A_163 : i32 to index
        %get3A_165 = arith.index_cast %mul3A_117 : i32 to index
        %get3A_166 = tpu.vector_load %arg9[%get3A_164, %get3A_165] {strides = array<i32>} : memref<128x256xf32, #tpu.memory_space<vmem>>, vector<1x16xf32>,
        %get3A_167 = vector.shape_cast %get3A_166 : vector<1x16xf32> to vector<16xf32>
        %max3A_168 = arith.maximumf %max3A_162, %get3A_167 : vector<16xf32>
        %get3A_169 = arith.constant 9 : i32
        %get3A_170 = arith.index_cast %get3A_169 : i32 to index
        %get3A_171 = arith.index_cast %mul3A_117 : i32 to index
        %get3A_172 = tpu.vector_load %arg9[%get3A_170, %get3A_171] {strides = array<i32>} : memref<128x256xf32, #tpu.memory_space<vmem>>, vector<1x16xf32>,
        %get3A_173 = vector.shape_cast %get3A_172 : vector<1x16xf32> to vector<16xf32>
        %max3A_174 = arith.maximumf %max3A_168, %get3A_173 : vector<16xf32>
        %get3A_175 = arith.constant 10 : i32
        %get3A_176 = arith.index_cast %get3A_175 : i32 to index
        %get3A_177 = arith.index_cast %mul3A_117 : i32 to index
        %get3A_178 = tpu.vector_load %arg9[%get3A_176, %get3A_177] {strides = array<i32>} : memref<128x256xf32, #tpu.memory_space<vmem>>, vector<1x16xf32>,
        %get3A_179 = vector.shape_cast %get3A_178 : vector<1x16xf32> to vector<16xf32>
        %max3A_180 = arith.maximumf %max3A_174, %get3A_179 : vector<16xf32>
        %get3A_181 = arith.constant 11 : i32
        %get3A_182 = arith.index_cast %get3A_181 : i32 to index
        %get3A_183 = arith.index_cast %mul3A_117 : i32 to index
        %get3A_184 = tpu.vector_load %arg9[%get3A_182, %get3A_183] {strides = array<i32>} : memref<128x256xf32, #tpu.memory_space<vmem>>, vector<1x16xf32>,
        %get3A_185 = vector.shape_cast %get3A_184 : vector<1x16xf32> to vector<16xf32>
        %max3A_186 = arith.maximumf %max3A_180, %get3A_185 : vector<16xf32>
        %get3A_187 = arith.constant 12 : i32
        %get3A_188 = arith.index_cast %get3A_187 : i32 to index
        %get3A_189 = arith.index_cast %mul3A_117 : i32 to index
        %get3A_190 = tpu.vector_load %arg9[%get3A_188, %get3A_189] {strides = array<i32>} : memref<128x256xf32, #tpu.memory_space<vmem>>, vector<1x16xf32>,
        %get3A_191 = vector.shape_cast %get3A_190 : vector<1x16xf32> to vector<16xf32>
        %max3A_192 = arith.maximumf %max3A_186, %get3A_191 : vector<16xf32>
        %get3A_193 = arith.constant 13 : i32
        %get3A_194 = arith.index_cast %get3A_193 : i32 to index
        %get3A_195 = arith.index_cast %mul3A_117 : i32 to index
        %get3A_196 = tpu.vector_load %arg9[%get3A_194, %get3A_195] {strides = array<i32>} : memref<128x256xf32, #tpu.memory_space<vmem>>, vector<1x16xf32>,
        %get3A_197 = vector.shape_cast %get3A_196 : vector<1x16xf32> to vector<16xf32>
        %max3A_198 = arith.maximumf %max3A_192, %get3A_197 : vector<16xf32>
        %get3A_199 = arith.constant 14 : i32
        %get3A_200 = arith.index_cast %get3A_199 : i32 to index
        %get3A_201 = arith.index_cast %mul3A_117 : i32 to index
        %get3A_202 = tpu.vector_load %arg9[%get3A_200, %get3A_201] {strides = array<i32>} : memref<128x256xf32, #tpu.memory_space<vmem>>, vector<1x16xf32>,
        %get3A_203 = vector.shape_cast %get3A_202 : vector<1x16xf32> to vector<16xf32>
        %max3A_204 = arith.maximumf %max3A_198, %get3A_203 : vector<16xf32>
        %get3A_205 = arith.constant 15 : i32
        %get3A_206 = arith.index_cast %get3A_205 : i32 to index
        %get3A_207 = arith.index_cast %mul3A_117 : i32 to index
        %get3A_208 = tpu.vector_load %arg9[%get3A_206, %get3A_207] {strides = array<i32>} : memref<128x256xf32, #tpu.memory_space<vmem>>, vector<1x16xf32>,
        %get3A_209 = vector.shape_cast %get3A_208 : vector<1x16xf32> to vector<16xf32>
        %max3A_210 = arith.maximumf %max3A_204, %get3A_209 : vector<16xf32>
        %get3A_211 = arith.constant 0 : i32
        %get3A_212 = arith.index_cast %get3A_211 : i32 to index
        %get3A_213 = arith.index_cast %mul3A_117 : i32 to index
        %get3A_214 = tpu.vector_load %arg11[%get3A_212, %get3A_213] {strides = array<i32>} : memref<8x256xf32, #tpu.memory_space<vmem>>, vector<1x16xf32>,
        %get3A_215 = vector.shape_cast %get3A_214 : vector<1x16xf32> to vector<16xf32>
        %add3A_216 = arith.addf %get3A_215, %max3A_210 : vector<16xf32>
        %swap3A = arith.constant 0 : i32
        %swap3A_217 = arith.index_cast %swap3A : i32 to index
        %swap3A_218 = arith.index_cast %mul3A_117 : i32 to index
        %swap3A_219 = tpu.vector_load %arg13[%swap3A_217, %swap3A_218] {strides = array<i32>} : memref<8x256xf32, #tpu.memory_space<vmem>>, vector<1x16xf32>,
        %swap3A_220 = vector.shape_cast %swap3A_219 : vector<1x16xf32> to vector<16xf32>
        %swap3A_221 = vector.shape_cast %add3A_216 : vector<16xf32> to vector<1x16xf32>
        tpu.vector_store %arg13[%swap3A_217, %swap3A_218], %swap3A_221 {strides = array<i32>} : memref<8x256xf32, #tpu.memory_space<vmem>>, vector<1x16xf32>,
        %get3A_222 = arith.constant 16 : i32
        %get3A_223 = arith.index_cast %get3A_222 : i32 to index
        %get3A_224 = arith.index_cast %mul3A_117 : i32 to index
        %get3A_225 = tpu.vector_load %arg9[%get3A_223, %get3A_224] {strides = array<i32>} : memref<128x256xf32, #tpu.memory_space<vmem>>, vector<1x16xf32>,
        %get3A_226 = vector.shape_cast %get3A_225 : vector<1x16xf32> to vector<16xf32>
        %get3A_227 = arith.constant 17 : i32
        %get3A_228 = arith.index_cast %get3A_227 : i32 to index
        %get3A_229 = arith.index_cast %mul3A_117 : i32 to index
        %get3A_230 = tpu.vector_load %arg9[%get3A_228, %get3A_229] {strides = array<i32>} : memref<128x256xf32, #tpu.memory_space<vmem>>, vector<1x16xf32>,
        %get3A_231 = vector.shape_cast %get3A_230 : vector<1x16xf32> to vector<16xf32>
        %max3A_232 = arith.maximumf %get3A_226, %get3A_231 : vector<16xf32>
        %get3A_233 = arith.constant 18 : i32
        %get3A_234 = arith.index_cast %get3A_233 : i32 to index
        %get3A_235 = arith.index_cast %mul3A_117 : i32 to index
        %get3A_236 = tpu.vector_load %arg9[%get3A_234, %get3A_235] {strides = array<i32>} : memref<128x256xf32, #tpu.memory_space<vmem>>, vector<1x16xf32>,
        %get3A_237 = vector.shape_cast %get3A_236 : vector<1x16xf32> to vector<16xf32>
        %max3A_238 = arith.maximumf %max3A_232, %get3A_237 : vector<16xf32>
        %get3A_239 = arith.constant 19 : i32
        %get3A_240 = arith.index_cast %get3A_239 : i32 to index
        %get3A_241 = arith.index_cast %mul3A_117 : i32 to index
        %get3A_242 = tpu.vector_load %arg9[%get3A_240, %get3A_241] {strides = array<i32>} : memref<128x256xf32, #tpu.memory_space<vmem>>, vector<1x16xf32>,
        %get3A_243 = vector.shape_cast %get3A_242 : vector<1x16xf32> to vector<16xf32>
        %max3A_244 = arith.maximumf %max3A_238, %get3A_243 : vector<16xf32>
        %get3A_245 = arith.constant 20 : i32
        %get3A_246 = arith.index_cast %get3A_245 : i32 to index
        %get3A_247 = arith.index_cast %mul3A_117 : i32 to index
        %get3A_248 = tpu.vector_load %arg9[%get3A_246, %get3A_247] {strides = array<i32>} : memref<128x256xf32, #tpu.memory_space<vmem>>, vector<1x16xf32>,
        %get3A_249 = vector.shape_cast %get3A_248 : vector<1x16xf32> to vector<16xf32>
        %max3A_250 = arith.maximumf %max3A_244, %get3A_249 : vector<16xf32>
        %get3A_251 = arith.constant 21 : i32
        %get3A_252 = arith.index_cast %get3A_251 : i32 to index
        %get3A_253 = arith.index_cast %mul3A_117 : i32 to index
        %get3A_254 = tpu.vector_load %arg9[%get3A_252, %get3A_253] {strides = array<i32>} : memref<128x256xf32, #tpu.memory_space<vmem>>, vector<1x16xf32>,
        %get3A_255 = vector.shape_cast %get3A_254 : vector<1x16xf32> to vector<16xf32>
        %max3A_256 = arith.maximumf %max3A_250, %get3A_255 : vector<16xf32>
        %get3A_257 = arith.constant 22 : i32
        %get3A_258 = arith.index_cast %get3A_257 : i32 to index
        %get3A_259 = arith.index_cast %mul3A_117 : i32 to index
        %get3A_260 = tpu.vector_load %arg9[%get3A_258, %get3A_259] {strides = array<i32>} : memref<128x256xf32, #tpu.memory_space<vmem>>, vector<1x16xf32>,
        %get3A_261 = vector.shape_cast %get3A_260 : vector<1x16xf32> to vector<16xf32>
        %max3A_262 = arith.maximumf %max3A_256, %get3A_261 : vector<16xf32>
        %get3A_263 = arith.constant 23 : i32
        %get3A_264 = arith.index_cast %get3A_263 : i32 to index
        %get3A_265 = arith.index_cast %mul3A_117 : i32 to index
        %get3A_266 = tpu.vector_load %arg9[%get3A_264, %get3A_265] {strides = array<i32>} : memref<128x256xf32, #tpu.memory_space<vmem>>, vector<1x16xf32>,
        %get3A_267 = vector.shape_cast %get3A_266 : vector<1x16xf32> to vector<16xf32>
        %max3A_268 = arith.maximumf %max3A_262, %get3A_267 : vector<16xf32>
        %get3A_269 = arith.constant 24 : i32
        %get3A_270 = arith.index_cast %get3A_269 : i32 to index
        %get3A_271 = arith.index_cast %mul3A_117 : i32 to index
        %get3A_272 = tpu.vector_load %arg9[%get3A_270, %get3A_271] {strides = array<i32>} : memref<128x256xf32, #tpu.memory_space<vmem>>, vector<1x16xf32>,
        %get3A_273 = vector.shape_cast %get3A_272 : vector<1x16xf32> to vector<16xf32>
        %max3A_274 = arith.maximumf %max3A_268, %get3A_273 : vector<16xf32>
        %get3A_275 = arith.constant 25 : i32
        %get3A_276 = arith.index_cast %get3A_275 : i32 to index
        %get3A_277 = arith.index_cast %mul3A_117 : i32 to index
        %get3A_278 = tpu.vector_load %arg9[%get3A_276, %get3A_277] {strides = array<i32>} : memref<128x256xf32, #tpu.memory_space<vmem>>, vector<1x16xf32>,
        %get3A_279 = vector.shape_cast %get3A_278 : vector<1x16xf32> to vector<16xf32>
        %max3A_280 = arith.maximumf %max3A_274, %get3A_279 : vector<16xf32>
        %get3A_281 = arith.constant 26 : i32
        %get3A_282 = arith.index_cast %get3A_281 : i32 to index
        %get3A_283 = arith.index_cast %mul3A_117 : i32 to index
        %get3A_284 = tpu.vector_load %arg9[%get3A_282, %get3A_283] {strides = array<i32>} : memref<128x256xf32, #tpu.memory_space<vmem>>, vector<1x16xf32>,
        %get3A_285 = vector.shape_cast %get3A_284 : vector<1x16xf32> to vector<16xf32>
        %max3A_286 = arith.maximumf %max3A_280, %get3A_285 : vector<16xf32>
        %get3A_287 = arith.constant 27 : i32
        %get3A_288 = arith.index_cast %get3A_287 : i32 to index
        %get3A_289 = arith.index_cast %mul3A_117 : i32 to index
        %get3A_290 = tpu.vector_load %arg9[%get3A_288, %get3A_289] {strides = array<i32>} : memref<128x256xf32, #tpu.memory_space<vmem>>, vector<1x16xf32>,
        %get3A_291 = vector.shape_cast %get3A_290 : vector<1x16xf32> to vector<16xf32>
        %max3A_292 = arith.maximumf %max3A_286, %get3A_291 : vector<16xf32>
        %get3A_293 = arith.constant 28 : i32
        %get3A_294 = arith.index_cast %get3A_293 : i32 to index
        %get3A_295 = arith.index_cast %mul3A_117 : i32 to index
        %get3A_296 = tpu.vector_load %arg9[%get3A_294, %get3A_295] {strides = array<i32>} : memref<128x256xf32, #tpu.memory_space<vmem>>, vector<1x16xf32>,
        %get3A_297 = vector.shape_cast %get3A_296 : vector<1x16xf32> to vector<16xf32>
        %max3A_298 = arith.maximumf %max3A_292, %get3A_297 : vector<16xf32>
        %get3A_299 = arith.constant 29 : i32
        %get3A_300 = arith.index_cast %get3A_299 : i32 to index
        %get3A_301 = arith.index_cast %mul3A_117 : i32 to index
        %get3A_302 = tpu.vector_load %arg9[%get3A_300, %get3A_301] {strides = array<i32>} : memref<128x256xf32, #tpu.memory_space<vmem>>, vector<1x16xf32>,
        %get3A_303 = vector.shape_cast %get3A_302 : vector<1x16xf32> to vector<16xf32>
        %max3A_304 = arith.maximumf %max3A_298, %get3A_303 : vector<16xf32>
        %get3A_305 = arith.constant 30 : i32
        %get3A_306 = arith.index_cast %get3A_305 : i32 to index
        %get3A_307 = arith.index_cast %mul3A_117 : i32 to index
        %get3A_308 = tpu.vector_load %arg9[%get3A_306, %get3A_307] {strides = array<i32>} : memref<128x256xf32, #tpu.memory_space<vmem>>, vector<1x16xf32>,
        %get3A_309 = vector.shape_cast %get3A_308 : vector<1x16xf32> to vector<16xf32>
        %max3A_310 = arith.maximumf %max3A_304, %get3A_309 : vector<16xf32>
        %get3A_311 = arith.constant 31 : i32
        %get3A_312 = arith.index_cast %get3A_311 : i32 to index
        %get3A_313 = arith.index_cast %mul3A_117 : i32 to index
        %get3A_314 = tpu.vector_load %arg9[%get3A_312, %get3A_313] {strides = array<i32>} : memref<128x256xf32, #tpu.memory_space<vmem>>, vector<1x16xf32>,
        %get3A_315 = vector.shape_cast %get3A_314 : vector<1x16xf32> to vector<16xf32>
        %max3A_316 = arith.maximumf %max3A_310, %get3A_315 : vector<16xf32>
        %get3A_317 = arith.constant 1 : i32
        %get3A_318 = arith.index_cast %get3A_317 : i32 to index
        %get3A_319 = arith.index_cast %mul3A_117 : i32 to index
        %get3A_320 = tpu.vector_load %arg11[%get3A_318, %get3A_319] {strides = array<i32>} : memref<8x256xf32, #tpu.memory_space<vmem>>, vector<1x16xf32>,
        %get3A_321 = vector.shape_cast %get3A_320 : vector<1x16xf32> to vector<16xf32>
        %add3A_322 = arith.addf %get3A_321, %max3A_316 : vector<16xf32>
        %swap3A_323 = arith.constant 1 : i32
        %swap3A_324 = arith.index_cast %swap3A_323 : i32 to index
        %swap3A_325 = arith.index_cast %mul3A_117 : i32 to index
        %swap3A_326 = tpu.vector_load %arg13[%swap3A_324, %swap3A_325] {strides = array<i32>} : memref<8x256xf32, #tpu.memory_space<vmem>>, vector<1x16xf32>,
        %swap3A_327 = vector.shape_cast %swap3A_326 : vector<1x16xf32> to vector<16xf32>
        %swap3A_328 = vector.shape_cast %add3A_322 : vector<16xf32> to vector<1x16xf32>
        tpu.vector_store %arg13[%swap3A_324, %swap3A_325], %swap3A_328 {strides = array<i32>} : memref<8x256xf32, #tpu.memory_space<vmem>>, vector<1x16xf32>,
        %get3A_329 = arith.constant 32 : i32
        %get3A_330 = arith.index_cast %get3A_329 : i32 to index
        %get3A_331 = arith.index_cast %mul3A_117 : i32 to index
        %get3A_332 = tpu.vector_load %arg9[%get3A_330, %get3A_331] {strides = array<i32>} : memref<128x256xf32, #tpu.memory_space<vmem>>, vector<1x16xf32>,
        %get3A_333 = vector.shape_cast %get3A_332 : vector<1x16xf32> to vector<16xf32>
        %get3A_334 = arith.constant 33 : i32
        %get3A_335 = arith.index_cast %get3A_334 : i32 to index
        %get3A_336 = arith.index_cast %mul3A_117 : i32 to index
        %get3A_337 = tpu.vector_load %arg9[%get3A_335, %get3A_336] {strides = array<i32>} : memref<128x256xf32, #tpu.memory_space<vmem>>, vector<1x16xf32>,
        %get3A_338 = vector.shape_cast %get3A_337 : vector<1x16xf32> to vector<16xf32>
        %max3A_339 = arith.maximumf %get3A_333, %get3A_338 : vector<16xf32>
        %get3A_340 = arith.constant 34 : i32
        %get3A_341 = arith.index_cast %get3A_340 : i32 to index
        %get3A_342 = arith.index_cast %mul3A_117 : i32 to index
        %get3A_343 = tpu.vector_load %arg9[%get3A_341, %get3A_342] {strides = array<i32>} : memref<128x256xf32, #tpu.memory_space<vmem>>, vector<1x16xf32>,
        %get3A_344 = vector.shape_cast %get3A_343 : vector<1x16xf32> to vector<16xf32>
        %max3A_345 = arith.maximumf %max3A_339, %get3A_344 : vector<16xf32>
        %get3A_346 = arith.constant 35 : i32
        %get3A_347 = arith.index_cast %get3A_346 : i32 to index
        %get3A_348 = arith.index_cast %mul3A_117 : i32 to index
        %get3A_349 = tpu.vector_load %arg9[%get3A_347, %get3A_348] {strides = array<i32>} : memref<128x256xf32, #tpu.memory_space<vmem>>, vector<1x16xf32>,
        %get3A_350 = vector.shape_cast %get3A_349 : vector<1x16xf32> to vector<16xf32>
        %max3A_351 = arith.maximumf %max3A_345, %get3A_350 : vector<16xf32>
        %get3A_352 = arith.constant 36 : i32
        %get3A_353 = arith.index_cast %get3A_352 : i32 to index
        %get3A_354 = arith.index_cast %mul3A_117 : i32 to index
        %get3A_355 = tpu.vector_load %arg9[%get3A_353, %get3A_354] {strides = array<i32>} : memref<128x256xf32, #tpu.memory_space<vmem>>, vector<1x16xf32>,
        %get3A_356 = vector.shape_cast %get3A_355 : vector<1x16xf32> to vector<16xf32>
        %max3A_357 = arith.maximumf %max3A_351, %get3A_356 : vector<16xf32>
        %get3A_358 = arith.constant 37 : i32
        %get3A_359 = arith.index_cast %get3A_358 : i32 to index
        %get3A_360 = arith.index_cast %mul3A_117 : i32 to index
        %get3A_361 = tpu.vector_load %arg9[%get3A_359, %get3A_360] {strides = array<i32>} : memref<128x256xf32, #tpu.memory_space<vmem>>, vector<1x16xf32>,
        %get3A_362 = vector.shape_cast %get3A_361 : vector<1x16xf32> to vector<16xf32>
        %max3A_363 = arith.maximumf %max3A_357, %get3A_362 : vector<16xf32>
        %get3A_364 = arith.constant 38 : i32
        %get3A_365 = arith.index_cast %get3A_364 : i32 to index
        %get3A_366 = arith.index_cast %mul3A_117 : i32 to index
        %get3A_367 = tpu.vector_load %arg9[%get3A_365, %get3A_366] {strides = array<i32>} : memref<128x256xf32, #tpu.memory_space<vmem>>, vector<1x16xf32>,
        %get3A_368 = vector.shape_cast %get3A_367 : vector<1x16xf32> to vector<16xf32>
        %max3A_369 = arith.maximumf %max3A_363, %get3A_368 : vector<16xf32>
        %get3A_370 = arith.constant 39 : i32
        %get3A_371 = arith.index_cast %get3A_370 : i32 to index
        %get3A_372 = arith.index_cast %mul3A_117 : i32 to index
        %get3A_373 = tpu.vector_load %arg9[%get3A_371, %get3A_372] {strides = array<i32>} : memref<128x256xf32, #tpu.memory_space<vmem>>, vector<1x16xf32>,
        %get3A_374 = vector.shape_cast %get3A_373 : vector<1x16xf32> to vector<16xf32>
        %max3A_375 = arith.maximumf %max3A_369, %get3A_374 : vector<16xf32>
        %get3A_376 = arith.constant 40 : i32
        %get3A_377 = arith.index_cast %get3A_376 : i32 to index
        %get3A_378 = arith.index_cast %mul3A_117 : i32 to index
        %get3A_379 = tpu.vector_load %arg9[%get3A_377, %get3A_378] {strides = array<i32>} : memref<128x256xf32, #tpu.memory_space<vmem>>, vector<1x16xf32>,
        %get3A_380 = vector.shape_cast %get3A_379 : vector<1x16xf32> to vector<16xf32>
        %max3A_381 = arith.maximumf %max3A_375, %get3A_380 : vector<16xf32>
        %get3A_382 = arith.constant 41 : i32
        %get3A_383 = arith.index_cast %get3A_382 : i32 to index
        %get3A_384 = arith.index_cast %mul3A_117 : i32 to index
        %get3A_385 = tpu.vector_load %arg9[%get3A_383, %get3A_384] {strides = array<i32>} : memref<128x256xf32, #tpu.memory_space<vmem>>, vector<1x16xf32>,
        %get3A_386 = vector.shape_cast %get3A_385 : vector<1x16xf32> to vector<16xf32>
        %max3A_387 = arith.maximumf %max3A_381, %get3A_386 : vector<16xf32>
        %get3A_388 = arith.constant 42 : i32
        %get3A_389 = arith.index_cast %get3A_388 : i32 to index
        %get3A_390 = arith.index_cast %mul3A_117 : i32 to index
        %get3A_391 = tpu.vector_load %arg9[%get3A_389, %get3A_390] {strides = array<i32>} : memref<128x256xf32, #tpu.memory_space<vmem>>, vector<1x16xf32>,
        %get3A_392 = vector.shape_cast %get3A_391 : vector<1x16xf32> to vector<16xf32>
        %max3A_393 = arith.maximumf %max3A_387, %get3A_392 : vector<16xf32>
        %get3A_394 = arith.constant 43 : i32
        %get3A_395 = arith.index_cast %get3A_394 : i32 to index
        %get3A_396 = arith.index_cast %mul3A_117 : i32 to index
        %get3A_397 = tpu.vector_load %arg9[%get3A_395, %get3A_396] {strides = array<i32>} : memref<128x256xf32, #tpu.memory_space<vmem>>, vector<1x16xf32>,
        %get3A_398 = vector.shape_cast %get3A_397 : vector<1x16xf32> to vector<16xf32>
        %max3A_399 = arith.maximumf %max3A_393, %get3A_398 : vector<16xf32>
        %get3A_400 = arith.constant 44 : i32
        %get3A_401 = arith.index_cast %get3A_400 : i32 to index
        %get3A_402 = arith.index_cast %mul3A_117 : i32 to index
        %get3A_403 = tpu.vector_load %arg9[%get3A_401, %get3A_402] {strides = array<i32>} : memref<128x256xf32, #tpu.memory_space<vmem>>, vector<1x16xf32>,
        %get3A_404 = vector.shape_cast %get3A_403 : vector<1x16xf32> to vector<16xf32>
        %max3A_405 = arith.maximumf %max3A_399, %get3A_404 : vector<16xf32>
        %get3A_406 = arith.constant 45 : i32
        %get3A_407 = arith.index_cast %get3A_406 : i32 to index
        %get3A_408 = arith.index_cast %mul3A_117 : i32 to index
        %get3A_409 = tpu.vector_load %arg9[%get3A_407, %get3A_408] {strides = array<i32>} : memref<128x256xf32, #tpu.memory_space<vmem>>, vector<1x16xf32>,
        %get3A_410 = vector.shape_cast %get3A_409 : vector<1x16xf32> to vector<16xf32>
        %max3A_411 = arith.maximumf %max3A_405, %get3A_410 : vector<16xf32>
        %get3A_412 = arith.constant 46 : i32
        %get3A_413 = arith.index_cast %get3A_412 : i32 to index
        %get3A_414 = arith.index_cast %mul3A_117 : i32 to index
        %get3A_415 = tpu.vector_load %arg9[%get3A_413, %get3A_414] {strides = array<i32>} : memref<128x256xf32, #tpu.memory_space<vmem>>, vector<1x16xf32>,
        %get3A_416 = vector.shape_cast %get3A_415 : vector<1x16xf32> to vector<16xf32>
        %max3A_417 = arith.maximumf %max3A_411, %get3A_416 : vector<16xf32>
        %get3A_418 = arith.constant 47 : i32
        %get3A_419 = arith.index_cast %get3A_418 : i32 to index
        %get3A_420 = arith.index_cast %mul3A_117 : i32 to index
        %get3A_421 = tpu.vector_load %arg9[%get3A_419, %get3A_420] {strides = array<i32>} : memref<128x256xf32, #tpu.memory_space<vmem>>, vector<1x16xf32>,
        %get3A_422 = vector.shape_cast %get3A_421 : vector<1x16xf32> to vector<16xf32>
        %max3A_423 = arith.maximumf %max3A_417, %get3A_422 : vector<16xf32>
        %get3A_424 = arith.constant 2 : i32
        %get3A_425 = arith.index_cast %get3A_424 : i32 to index
        %get3A_426 = arith.index_cast %mul3A_117 : i32 to index
        %get3A_427 = tpu.vector_load %arg11[%get3A_425, %get3A_426] {strides = array<i32>} : memref<8x256xf32, #tpu.memory_space<vmem>>, vector<1x16xf32>,
        %get3A_428 = vector.shape_cast %get3A_427 : vector<1x16xf32> to vector<16xf32>
        %add3A_429 = arith.addf %get3A_428, %max3A_423 : vector<16xf32>
        %swap3A_430 = arith.constant 2 : i32
        %swap3A_431 = arith.index_cast %swap3A_430 : i32 to index
        %swap3A_432 = arith.index_cast %mul3A_117 : i32 to index
        %swap3A_433 = tpu.vector_load %arg13[%swap3A_431, %swap3A_432] {strides = array<i32>} : memref<8x256xf32, #tpu.memory_space<vmem>>, vector<1x16xf32>,
        %swap3A_434 = vector.shape_cast %swap3A_433 : vector<1x16xf32> to vector<16xf32>
        %swap3A_435 = vector.shape_cast %add3A_429 : vector<16xf32> to vector<1x16xf32>
        tpu.vector_store %arg13[%swap3A_431, %swap3A_432], %swap3A_435 {strides = array<i32>} : memref<8x256xf32, #tpu.memory_space<vmem>>, vector<1x16xf32>,
        %get3A_436 = arith.constant 48 : i32
        %get3A_437 = arith.index_cast %get3A_436 : i32 to index
        %get3A_438 = arith.index_cast %mul3A_117 : i32 to index
        %get3A_439 = tpu.vector_load %arg9[%get3A_437, %get3A_438] {strides = array<i32>} : memref<128x256xf32, #tpu.memory_space<vmem>>, vector<1x16xf32>,
        %get3A_440 = vector.shape_cast %get3A_439 : vector<1x16xf32> to vector<16xf32>
        %get3A_441 = arith.constant 49 : i32
        %get3A_442 = arith.index_cast %get3A_441 : i32 to index
        %get3A_443 = arith.index_cast %mul3A_117 : i32 to index
        %get3A_444 = tpu.vector_load %arg9[%get3A_442, %get3A_443] {strides = array<i32>} : memref<128x256xf32, #tpu.memory_space<vmem>>, vector<1x16xf32>,
        %get3A_445 = vector.shape_cast %get3A_444 : vector<1x16xf32> to vector<16xf32>
        %max3A_446 = arith.maximumf %get3A_440, %get3A_445 : vector<16xf32>
        %get3A_447 = arith.constant 50 : i32
        %get3A_448 = arith.index_cast %get3A_447 : i32 to index
        %get3A_449 = arith.index_cast %mul3A_117 : i32 to index
        %get3A_450 = tpu.vector_load %arg9[%get3A_448, %get3A_449] {strides = array<i32>} : memref<128x256xf32, #tpu.memory_space<vmem>>, vector<1x16xf32>,
        %get3A_451 = vector.shape_cast %get3A_450 : vector<1x16xf32> to vector<16xf32>
        %max3A_452 = arith.maximumf %max3A_446, %get3A_451 : vector<16xf32>
        %get3A_453 = arith.constant 51 : i32
        %get3A_454 = arith.index_cast %get3A_453 : i32 to index
        %get3A_455 = arith.index_cast %mul3A_117 : i32 to index
        %get3A_456 = tpu.vector_load %arg9[%get3A_454, %get3A_455] {strides = array<i32>} : memref<128x256xf32, #tpu.memory_space<vmem>>, vector<1x16xf32>,
        %get3A_457 = vector.shape_cast %get3A_456 : vector<1x16xf32> to vector<16xf32>
        %max3A_458 = arith.maximumf %max3A_452, %get3A_457 : vector<16xf32>
        %get3A_459 = arith.constant 52 : i32
        %get3A_460 = arith.index_cast %get3A_459 : i32 to index
        %get3A_461 = arith.index_cast %mul3A_117 : i32 to index
        %get3A_462 = tpu.vector_load %arg9[%get3A_460, %get3A_461] {strides = array<i32>} : memref<128x256xf32, #tpu.memory_space<vmem>>, vector<1x16xf32>,
        %get3A_463 = vector.shape_cast %get3A_462 : vector<1x16xf32> to vector<16xf32>
        %max3A_464 = arith.maximumf %max3A_458, %get3A_463 : vector<16xf32>
        %get3A_465 = arith.constant 53 : i32
        %get3A_466 = arith.index_cast %get3A_465 : i32 to index
        %get3A_467 = arith.index_cast %mul3A_117 : i32 to index
        %get3A_468 = tpu.vector_load %arg9[%get3A_466, %get3A_467] {strides = array<i32>} : memref<128x256xf32, #tpu.memory_space<vmem>>, vector<1x16xf32>,
        %get3A_469 = vector.shape_cast %get3A_468 : vector<1x16xf32> to vector<16xf32>
        %max3A_470 = arith.maximumf %max3A_464, %get3A_469 : vector<16xf32>
        %get3A_471 = arith.constant 54 : i32
        %get3A_472 = arith.index_cast %get3A_471 : i32 to index
        %get3A_473 = arith.index_cast %mul3A_117 : i32 to index
        %get3A_474 = tpu.vector_load %arg9[%get3A_472, %get3A_473] {strides = array<i32>} : memref<128x256xf32, #tpu.memory_space<vmem>>, vector<1x16xf32>,
        %get3A_475 = vector.shape_cast %get3A_474 : vector<1x16xf32> to vector<16xf32>
        %max3A_476 = arith.maximumf %max3A_470, %get3A_475 : vector<16xf32>
        %get3A_477 = arith.constant 55 : i32
        %get3A_478 = arith.index_cast %get3A_477 : i32 to index
        %get3A_479 = arith.index_cast %mul3A_117 : i32 to index
        %get3A_480 = tpu.vector_load %arg9[%get3A_478, %get3A_479] {strides = array<i32>} : memref<128x256xf32, #tpu.memory_space<vmem>>, vector<1x16xf32>,
        %get3A_481 = vector.shape_cast %get3A_480 : vector<1x16xf32> to vector<16xf32>
        %max3A_482 = arith.maximumf %max3A_476, %get3A_481 : vector<16xf32>
        %get3A_483 = arith.constant 56 : i32
        %get3A_484 = arith.index_cast %get3A_483 : i32 to index
        %get3A_485 = arith.index_cast %mul3A_117 : i32 to index
        %get3A_486 = tpu.vector_load %arg9[%get3A_484, %get3A_485] {strides = array<i32>} : memref<128x256xf32, #tpu.memory_space<vmem>>, vector<1x16xf32>,
        %get3A_487 = vector.shape_cast %get3A_486 : vector<1x16xf32> to vector<16xf32>
        %max3A_488 = arith.maximumf %max3A_482, %get3A_487 : vector<16xf32>
        %get3A_489 = arith.constant 57 : i32
        %get3A_490 = arith.index_cast %get3A_489 : i32 to index
        %get3A_491 = arith.index_cast %mul3A_117 : i32 to index
        %get3A_492 = tpu.vector_load %arg9[%get3A_490, %get3A_491] {strides = array<i32>} : memref<128x256xf32, #tpu.memory_space<vmem>>, vector<1x16xf32>,
        %get3A_493 = vector.shape_cast %get3A_492 : vector<1x16xf32> to vector<16xf32>
        %max3A_494 = arith.maximumf %max3A_488, %get3A_493 : vector<16xf32>
        %get3A_495 = arith.constant 58 : i32
        %get3A_496 = arith.index_cast %get3A_495 : i32 to index
        %get3A_497 = arith.index_cast %mul3A_117 : i32 to index
        %get3A_498 = tpu.vector_load %arg9[%get3A_496, %get3A_497] {strides = array<i32>} : memref<128x256xf32, #tpu.memory_space<vmem>>, vector<1x16xf32>,
        %get3A_499 = vector.shape_cast %get3A_498 : vector<1x16xf32> to vector<16xf32>
        %max3A_500 = arith.maximumf %max3A_494, %get3A_499 : vector<16xf32>
        %get3A_501 = arith.constant 59 : i32
        %get3A_502 = arith.index_cast %get3A_501 : i32 to index
        %get3A_503 = arith.index_cast %mul3A_117 : i32 to index
        %get3A_504 = tpu.vector_load %arg9[%get3A_502, %get3A_503] {strides = array<i32>} : memref<128x256xf32, #tpu.memory_space<vmem>>, vector<1x16xf32>,
        %get3A_505 = vector.shape_cast %get3A_504 : vector<1x16xf32> to vector<16xf32>
        %max3A_506 = arith.maximumf %max3A_500, %get3A_505 : vector<16xf32>
        %get3A_507 = arith.constant 60 : i32
        %get3A_508 = arith.index_cast %get3A_507 : i32 to index
        %get3A_509 = arith.index_cast %mul3A_117 : i32 to index
        %get3A_510 = tpu.vector_load %arg9[%get3A_508, %get3A_509] {strides = array<i32>} : memref<128x256xf32, #tpu.memory_space<vmem>>, vector<1x16xf32>,
        %get3A_511 = vector.shape_cast %get3A_510 : vector<1x16xf32> to vector<16xf32>
        %max3A_512 = arith.maximumf %max3A_506, %get3A_511 : vector<16xf32>
        %get3A_513 = arith.constant 61 : i32
        %get3A_514 = arith.index_cast %get3A_513 : i32 to index
        %get3A_515 = arith.index_cast %mul3A_117 : i32 to index
        %get3A_516 = tpu.vector_load %arg9[%get3A_514, %get3A_515] {strides = array<i32>} : memref<128x256xf32, #tpu.memory_space<vmem>>, vector<1x16xf32>,
        %get3A_517 = vector.shape_cast %get3A_516 : vector<1x16xf32> to vector<16xf32>
        %max3A_518 = arith.maximumf %max3A_512, %get3A_517 : vector<16xf32>
        %get3A_519 = arith.constant 62 : i32
        %get3A_520 = arith.index_cast %get3A_519 : i32 to index
        %get3A_521 = arith.index_cast %mul3A_117 : i32 to index
        %get3A_522 = tpu.vector_load %arg9[%get3A_520, %get3A_521] {strides = array<i32>} : memref<128x256xf32, #tpu.memory_space<vmem>>, vector<1x16xf32>,
        %get3A_523 = vector.shape_cast %get3A_522 : vector<1x16xf32> to vector<16xf32>
        %max3A_524 = arith.maximumf %max3A_518, %get3A_523 : vector<16xf32>
        %get3A_525 = arith.constant 63 : i32
        %get3A_526 = arith.index_cast %get3A_525 : i32 to index
        %get3A_527 = arith.index_cast %mul3A_117 : i32 to index
        %get3A_528 = tpu.vector_load %arg9[%get3A_526, %get3A_527] {strides = array<i32>} : memref<128x256xf32, #tpu.memory_space<vmem>>, vector<1x16xf32>,
        %get3A_529 = vector.shape_cast %get3A_528 : vector<1x16xf32> to vector<16xf32>
        %max3A_530 = arith.maximumf %max3A_524, %get3A_529 : vector<16xf32>
        %get3A_531 = arith.constant 3 : i32
        %get3A_532 = arith.index_cast %get3A_531 : i32 to index
        %get3A_533 = arith.index_cast %mul3A_117 : i32 to index
        %get3A_534 = tpu.vector_load %arg11[%get3A_532, %get3A_533] {strides = array<i32>} : memref<8x256xf32, #tpu.memory_space<vmem>>, vector<1x16xf32>,
        %get3A_535 = vector.shape_cast %get3A_534 : vector<1x16xf32> to vector<16xf32>
        %add3A_536 = arith.addf %get3A_535, %max3A_530 : vector<16xf32>
        %swap3A_537 = arith.constant 3 : i32
        %swap3A_538 = arith.index_cast %swap3A_537 : i32 to index
        %swap3A_539 = arith.index_cast %mul3A_117 : i32 to index
        %swap3A_540 = tpu.vector_load %arg13[%swap3A_538, %swap3A_539] {strides = array<i32>} : memref<8x256xf32, #tpu.memory_space<vmem>>, vector<1x16xf32>,
        %swap3A_541 = vector.shape_cast %swap3A_540 : vector<1x16xf32> to vector<16xf32>
        %swap3A_542 = vector.shape_cast %add3A_536 : vector<16xf32> to vector<1x16xf32>
        tpu.vector_store %arg13[%swap3A_538, %swap3A_539], %swap3A_542 {strides = array<i32>} : memref<8x256xf32, #tpu.memory_space<vmem>>, vector<1x16xf32>,
        %get3A_543 = arith.constant 64 : i32
        %get3A_544 = arith.index_cast %get3A_543 : i32 to index
        %get3A_545 = arith.index_cast %mul3A_117 : i32 to index
        %get3A_546 = tpu.vector_load %arg9[%get3A_544, %get3A_545] {strides = array<i32>} : memref<128x256xf32, #tpu.memory_space<vmem>>, vector<1x16xf32>,
        %get3A_547 = vector.shape_cast %get3A_546 : vector<1x16xf32> to vector<16xf32>
        %get3A_548 = arith.constant 65 : i32
        %get3A_549 = arith.index_cast %get3A_548 : i32 to index
        %get3A_550 = arith.index_cast %mul3A_117 : i32 to index
        %get3A_551 = tpu.vector_load %arg9[%get3A_549, %get3A_550] {strides = array<i32>} : memref<128x256xf32, #tpu.memory_space<vmem>>, vector<1x16xf32>,
        %get3A_552 = vector.shape_cast %get3A_551 : vector<1x16xf32> to vector<16xf32>
        %max3A_553 = arith.maximumf %get3A_547, %get3A_552 : vector<16xf32>
        %get3A_554 = arith.constant 66 : i32
        %get3A_555 = arith.index_cast %get3A_554 : i32 to index
        %get3A_556 = arith.index_cast %mul3A_117 : i32 to index
        %get3A_557 = tpu.vector_load %arg9[%get3A_555, %get3A_556] {strides = array<i32>} : memref<128x256xf32, #tpu.memory_space<vmem>>, vector<1x16xf32>,
        %get3A_558 = vector.shape_cast %get3A_557 : vector<1x16xf32> to vector<16xf32>
        %max3A_559 = arith.maximumf %max3A_553, %get3A_558 : vector<16xf32>
        %get3A_560 = arith.constant 67 : i32
        %get3A_561 = arith.index_cast %get3A_560 : i32 to index
        %get3A_562 = arith.index_cast %mul3A_117 : i32 to index
        %get3A_563 = tpu.vector_load %arg9[%get3A_561, %get3A_562] {strides = array<i32>} : memref<128x256xf32, #tpu.memory_space<vmem>>, vector<1x16xf32>,
        %get3A_564 = vector.shape_cast %get3A_563 : vector<1x16xf32> to vector<16xf32>
        %max3A_565 = arith.maximumf %max3A_559, %get3A_564 : vector<16xf32>
        %get3A_566 = arith.constant 68 : i32
        %get3A_567 = arith.index_cast %get3A_566 : i32 to index
        %get3A_568 = arith.index_cast %mul3A_117 : i32 to index
        %get3A_569 = tpu.vector_load %arg9[%get3A_567, %get3A_568] {strides = array<i32>} : memref<128x256xf32, #tpu.memory_space<vmem>>, vector<1x16xf32>,
        %get3A_570 = vector.shape_cast %get3A_569 : vector<1x16xf32> to vector<16xf32>
        %max3A_571 = arith.maximumf %max3A_565, %get3A_570 : vector<16xf32>
        %get3A_572 = arith.constant 69 : i32
        %get3A_573 = arith.index_cast %get3A_572 : i32 to index
        %get3A_574 = arith.index_cast %mul3A_117 : i32 to index
        %get3A_575 = tpu.vector_load %arg9[%get3A_573, %get3A_574] {strides = array<i32>} : memref<128x256xf32, #tpu.memory_space<vmem>>, vector<1x16xf32>,
        %get3A_576 = vector.shape_cast %get3A_575 : vector<1x16xf32> to vector<16xf32>
        %max3A_577 = arith.maximumf %max3A_571, %get3A_576 : vector<16xf32>
        %get3A_578 = arith.constant 70 : i32
        %get3A_579 = arith.index_cast %get3A_578 : i32 to index
        %get3A_580 = arith.index_cast %mul3A_117 : i32 to index
        %get3A_581 = tpu.vector_load %arg9[%get3A_579, %get3A_580] {strides = array<i32>} : memref<128x256xf32, #tpu.memory_space<vmem>>, vector<1x16xf32>,
        %get3A_582 = vector.shape_cast %get3A_581 : vector<1x16xf32> to vector<16xf32>
        %max3A_583 = arith.maximumf %max3A_577, %get3A_582 : vector<16xf32>
        %get3A_584 = arith.constant 71 : i32
        %get3A_585 = arith.index_cast %get3A_584 : i32 to index
        %get3A_586 = arith.index_cast %mul3A_117 : i32 to index
        %get3A_587 = tpu.vector_load %arg9[%get3A_585, %get3A_586] {strides = array<i32>} : memref<128x256xf32, #tpu.memory_space<vmem>>, vector<1x16xf32>,
        %get3A_588 = vector.shape_cast %get3A_587 : vector<1x16xf32> to vector<16xf32>
        %max3A_589 = arith.maximumf %max3A_583, %get3A_588 : vector<16xf32>
        %get3A_590 = arith.constant 72 : i32
        %get3A_591 = arith.index_cast %get3A_590 : i32 to index
        %get3A_592 = arith.index_cast %mul3A_117 : i32 to index
        %get3A_593 = tpu.vector_load %arg9[%get3A_591, %get3A_592] {strides = array<i32>} : memref<128x256xf32, #tpu.memory_space<vmem>>, vector<1x16xf32>,
        %get3A_594 = vector.shape_cast %get3A_593 : vector<1x16xf32> to vector<16xf32>
        %max3A_595 = arith.maximumf %max3A_589, %get3A_594 : vector<16xf32>
        %get3A_596 = arith.constant 73 : i32
        %get3A_597 = arith.index_cast %get3A_596 : i32 to index
        %get3A_598 = arith.index_cast %mul3A_117 : i32 to index
        %get3A_599 = tpu.vector_load %arg9[%get3A_597, %get3A_598] {strides = array<i32>} : memref<128x256xf32, #tpu.memory_space<vmem>>, vector<1x16xf32>,
        %get3A_600 = vector.shape_cast %get3A_599 : vector<1x16xf32> to vector<16xf32>
        %max3A_601 = arith.maximumf %max3A_595, %get3A_600 : vector<16xf32>
        %get3A_602 = arith.constant 74 : i32
        %get3A_603 = arith.index_cast %get3A_602 : i32 to index
        %get3A_604 = arith.index_cast %mul3A_117 : i32 to index
        %get3A_605 = tpu.vector_load %arg9[%get3A_603, %get3A_604] {strides = array<i32>} : memref<128x256xf32, #tpu.memory_space<vmem>>, vector<1x16xf32>,
        %get3A_606 = vector.shape_cast %get3A_605 : vector<1x16xf32> to vector<16xf32>
        %max3A_607 = arith.maximumf %max3A_601, %get3A_606 : vector<16xf32>
        %get3A_608 = arith.constant 75 : i32
        %get3A_609 = arith.index_cast %get3A_608 : i32 to index
        %get3A_610 = arith.index_cast %mul3A_117 : i32 to index
        %get3A_611 = tpu.vector_load %arg9[%get3A_609, %get3A_610] {strides = array<i32>} : memref<128x256xf32, #tpu.memory_space<vmem>>, vector<1x16xf32>,
        %get3A_612 = vector.shape_cast %get3A_611 : vector<1x16xf32> to vector<16xf32>
        %max3A_613 = arith.maximumf %max3A_607, %get3A_612 : vector<16xf32>
        %get3A_614 = arith.constant 76 : i32
        %get3A_615 = arith.index_cast %get3A_614 : i32 to index
        %get3A_616 = arith.index_cast %mul3A_117 : i32 to index
        %get3A_617 = tpu.vector_load %arg9[%get3A_615, %get3A_616] {strides = array<i32>} : memref<128x256xf32, #tpu.memory_space<vmem>>, vector<1x16xf32>,
        %get3A_618 = vector.shape_cast %get3A_617 : vector<1x16xf32> to vector<16xf32>
        %max3A_619 = arith.maximumf %max3A_613, %get3A_618 : vector<16xf32>
        %get3A_620 = arith.constant 77 : i32
        %get3A_621 = arith.index_cast %get3A_620 : i32 to index
        %get3A_622 = arith.index_cast %mul3A_117 : i32 to index
        %get3A_623 = tpu.vector_load %arg9[%get3A_621, %get3A_622] {strides = array<i32>} : memref<128x256xf32, #tpu.memory_space<vmem>>, vector<1x16xf32>,
        %get3A_624 = vector.shape_cast %get3A_623 : vector<1x16xf32> to vector<16xf32>
        %max3A_625 = arith.maximumf %max3A_619, %get3A_624 : vector<16xf32>
        %get3A_626 = arith.constant 78 : i32
        %get3A_627 = arith.index_cast %get3A_626 : i32 to index
        %get3A_628 = arith.index_cast %mul3A_117 : i32 to index
        %get3A_629 = tpu.vector_load %arg9[%get3A_627, %get3A_628] {strides = array<i32>} : memref<128x256xf32, #tpu.memory_space<vmem>>, vector<1x16xf32>,
        %get3A_630 = vector.shape_cast %get3A_629 : vector<1x16xf32> to vector<16xf32>
        %max3A_631 = arith.maximumf %max3A_625, %get3A_630 : vector<16xf32>
        %get3A_632 = arith.constant 79 : i32
        %get3A_633 = arith.index_cast %get3A_632 : i32 to index
        %get3A_634 = arith.index_cast %mul3A_117 : i32 to index
        %get3A_635 = tpu.vector_load %arg9[%get3A_633, %get3A_634] {strides = array<i32>} : memref<128x256xf32, #tpu.memory_space<vmem>>, vector<1x16xf32>,
        %get3A_636 = vector.shape_cast %get3A_635 : vector<1x16xf32> to vector<16xf32>
        %max3A_637 = arith.maximumf %max3A_631, %get3A_636 : vector<16xf32>
        %get3A_638 = arith.constant 4 : i32
        %get3A_639 = arith.index_cast %get3A_638 : i32 to index
        %get3A_640 = arith.index_cast %mul3A_117 : i32 to index
        %get3A_641 = tpu.vector_load %arg11[%get3A_639, %get3A_640] {strides = array<i32>} : memref<8x256xf32, #tpu.memory_space<vmem>>, vector<1x16xf32>,
        %get3A_642 = vector.shape_cast %get3A_641 : vector<1x16xf32> to vector<16xf32>
        %add3A_643 = arith.addf %get3A_642, %max3A_637 : vector<16xf32>
        %swap3A_644 = arith.constant 4 : i32
        %swap3A_645 = arith.index_cast %swap3A_644 : i32 to index
        %swap3A_646 = arith.index_cast %mul3A_117 : i32 to index
        %swap3A_647 = tpu.vector_load %arg13[%swap3A_645, %swap3A_646] {strides = array<i32>} : memref<8x256xf32, #tpu.memory_space<vmem>>, vector<1x16xf32>,
        %swap3A_648 = vector.shape_cast %swap3A_647 : vector<1x16xf32> to vector<16xf32>
        %swap3A_649 = vector.shape_cast %add3A_643 : vector<16xf32> to vector<1x16xf32>
        tpu.vector_store %arg13[%swap3A_645, %swap3A_646], %swap3A_649 {strides = array<i32>} : memref<8x256xf32, #tpu.memory_space<vmem>>, vector<1x16xf32>,
        %get3A_650 = arith.constant 80 : i32
        %get3A_651 = arith.index_cast %get3A_650 : i32 to index
        %get3A_652 = arith.index_cast %mul3A_117 : i32 to index
        %get3A_653 = tpu.vector_load %arg9[%get3A_651, %get3A_652] {strides = array<i32>} : memref<128x256xf32, #tpu.memory_space<vmem>>, vector<1x16xf32>,
        %get3A_654 = vector.shape_cast %get3A_653 : vector<1x16xf32> to vector<16xf32>
        %get3A_655 = arith.constant 81 : i32
        %get3A_656 = arith.index_cast %get3A_655 : i32 to index
        %get3A_657 = arith.index_cast %mul3A_117 : i32 to index
        %get3A_658 = tpu.vector_load %arg9[%get3A_656, %get3A_657] {strides = array<i32>} : memref<128x256xf32, #tpu.memory_space<vmem>>, vector<1x16xf32>,
        %get3A_659 = vector.shape_cast %get3A_658 : vector<1x16xf32> to vector<16xf32>
        %max3A_660 = arith.maximumf %get3A_654, %get3A_659 : vector<16xf32>
        %get3A_661 = arith.constant 82 : i32
        %get3A_662 = arith.index_cast %get3A_661 : i32 to index
        %get3A_663 = arith.index_cast %mul3A_117 : i32 to index
        %get3A_664 = tpu.vector_load %arg9[%get3A_662, %get3A_663] {strides = array<i32>} : memref<128x256xf32, #tpu.memory_space<vmem>>, vector<1x16xf32>,
        %get3A_665 = vector.shape_cast %get3A_664 : vector<1x16xf32> to vector<16xf32>
        %max3A_666 = arith.maximumf %max3A_660, %get3A_665 : vector<16xf32>
        %get3A_667 = arith.constant 83 : i32
        %get3A_668 = arith.index_cast %get3A_667 : i32 to index
        %get3A_669 = arith.index_cast %mul3A_117 : i32 to index
        %get3A_670 = tpu.vector_load %arg9[%get3A_668, %get3A_669] {strides = array<i32>} : memref<128x256xf32, #tpu.memory_space<vmem>>, vector<1x16xf32>,
        %get3A_671 = vector.shape_cast %get3A_670 : vector<1x16xf32> to vector<16xf32>
        %max3A_672 = arith.maximumf %max3A_666, %get3A_671 : vector<16xf32>
        %get3A_673 = arith.constant 84 : i32
        %get3A_674 = arith.index_cast %get3A_673 : i32 to index
        %get3A_675 = arith.index_cast %mul3A_117 : i32 to index
        %get3A_676 = tpu.vector_load %arg9[%get3A_674, %get3A_675] {strides = array<i32>} : memref<128x256xf32, #tpu.memory_space<vmem>>, vector<1x16xf32>,
        %get3A_677 = vector.shape_cast %get3A_676 : vector<1x16xf32> to vector<16xf32>
        %max3A_678 = arith.maximumf %max3A_672, %get3A_677 : vector<16xf32>
        %get3A_679 = arith.constant 85 : i32
        %get3A_680 = arith.index_cast %get3A_679 : i32 to index
        %get3A_681 = arith.index_cast %mul3A_117 : i32 to index
        %get3A_682 = tpu.vector_load %arg9[%get3A_680, %get3A_681] {strides = array<i32>} : memref<128x256xf32, #tpu.memory_space<vmem>>, vector<1x16xf32>,
        %get3A_683 = vector.shape_cast %get3A_682 : vector<1x16xf32> to vector<16xf32>
        %max3A_684 = arith.maximumf %max3A_678, %get3A_683 : vector<16xf32>
        %get3A_685 = arith.constant 86 : i32
        %get3A_686 = arith.index_cast %get3A_685 : i32 to index
        %get3A_687 = arith.index_cast %mul3A_117 : i32 to index
        %get3A_688 = tpu.vector_load %arg9[%get3A_686, %get3A_687] {strides = array<i32>} : memref<128x256xf32, #tpu.memory_space<vmem>>, vector<1x16xf32>,
        %get3A_689 = vector.shape_cast %get3A_688 : vector<1x16xf32> to vector<16xf32>
        %max3A_690 = arith.maximumf %max3A_684, %get3A_689 : vector<16xf32>
        %get3A_691 = arith.constant 87 : i32
        %get3A_692 = arith.index_cast %get3A_691 : i32 to index
        %get3A_693 = arith.index_cast %mul3A_117 : i32 to index
        %get3A_694 = tpu.vector_load %arg9[%get3A_692, %get3A_693] {strides = array<i32>} : memref<128x256xf32, #tpu.memory_space<vmem>>, vector<1x16xf32>,
        %get3A_695 = vector.shape_cast %get3A_694 : vector<1x16xf32> to vector<16xf32>
        %max3A_696 = arith.maximumf %max3A_690, %get3A_695 : vector<16xf32>
        %get3A_697 = arith.constant 88 : i32
        %get3A_698 = arith.index_cast %get3A_697 : i32 to index
        %get3A_699 = arith.index_cast %mul3A_117 : i32 to index
        %get3A_700 = tpu.vector_load %arg9[%get3A_698, %get3A_699] {strides = array<i32>} : memref<128x256xf32, #tpu.memory_space<vmem>>, vector<1x16xf32>,
        %get3A_701 = vector.shape_cast %get3A_700 : vector<1x16xf32> to vector<16xf32>
        %max3A_702 = arith.maximumf %max3A_696, %get3A_701 : vector<16xf32>
        %get3A_703 = arith.constant 89 : i32
        %get3A_704 = arith.index_cast %get3A_703 : i32 to index
        %get3A_705 = arith.index_cast %mul3A_117 : i32 to index
        %get3A_706 = tpu.vector_load %arg9[%get3A_704, %get3A_705] {strides = array<i32>} : memref<128x256xf32, #tpu.memory_space<vmem>>, vector<1x16xf32>,
        %get3A_707 = vector.shape_cast %get3A_706 : vector<1x16xf32> to vector<16xf32>
        %max3A_708 = arith.maximumf %max3A_702, %get3A_707 : vector<16xf32>
        %get3A_709 = arith.constant 90 : i32
        %get3A_710 = arith.index_cast %get3A_709 : i32 to index
        %get3A_711 = arith.index_cast %mul3A_117 : i32 to index
        %get3A_712 = tpu.vector_load %arg9[%get3A_710, %get3A_711] {strides = array<i32>} : memref<128x256xf32, #tpu.memory_space<vmem>>, vector<1x16xf32>,
        %get3A_713 = vector.shape_cast %get3A_712 : vector<1x16xf32> to vector<16xf32>
        %max3A_714 = arith.maximumf %max3A_708, %get3A_713 : vector<16xf32>
        %get3A_715 = arith.constant 91 : i32
        %get3A_716 = arith.index_cast %get3A_715 : i32 to index
        %get3A_717 = arith.index_cast %mul3A_117 : i32 to index
        %get3A_718 = tpu.vector_load %arg9[%get3A_716, %get3A_717] {strides = array<i32>} : memref<128x256xf32, #tpu.memory_space<vmem>>, vector<1x16xf32>,
        %get3A_719 = vector.shape_cast %get3A_718 : vector<1x16xf32> to vector<16xf32>
        %max3A_720 = arith.maximumf %max3A_714, %get3A_719 : vector<16xf32>
        %get3A_721 = arith.constant 92 : i32
        %get3A_722 = arith.index_cast %get3A_721 : i32 to index
        %get3A_723 = arith.index_cast %mul3A_117 : i32 to index
        %get3A_724 = tpu.vector_load %arg9[%get3A_722, %get3A_723] {strides = array<i32>} : memref<128x256xf32, #tpu.memory_space<vmem>>, vector<1x16xf32>,
        %get3A_725 = vector.shape_cast %get3A_724 : vector<1x16xf32> to vector<16xf32>
        %max3A_726 = arith.maximumf %max3A_720, %get3A_725 : vector<16xf32>
        %get3A_727 = arith.constant 93 : i32
        %get3A_728 = arith.index_cast %get3A_727 : i32 to index
        %get3A_729 = arith.index_cast %mul3A_117 : i32 to index
        %get3A_730 = tpu.vector_load %arg9[%get3A_728, %get3A_729] {strides = array<i32>} : memref<128x256xf32, #tpu.memory_space<vmem>>, vector<1x16xf32>,
        %get3A_731 = vector.shape_cast %get3A_730 : vector<1x16xf32> to vector<16xf32>
        %max3A_732 = arith.maximumf %max3A_726, %get3A_731 : vector<16xf32>
        %get3A_733 = arith.constant 94 : i32
        %get3A_734 = arith.index_cast %get3A_733 : i32 to index
        %get3A_735 = arith.index_cast %mul3A_117 : i32 to index
        %get3A_736 = tpu.vector_load %arg9[%get3A_734, %get3A_735] {strides = array<i32>} : memref<128x256xf32, #tpu.memory_space<vmem>>, vector<1x16xf32>,
        %get3A_737 = vector.shape_cast %get3A_736 : vector<1x16xf32> to vector<16xf32>
        %max3A_738 = arith.maximumf %max3A_732, %get3A_737 : vector<16xf32>
        %get3A_739 = arith.constant 95 : i32
        %get3A_740 = arith.index_cast %get3A_739 : i32 to index
        %get3A_741 = arith.index_cast %mul3A_117 : i32 to index
        %get3A_742 = tpu.vector_load %arg9[%get3A_740, %get3A_741] {strides = array<i32>} : memref<128x256xf32, #tpu.memory_space<vmem>>, vector<1x16xf32>,
        %get3A_743 = vector.shape_cast %get3A_742 : vector<1x16xf32> to vector<16xf32>
        %max3A_744 = arith.maximumf %max3A_738, %get3A_743 : vector<16xf32>
        %get3A_745 = arith.constant 5 : i32
        %get3A_746 = arith.index_cast %get3A_745 : i32 to index
        %get3A_747 = arith.index_cast %mul3A_117 : i32 to index
        %get3A_748 = tpu.vector_load %arg11[%get3A_746, %get3A_747] {strides = array<i32>} : memref<8x256xf32, #tpu.memory_space<vmem>>, vector<1x16xf32>,
        %get3A_749 = vector.shape_cast %get3A_748 : vector<1x16xf32> to vector<16xf32>
        %add3A_750 = arith.addf %get3A_749, %max3A_744 : vector<16xf32>
        %swap3A_751 = arith.constant 5 : i32
        %swap3A_752 = arith.index_cast %swap3A_751 : i32 to index
        %swap3A_753 = arith.index_cast %mul3A_117 : i32 to index
        %swap3A_754 = tpu.vector_load %arg13[%swap3A_752, %swap3A_753] {strides = array<i32>} : memref<8x256xf32, #tpu.memory_space<vmem>>, vector<1x16xf32>,
        %swap3A_755 = vector.shape_cast %swap3A_754 : vector<1x16xf32> to vector<16xf32>
        %swap3A_756 = vector.shape_cast %add3A_750 : vector<16xf32> to vector<1x16xf32>
        tpu.vector_store %arg13[%swap3A_752, %swap3A_753], %swap3A_756 {strides = array<i32>} : memref<8x256xf32, #tpu.memory_space<vmem>>, vector<1x16xf32>,
        %get3A_757 = arith.constant 96 : i32
        %get3A_758 = arith.index_cast %get3A_757 : i32 to index
        %get3A_759 = arith.index_cast %mul3A_117 : i32 to index
        %get3A_760 = tpu.vector_load %arg9[%get3A_758, %get3A_759] {strides = array<i32>} : memref<128x256xf32, #tpu.memory_space<vmem>>, vector<1x16xf32>,
        %get3A_761 = vector.shape_cast %get3A_760 : vector<1x16xf32> to vector<16xf32>
        %get3A_762 = arith.constant 97 : i32
        %get3A_763 = arith.index_cast %get3A_762 : i32 to index
        %get3A_764 = arith.index_cast %mul3A_117 : i32 to index
        %get3A_765 = tpu.vector_load %arg9[%get3A_763, %get3A_764] {strides = array<i32>} : memref<128x256xf32, #tpu.memory_space<vmem>>, vector<1x16xf32>,
        %get3A_766 = vector.shape_cast %get3A_765 : vector<1x16xf32> to vector<16xf32>
        %max3A_767 = arith.maximumf %get3A_761, %get3A_766 : vector<16xf32>
        %get3A_768 = arith.constant 98 : i32
        %get3A_769 = arith.index_cast %get3A_768 : i32 to index
        %get3A_770 = arith.index_cast %mul3A_117 : i32 to index
        %get3A_771 = tpu.vector_load %arg9[%get3A_769, %get3A_770] {strides = array<i32>} : memref<128x256xf32, #tpu.memory_space<vmem>>, vector<1x16xf32>,
        %get3A_772 = vector.shape_cast %get3A_771 : vector<1x16xf32> to vector<16xf32>
        %max3A_773 = arith.maximumf %max3A_767, %get3A_772 : vector<16xf32>
        %get3A_774 = arith.constant 99 : i32
        %get3A_775 = arith.index_cast %get3A_774 : i32 to index
        %get3A_776 = arith.index_cast %mul3A_117 : i32 to index
        %get3A_777 = tpu.vector_load %arg9[%get3A_775, %get3A_776] {strides = array<i32>} : memref<128x256xf32, #tpu.memory_space<vmem>>, vector<1x16xf32>,
        %get3A_778 = vector.shape_cast %get3A_777 : vector<1x16xf32> to vector<16xf32>
        %max3A_779 = arith.maximumf %max3A_773, %get3A_778 : vector<16xf32>
        %get3A_780 = arith.constant 100 : i32
        %get3A_781 = arith.index_cast %get3A_780 : i32 to index
        %get3A_782 = arith.index_cast %mul3A_117 : i32 to index
        %get3A_783 = tpu.vector_load %arg9[%get3A_781, %get3A_782] {strides = array<i32>} : memref<128x256xf32, #tpu.memory_space<vmem>>, vector<1x16xf32>,
        %get3A_784 = vector.shape_cast %get3A_783 : vector<1x16xf32> to vector<16xf32>
        %max3A_785 = arith.maximumf %max3A_779, %get3A_784 : vector<16xf32>
        %get3A_786 = arith.constant 101 : i32
        %get3A_787 = arith.index_cast %get3A_786 : i32 to index
        %get3A_788 = arith.index_cast %mul3A_117 : i32 to index
        %get3A_789 = tpu.vector_load %arg9[%get3A_787, %get3A_788] {strides = array<i32>} : memref<128x256xf32, #tpu.memory_space<vmem>>, vector<1x16xf32>,
        %get3A_790 = vector.shape_cast %get3A_789 : vector<1x16xf32> to vector<16xf32>
        %max3A_791 = arith.maximumf %max3A_785, %get3A_790 : vector<16xf32>
        %get3A_792 = arith.constant 102 : i32
        %get3A_793 = arith.index_cast %get3A_792 : i32 to index
        %get3A_794 = arith.index_cast %mul3A_117 : i32 to index
        %get3A_795 = tpu.vector_load %arg9[%get3A_793, %get3A_794] {strides = array<i32>} : memref<128x256xf32, #tpu.memory_space<vmem>>, vector<1x16xf32>,
        %get3A_796 = vector.shape_cast %get3A_795 : vector<1x16xf32> to vector<16xf32>
        %max3A_797 = arith.maximumf %max3A_791, %get3A_796 : vector<16xf32>
        %get3A_798 = arith.constant 103 : i32
        %get3A_799 = arith.index_cast %get3A_798 : i32 to index
        %get3A_800 = arith.index_cast %mul3A_117 : i32 to index
        %get3A_801 = tpu.vector_load %arg9[%get3A_799, %get3A_800] {strides = array<i32>} : memref<128x256xf32, #tpu.memory_space<vmem>>, vector<1x16xf32>,
        %get3A_802 = vector.shape_cast %get3A_801 : vector<1x16xf32> to vector<16xf32>
        %max3A_803 = arith.maximumf %max3A_797, %get3A_802 : vector<16xf32>
        %get3A_804 = arith.constant 104 : i32
        %get3A_805 = arith.index_cast %get3A_804 : i32 to index
        %get3A_806 = arith.index_cast %mul3A_117 : i32 to index
        %get3A_807 = tpu.vector_load %arg9[%get3A_805, %get3A_806] {strides = array<i32>} : memref<128x256xf32, #tpu.memory_space<vmem>>, vector<1x16xf32>,
        %get3A_808 = vector.shape_cast %get3A_807 : vector<1x16xf32> to vector<16xf32>
        %max3A_809 = arith.maximumf %max3A_803, %get3A_808 : vector<16xf32>
        %get3A_810 = arith.constant 105 : i32
        %get3A_811 = arith.index_cast %get3A_810 : i32 to index
        %get3A_812 = arith.index_cast %mul3A_117 : i32 to index
        %get3A_813 = tpu.vector_load %arg9[%get3A_811, %get3A_812] {strides = array<i32>} : memref<128x256xf32, #tpu.memory_space<vmem>>, vector<1x16xf32>,
        %get3A_814 = vector.shape_cast %get3A_813 : vector<1x16xf32> to vector<16xf32>
        %max3A_815 = arith.maximumf %max3A_809, %get3A_814 : vector<16xf32>
        %get3A_816 = arith.constant 106 : i32
        %get3A_817 = arith.index_cast %get3A_816 : i32 to index
        %get3A_818 = arith.index_cast %mul3A_117 : i32 to index
        %get3A_819 = tpu.vector_load %arg9[%get3A_817, %get3A_818] {strides = array<i32>} : memref<128x256xf32, #tpu.memory_space<vmem>>, vector<1x16xf32>,
        %get3A_820 = vector.shape_cast %get3A_819 : vector<1x16xf32> to vector<16xf32>
        %max3A_821 = arith.maximumf %max3A_815, %get3A_820 : vector<16xf32>
        %get3A_822 = arith.constant 107 : i32
        %get3A_823 = arith.index_cast %get3A_822 : i32 to index
        %get3A_824 = arith.index_cast %mul3A_117 : i32 to index
        %get3A_825 = tpu.vector_load %arg9[%get3A_823, %get3A_824] {strides = array<i32>} : memref<128x256xf32, #tpu.memory_space<vmem>>, vector<1x16xf32>,
        %get3A_826 = vector.shape_cast %get3A_825 : vector<1x16xf32> to vector<16xf32>
        %max3A_827 = arith.maximumf %max3A_821, %get3A_826 : vector<16xf32>
        %get3A_828 = arith.constant 108 : i32
        %get3A_829 = arith.index_cast %get3A_828 : i32 to index
        %get3A_830 = arith.index_cast %mul3A_117 : i32 to index
        %get3A_831 = tpu.vector_load %arg9[%get3A_829, %get3A_830] {strides = array<i32>} : memref<128x256xf32, #tpu.memory_space<vmem>>, vector<1x16xf32>,
        %get3A_832 = vector.shape_cast %get3A_831 : vector<1x16xf32> to vector<16xf32>
        %max3A_833 = arith.maximumf %max3A_827, %get3A_832 : vector<16xf32>
        %get3A_834 = arith.constant 109 : i32
        %get3A_835 = arith.index_cast %get3A_834 : i32 to index
        %get3A_836 = arith.index_cast %mul3A_117 : i32 to index
        %get3A_837 = tpu.vector_load %arg9[%get3A_835, %get3A_836] {strides = array<i32>} : memref<128x256xf32, #tpu.memory_space<vmem>>, vector<1x16xf32>,
        %get3A_838 = vector.shape_cast %get3A_837 : vector<1x16xf32> to vector<16xf32>
        %max3A_839 = arith.maximumf %max3A_833, %get3A_838 : vector<16xf32>
        %get3A_840 = arith.constant 110 : i32
        %get3A_841 = arith.index_cast %get3A_840 : i32 to index
        %get3A_842 = arith.index_cast %mul3A_117 : i32 to index
        %get3A_843 = tpu.vector_load %arg9[%get3A_841, %get3A_842] {strides = array<i32>} : memref<128x256xf32, #tpu.memory_space<vmem>>, vector<1x16xf32>,
        %get3A_844 = vector.shape_cast %get3A_843 : vector<1x16xf32> to vector<16xf32>
        %max3A_845 = arith.maximumf %max3A_839, %get3A_844 : vector<16xf32>
        %get3A_846 = arith.constant 111 : i32
        %get3A_847 = arith.index_cast %get3A_846 : i32 to index
        %get3A_848 = arith.index_cast %mul3A_117 : i32 to index
        %get3A_849 = tpu.vector_load %arg9[%get3A_847, %get3A_848] {strides = array<i32>} : memref<128x256xf32, #tpu.memory_space<vmem>>, vector<1x16xf32>,
        %get3A_850 = vector.shape_cast %get3A_849 : vector<1x16xf32> to vector<16xf32>
        %max3A_851 = arith.maximumf %max3A_845, %get3A_850 : vector<16xf32>
        %get3A_852 = arith.constant 6 : i32
        %get3A_853 = arith.index_cast %get3A_852 : i32 to index
        %get3A_854 = arith.index_cast %mul3A_117 : i32 to index
        %get3A_855 = tpu.vector_load %arg11[%get3A_853, %get3A_854] {strides = array<i32>} : memref<8x256xf32, #tpu.memory_space<vmem>>, vector<1x16xf32>,
        %get3A_856 = vector.shape_cast %get3A_855 : vector<1x16xf32> to vector<16xf32>
        %add3A_857 = arith.addf %get3A_856, %max3A_851 : vector<16xf32>
        %swap3A_858 = arith.constant 6 : i32
        %swap3A_859 = arith.index_cast %swap3A_858 : i32 to index
        %swap3A_860 = arith.index_cast %mul3A_117 : i32 to index
        %swap3A_861 = tpu.vector_load %arg13[%swap3A_859, %swap3A_860] {strides = array<i32>} : memref<8x256xf32, #tpu.memory_space<vmem>>, vector<1x16xf32>,
        %swap3A_862 = vector.shape_cast %swap3A_861 : vector<1x16xf32> to vector<16xf32>
        %swap3A_863 = vector.shape_cast %add3A_857 : vector<16xf32> to vector<1x16xf32>
        tpu.vector_store %arg13[%swap3A_859, %swap3A_860], %swap3A_863 {strides = array<i32>} : memref<8x256xf32, #tpu.memory_space<vmem>>, vector<1x16xf32>,
        %get3A_864 = arith.constant 112 : i32
        %get3A_865 = arith.index_cast %get3A_864 : i32 to index
        %get3A_866 = arith.index_cast %mul3A_117 : i32 to index
        %get3A_867 = tpu.vector_load %arg9[%get3A_865, %get3A_866] {strides = array<i32>} : memref<128x256xf32, #tpu.memory_space<vmem>>, vector<1x16xf32>,
        %get3A_868 = vector.shape_cast %get3A_867 : vector<1x16xf32> to vector<16xf32>
        %get3A_869 = arith.constant 113 : i32
        %get3A_870 = arith.index_cast %get3A_869 : i32 to index
        %get3A_871 = arith.index_cast %mul3A_117 : i32 to index
        %get3A_872 = tpu.vector_load %arg9[%get3A_870, %get3A_871] {strides = array<i32>} : memref<128x256xf32, #tpu.memory_space<vmem>>, vector<1x16xf32>,
        %get3A_873 = vector.shape_cast %get3A_872 : vector<1x16xf32> to vector<16xf32>
        %max3A_874 = arith.maximumf %get3A_868, %get3A_873 : vector<16xf32>
        %get3A_875 = arith.constant 114 : i32
        %get3A_876 = arith.index_cast %get3A_875 : i32 to index
        %get3A_877 = arith.index_cast %mul3A_117 : i32 to index
        %get3A_878 = tpu.vector_load %arg9[%get3A_876, %get3A_877] {strides = array<i32>} : memref<128x256xf32, #tpu.memory_space<vmem>>, vector<1x16xf32>,
        %get3A_879 = vector.shape_cast %get3A_878 : vector<1x16xf32> to vector<16xf32>
        %max3A_880 = arith.maximumf %max3A_874, %get3A_879 : vector<16xf32>
        %get3A_881 = arith.constant 115 : i32
        %get3A_882 = arith.index_cast %get3A_881 : i32 to index
        %get3A_883 = arith.index_cast %mul3A_117 : i32 to index
        %get3A_884 = tpu.vector_load %arg9[%get3A_882, %get3A_883] {strides = array<i32>} : memref<128x256xf32, #tpu.memory_space<vmem>>, vector<1x16xf32>,
        %get3A_885 = vector.shape_cast %get3A_884 : vector<1x16xf32> to vector<16xf32>
        %max3A_886 = arith.maximumf %max3A_880, %get3A_885 : vector<16xf32>
        %get3A_887 = arith.constant 116 : i32
        %get3A_888 = arith.index_cast %get3A_887 : i32 to index
        %get3A_889 = arith.index_cast %mul3A_117 : i32 to index
        %get3A_890 = tpu.vector_load %arg9[%get3A_888, %get3A_889] {strides = array<i32>} : memref<128x256xf32, #tpu.memory_space<vmem>>, vector<1x16xf32>,
        %get3A_891 = vector.shape_cast %get3A_890 : vector<1x16xf32> to vector<16xf32>
        %max3A_892 = arith.maximumf %max3A_886, %get3A_891 : vector<16xf32>
        %get3A_893 = arith.constant 117 : i32
        %get3A_894 = arith.index_cast %get3A_893 : i32 to index
        %get3A_895 = arith.index_cast %mul3A_117 : i32 to index
        %get3A_896 = tpu.vector_load %arg9[%get3A_894, %get3A_895] {strides = array<i32>} : memref<128x256xf32, #tpu.memory_space<vmem>>, vector<1x16xf32>,
        %get3A_897 = vector.shape_cast %get3A_896 : vector<1x16xf32> to vector<16xf32>
        %max3A_898 = arith.maximumf %max3A_892, %get3A_897 : vector<16xf32>
        %get3A_899 = arith.constant 118 : i32
        %get3A_900 = arith.index_cast %get3A_899 : i32 to index
        %get3A_901 = arith.index_cast %mul3A_117 : i32 to index
        %get3A_902 = tpu.vector_load %arg9[%get3A_900, %get3A_901] {strides = array<i32>} : memref<128x256xf32, #tpu.memory_space<vmem>>, vector<1x16xf32>,
        %get3A_903 = vector.shape_cast %get3A_902 : vector<1x16xf32> to vector<16xf32>
        %max3A_904 = arith.maximumf %max3A_898, %get3A_903 : vector<16xf32>
        %get3A_905 = arith.constant 119 : i32
        %get3A_906 = arith.index_cast %get3A_905 : i32 to index
        %get3A_907 = arith.index_cast %mul3A_117 : i32 to index
        %get3A_908 = tpu.vector_load %arg9[%get3A_906, %get3A_907] {strides = array<i32>} : memref<128x256xf32, #tpu.memory_space<vmem>>, vector<1x16xf32>,
        %get3A_909 = vector.shape_cast %get3A_908 : vector<1x16xf32> to vector<16xf32>
        %max3A_910 = arith.maximumf %max3A_904, %get3A_909 : vector<16xf32>
        %get3A_911 = arith.constant 120 : i32
        %get3A_912 = arith.index_cast %get3A_911 : i32 to index
        %get3A_913 = arith.index_cast %mul3A_117 : i32 to index
        %get3A_914 = tpu.vector_load %arg9[%get3A_912, %get3A_913] {strides = array<i32>} : memref<128x256xf32, #tpu.memory_space<vmem>>, vector<1x16xf32>,
        %get3A_915 = vector.shape_cast %get3A_914 : vector<1x16xf32> to vector<16xf32>
        %max3A_916 = arith.maximumf %max3A_910, %get3A_915 : vector<16xf32>
        %get3A_917 = arith.constant 121 : i32
        %get3A_918 = arith.index_cast %get3A_917 : i32 to index
        %get3A_919 = arith.index_cast %mul3A_117 : i32 to index
        %get3A_920 = tpu.vector_load %arg9[%get3A_918, %get3A_919] {strides = array<i32>} : memref<128x256xf32, #tpu.memory_space<vmem>>, vector<1x16xf32>,
        %get3A_921 = vector.shape_cast %get3A_920 : vector<1x16xf32> to vector<16xf32>
        %max3A_922 = arith.maximumf %max3A_916, %get3A_921 : vector<16xf32>
        %get3A_923 = arith.constant 122 : i32
        %get3A_924 = arith.index_cast %get3A_923 : i32 to index
        %get3A_925 = arith.index_cast %mul3A_117 : i32 to index
        %get3A_926 = tpu.vector_load %arg9[%get3A_924, %get3A_925] {strides = array<i32>} : memref<128x256xf32, #tpu.memory_space<vmem>>, vector<1x16xf32>,
        %get3A_927 = vector.shape_cast %get3A_926 : vector<1x16xf32> to vector<16xf32>
        %max3A_928 = arith.maximumf %max3A_922, %get3A_927 : vector<16xf32>
        %get3A_929 = arith.constant 123 : i32
        %get3A_930 = arith.index_cast %get3A_929 : i32 to index
        %get3A_931 = arith.index_cast %mul3A_117 : i32 to index
        %get3A_932 = tpu.vector_load %arg9[%get3A_930, %get3A_931] {strides = array<i32>} : memref<128x256xf32, #tpu.memory_space<vmem>>, vector<1x16xf32>,
        %get3A_933 = vector.shape_cast %get3A_932 : vector<1x16xf32> to vector<16xf32>
        %max3A_934 = arith.maximumf %max3A_928, %get3A_933 : vector<16xf32>
        %get3A_935 = arith.constant 124 : i32
        %get3A_936 = arith.index_cast %get3A_935 : i32 to index
        %get3A_937 = arith.index_cast %mul3A_117 : i32 to index
        %get3A_938 = tpu.vector_load %arg9[%get3A_936, %get3A_937] {strides = array<i32>} : memref<128x256xf32, #tpu.memory_space<vmem>>, vector<1x16xf32>,
        %get3A_939 = vector.shape_cast %get3A_938 : vector<1x16xf32> to vector<16xf32>
        %max3A_940 = arith.maximumf %max3A_934, %get3A_939 : vector<16xf32>
        %get3A_941 = arith.constant 125 : i32
        %get3A_942 = arith.index_cast %get3A_941 : i32 to index
        %get3A_943 = arith.index_cast %mul3A_117 : i32 to index
        %get3A_944 = tpu.vector_load %arg9[%get3A_942, %get3A_943] {strides = array<i32>} : memref<128x256xf32, #tpu.memory_space<vmem>>, vector<1x16xf32>,
        %get3A_945 = vector.shape_cast %get3A_944 : vector<1x16xf32> to vector<16xf32>
        %max3A_946 = arith.maximumf %max3A_940, %get3A_945 : vector<16xf32>
        %get3A_947 = arith.constant 126 : i32
        %get3A_948 = arith.index_cast %get3A_947 : i32 to index
        %get3A_949 = arith.index_cast %mul3A_117 : i32 to index
        %get3A_950 = tpu.vector_load %arg9[%get3A_948, %get3A_949] {strides = array<i32>} : memref<128x256xf32, #tpu.memory_space<vmem>>, vector<1x16xf32>,
        %get3A_951 = vector.shape_cast %get3A_950 : vector<1x16xf32> to vector<16xf32>
        %max3A_952 = arith.maximumf %max3A_946, %get3A_951 : vector<16xf32>
        %get3A_953 = arith.constant 127 : i32
        %get3A_954 = arith.index_cast %get3A_953 : i32 to index
        %get3A_955 = arith.index_cast %mul3A_117 : i32 to index
        %get3A_956 = tpu.vector_load %arg9[%get3A_954, %get3A_955] {strides = array<i32>} : memref<128x256xf32, #tpu.memory_space<vmem>>, vector<1x16xf32>,
        %get3A_957 = vector.shape_cast %get3A_956 : vector<1x16xf32> to vector<16xf32>
        %max3A_958 = arith.maximumf %max3A_952, %get3A_957 : vector<16xf32>
        %get3A_959 = arith.constant 7 : i32
        %get3A_960 = arith.index_cast %get3A_959 : i32 to index
        %get3A_961 = arith.index_cast %mul3A_117 : i32 to index
        %get3A_962 = tpu.vector_load %arg11[%get3A_960, %get3A_961] {strides = array<i32>} : memref<8x256xf32, #tpu.memory_space<vmem>>, vector<1x16xf32>,
        %get3A_963 = vector.shape_cast %get3A_962 : vector<1x16xf32> to vector<16xf32>
        %add3A_964 = arith.addf %get3A_963, %max3A_958 : vector<16xf32>
        %swap3A_965 = arith.constant 7 : i32
        %swap3A_966 = arith.index_cast %swap3A_965 : i32 to index
        %swap3A_967 = arith.index_cast %mul3A_117 : i32 to index
        %swap3A_968 = tpu.vector_load %arg13[%swap3A_966, %swap3A_967] {strides = array<i32>} : memref<8x256xf32, #tpu.memory_space<vmem>>, vector<1x16xf32>,
        %swap3A_969 = vector.shape_cast %swap3A_968 : vector<1x16xf32> to vector<16xf32>
        %swap3A_970 = vector.shape_cast %add3A_964 : vector<16xf32> to vector<1x16xf32>
        tpu.vector_store %arg13[%swap3A_966, %swap3A_967], %swap3A_970 {strides = array<i32>} : memref<8x256xf32, #tpu.memory_space<vmem>>, vector<1x16xf32>,
        %scan3A_971 = arith.constant 0 : i32
        scf.yield %scan3A_971 : i32
      }
      %scan3A_101 = arith.constant 16 : i32
      %dma_start3A_102 = arith.constant 0 : i32
      %dma_start3A_103 = tpu.memref_slice %arg5[%add3A_89, %dma_start3A_102] : memref<10240x256xf32, #tpu.memory_space<hbm>> -> memref<8x256xf32, #tpu.memory_space<hbm>>
      %dma_start3A_104 = arith.constant 0 : i32
      %dma_start3A_105 = tpu.memref_slice %arg5[%add3A_89, %dma_start3A_104] : memref<10240x256xf32, #tpu.memory_space<hbm>> -> memref<8x256xf32, #tpu.memory_space<hbm>>
      tpu.enqueue_dma source(%arg13 : memref<8x256xf32, #tpu.memory_space<vmem>>) target(%dma_start3A_105 : memref<8x256xf32, #tpu.memory_space<hbm>>) target_semaphore(%arg19 : memref<!tpu.dma_semaphore, #tpu.memory_space<semaphore_mem>>)
      %add3A_106 = arith.constant 2 : i32
      %add3A_107 = arith.addi %add3A_79, %add3A_106 : i32
      %lt3A_108 = arith.constant 40 : i32
      %lt3A_109 = arith.cmpi slt, %add3A_107, %lt3A_108 : i32
      %convert_element_type3A_110 = arith.extui %lt3A_109 : i1 to i32
      %cond3A_111 = arith.constant 0 : i32
      %cond3A_112 = arith.cmpi ne, %convert_element_type3A_110, %cond3A_111 : i32
      scf.if %cond3A_112 {
        %add3A_114 = arith.constant 2 : i32
        %add3A_115 = arith.addi %add3A_79, %add3A_114 : i32
        %mul3A_116 = arith.constant 16 : i32
        %mul3A_117 = arith.muli %mul3A_2, %mul3A_116 : i32
        %mul3A_118 = arith.constant 128 : i32
        %mul3A_119 = arith.muli %add3A_115, %mul3A_118 : i32
        %add3A_120 = arith.addi %mul3A_117, %mul3A_119 : i32
        "tpu.region"() ({
          %run_scoped3A = tpu.sem_alloc : memref<!tpu.dma_semaphore, #tpu.memory_space<semaphore_mem>>
          %dma_start3A_131 = tpu.memref_slice %arg2[%add3A_120] : memref<163840xi32, #tpu.memory_space<hbm>> -> memref<128xi32, #tpu.memory_space<hbm>>
          %dma_start3A_132 = tpu.memref_slice %arg2[%add3A_120] : memref<163840xi32, #tpu.memory_space<hbm>> -> memref<128xi32, #tpu.memory_space<hbm>>
          tpu.enqueue_dma source(%dma_start3A_132 : memref<128xi32, #tpu.memory_space<hbm>>) target(%arg7 : memref<128xi32, #tpu.memory_space<vmem>>) target_semaphore(%run_scoped3A : memref<!tpu.dma_semaphore, #tpu.memory_space<semaphore_mem>>)
          %dma_wait3A_133 = tpu.memref_slice %arg2[%add3A_120] : memref<163840xi32, #tpu.memory_space<hbm>> -> memref<128xi32, #tpu.memory_space<hbm>>
          %dma_wait3A_134 = tpu.memref_slice %arg2[%add3A_120] : memref<163840xi32, #tpu.memory_space<hbm>> -> memref<128xi32, #tpu.memory_space<hbm>>
          tpu.wait_dma2 semaphore(%run_scoped3A : memref<!tpu.dma_semaphore, #tpu.memory_space<semaphore_mem>>) src(%dma_wait3A_134 : memref<128xi32, #tpu.memory_space<hbm>>) dst(%arg7 : memref<128xi32, #tpu.memory_space<vmem>>)
          tpu.yield
        }) : () -> ()
        %dma_start3A_121 = arith.constant 0 : i32
        %dma_start3A_122 = arith.constant 0 : i32
        %dma_start3A_123 = tpu.memref_slice %arg3[%dma_start3A_121, %dma_start3A_122] : memref<10240x256xf32, #tpu.memory_space<hbm>> -> memref<10240x256xf32, #tpu.memory_space<hbm>>
        tpu.enqueue_indirect_dma source(%dma_start3A_123 : memref<10240x256xf32, #tpu.memory_space<hbm>>) target(%arg9 : memref<128x256xf32, #tpu.memory_space<vmem>>) offsets(%arg7 : memref<128xi32, #tpu.memory_space<vmem>>) semaphore(%arg15 : memref<!tpu.dma_semaphore, #tpu.memory_space<semaphore_mem>>)
        %mul3A_124 = arith.constant 8 : i32
        %mul3A_125 = arith.muli %add3A_115, %mul3A_124 : i32
        %add3A_126 = arith.addi %mul3A_2, %mul3A_125 : i32
        %dma_start3A_127 = arith.constant 0 : i32
        %dma_start3A_128 = tpu.memref_slice %arg4[%add3A_126, %dma_start3A_127] : memref<10240x256xf32, #tpu.memory_space<hbm>> -> memref<8x256xf32, #tpu.memory_space<hbm>>
        %dma_start3A_129 = arith.constant 0 : i32
        %dma_start3A_130 = tpu.memref_slice %arg4[%add3A_126, %dma_start3A_129] : memref<10240x256xf32, #tpu.memory_space<hbm>> -> memref<8x256xf32, #tpu.memory_space<hbm>>
        tpu.enqueue_dma source(%dma_start3A_130 : memref<8x256xf32, #tpu.memory_space<hbm>>) target(%arg11 : memref<8x256xf32, #tpu.memory_space<vmem>>) target_semaphore(%arg17 : memref<!tpu.dma_semaphore, #tpu.memory_space<semaphore_mem>>)
      } else {
      }
      %scan3A_113 = arith.constant 0 : i32
      scf.yield %scan3A_113 : i32
    }
    %scan3A_33 = arith.constant 20 : i32
    %dma_wait3A = arith.constant 0 : i32
    %dma_wait3A_34 = tpu.memref_slice %arg5[%mul3A_2, %dma_wait3A] : memref<10240x256xf32, #tpu.memory_space<hbm>> -> memref<8x256xf32, #tpu.memory_space<hbm>>
    %dma_wait3A_35 = arith.constant 0 : i32
    %dma_wait3A_36 = tpu.memref_slice %arg5[%mul3A_2, %dma_wait3A_35] : memref<10240x256xf32, #tpu.memory_space<hbm>> -> memref<8x256xf32, #tpu.memory_space<hbm>>
    tpu.wait_dma2 semaphore(%arg18 : memref<!tpu.dma_semaphore, #tpu.memory_space<semaphore_mem>>) src(%arg12 : memref<8x256xf32, #tpu.memory_space<vmem>>) dst(%dma_wait3A_36 : memref<8x256xf32, #tpu.memory_space<hbm>>)
    %dma_wait3A_37 = arith.constant 0 : i32
    %dma_wait3A_38 = tpu.memref_slice %arg5[%mul3A_2, %dma_wait3A_37] : memref<10240x256xf32, #tpu.memory_space<hbm>> -> memref<8x256xf32, #tpu.memory_space<hbm>>
    %dma_wait3A_39 = arith.constant 0 : i32
    %dma_wait3A_40 = tpu.memref_slice %arg5[%mul3A_2, %dma_wait3A_39] : memref<10240x256xf32, #tpu.memory_space<hbm>> -> memref<8x256xf32, #tpu.memory_space<hbm>>
    tpu.wait_dma2 semaphore(%arg19 : memref<!tpu.dma_semaphore, #tpu.memory_space<semaphore_mem>>) src(%arg13 : memref<8x256xf32, #tpu.memory_space<vmem>>) dst(%dma_wait3A_40 : memref<8x256xf32, #tpu.memory_space<hbm>>)
    return
  }
}

module attributes {stable_mosaic.version = 14 : i64} {
  func.func @_proj_body(%arg0: i32, %arg1: memref<128x128xf32, #tpu.memory_space<vmem>>, %arg2: memref<128x256xf32, #tpu.memory_space<vmem>>, %arg3: memref<128x256xf32, #tpu.memory_space<vmem>>, %arg4: memref<1x256xf32, #tpu.memory_space<vmem>>, %arg5: memref<128x256xf32, #tpu.memory_space<vmem>>, %arg6: memref<128x256xf32, #tpu.memory_space<vmem>>, %arg7: memref<128x1xf32, #tpu.memory_space<vmem>>, %arg8: memref<128x128xf32, #tpu.memory_space<vmem>>) attributes {dimension_semantics = [#tpu.dimension_semantics<arbitrary>], iteration_bounds = array<i64: 80>, scalar_prefetch = 0 : i64, scratch_operands = 0 : i64, tpu.core_type = #tpu.core_type<tc>, window_params = [{transform_indices = @transform_0, window_bounds = array<i64: 128, 128>}, {pipeline_mode = #tpu.pipeline_mode<synchronous>, transform_indices = @transform_1, window_bounds = array<i64: 128, 256>}, {pipeline_mode = #tpu.pipeline_mode<synchronous>, transform_indices = @transform_2, window_bounds = array<i64: 128, 256>}, {pipeline_mode = #tpu.pipeline_mode<synchronous>, transform_indices = @transform_3, window_bounds = array<i64: 1, 256>}, {transform_indices = @transform_4, window_bounds = array<i64: 128, 256>}, {transform_indices = @transform_5, window_bounds = array<i64: 128, 256>}, {transform_indices = @transform_6, window_bounds = array<i64: 128, 1>}, {transform_indices = @transform_7, window_bounds = array<i64: 128, 128>}]} {
    %get3A = arith.constant 0 : index
    %get3A_0 = arith.constant 0 : index
    %get3A_1 = vector.load %arg1[%get3A, %get3A_0] : memref<128x128xf32, #tpu.memory_space<vmem>>, vector<128x128xf32>
    %get3A_2 = arith.constant 0 : index
    %get3A_3 = arith.constant 0 : index
    %get3A_4 = vector.load %arg2[%get3A_2, %get3A_3] : memref<128x256xf32, #tpu.memory_space<vmem>>, vector<128x256xf32>
    %dot_general3A = arith.constant dense<0.000000e+00> : vector<128x256xf32>
    %dot_general3A_5 = tpu.matmul %get3A_1, %get3A_4, %dot_general3A {dimension_numbers = #tpu.dot_dimension_numbers<[1], [0], [0], [1], [0, 0, 1, 1], [], []>, transpose_lhs_hint = false} : vector<128x128xf32>, vector<128x256xf32>, vector<128x256xf32> -> vector<128x256xf32>
    %get3A_6 = arith.constant 0 : index
    %get3A_7 = arith.constant 0 : index
    %get3A_8 = vector.load %arg4[%get3A_6, %get3A_7] : memref<1x256xf32, #tpu.memory_space<vmem>>, vector<1x256xf32>
    %add3A = vector.broadcast %get3A_8 : vector<1x256xf32> to vector<128x256xf32>
    %add3A_9 = arith.addf %dot_general3A_5, %add3A : vector<128x256xf32>
    %swap3A = arith.constant 0 : index
    %swap3A_10 = arith.constant 0 : index
    %swap3A_11 = vector.load %arg5[%swap3A, %swap3A_10] : memref<128x256xf32, #tpu.memory_space<vmem>>, vector<128x256xf32>
    tpu.vector_store %arg5[%swap3A, %swap3A_10], %add3A_9 {strides = array<i32>} : memref<128x256xf32, #tpu.memory_space<vmem>>, vector<128x256xf32>,
    %get3A_12 = arith.constant 0 : index
    %get3A_13 = arith.constant 0 : index
    %get3A_14 = vector.load %arg3[%get3A_12, %get3A_13] : memref<128x256xf32, #tpu.memory_space<vmem>>, vector<128x256xf32>
    %dot_general3A_15 = arith.constant dense<0.000000e+00> : vector<128x256xf32>
    %dot_general3A_16 = tpu.matmul %get3A_1, %get3A_14, %dot_general3A_15 {dimension_numbers = #tpu.dot_dimension_numbers<[1], [0], [0], [1], [0, 0, 1, 1], [], []>, transpose_lhs_hint = false} : vector<128x128xf32>, vector<128x256xf32>, vector<128x256xf32> -> vector<128x256xf32>
    %swap3A_17 = arith.constant 0 : index
    %swap3A_18 = arith.constant 0 : index
    %swap3A_19 = vector.load %arg6[%swap3A_17, %swap3A_18] : memref<128x256xf32, #tpu.memory_space<vmem>>, vector<128x256xf32>
    tpu.vector_store %arg6[%swap3A_17, %swap3A_18], %dot_general3A_16 {strides = array<i32>} : memref<128x256xf32, #tpu.memory_space<vmem>>, vector<128x256xf32>,
    %mul3A = arith.mulf %get3A_1, %get3A_1 : vector<128x128xf32>
    %reduce_sum3A = arith.constant dense<0.000000e+00> : vector<128xf32>
    %reduce_sum3A_20 = vector.multi_reduction <add>, %mul3A, %reduce_sum3A [1] : vector<128x128xf32> to vector<128xf32>
    %broadcast_in_dim3A = vector.shape_cast %reduce_sum3A_20 : vector<128xf32> to vector<128x1xf32>
    %swap3A_21 = arith.constant 0 : index
    %swap3A_22 = arith.constant 0 : index
    %swap3A_23 = vector.load %arg7[%swap3A_21, %swap3A_22] : memref<128x1xf32, #tpu.memory_space<vmem>>, vector<128x1xf32>
    tpu.vector_store %arg7[%swap3A_21, %swap3A_22], %broadcast_in_dim3A {strides = array<i32>} : memref<128x1xf32, #tpu.memory_space<vmem>>, vector<128x1xf32>,
    %transpose3A = tpu.transpose %get3A_1, [1, 0] : vector<128x128xf32> -> vector<128x128xf32>
    %mul3A_24 = arith.constant -2.000000e+00 : f32
    %mul3A_25 = vector.broadcast %mul3A_24 : f32 to vector<128x128xf32>
    %mul3A_26 = arith.mulf %mul3A_25, %transpose3A : vector<128x128xf32>
    %swap3A_27 = arith.constant 0 : index
    %swap3A_28 = arith.constant 0 : index
    %swap3A_29 = vector.load %arg8[%swap3A_27, %swap3A_28] : memref<128x128xf32, #tpu.memory_space<vmem>>, vector<128x128xf32>
    tpu.vector_store %arg8[%swap3A_27, %swap3A_28], %mul3A_26 {strides = array<i32>} : memref<128x128xf32, #tpu.memory_space<vmem>>, vector<128x128xf32>,
    return
  }
  func.func @transform_0(%arg0: i32) -> (i32, i32) {
    %c0_i32 = arith.constant 0 : i32
    %c0_i32_0 = arith.constant 0 : i32
    return %arg0, %c0_i32 : i32, i32
  }
  func.func @transform_1(%arg0: i32) -> (i32, i32) {
    %c0_i32 = arith.constant 0 : i32
    %c0_i32_0 = arith.constant 0 : i32
    %c0_i32_1 = arith.constant 0 : i32
    return %c0_i32, %c0_i32_0 : i32, i32
  }
  func.func @transform_2(%arg0: i32) -> (i32, i32) {
    %c0_i32 = arith.constant 0 : i32
    %c0_i32_0 = arith.constant 0 : i32
    %c0_i32_1 = arith.constant 0 : i32
    return %c0_i32, %c0_i32_0 : i32, i32
  }
  func.func @transform_3(%arg0: i32) -> (i32, i32) {
    %c0_i32 = arith.constant 0 : i32
    %c0_i32_0 = arith.constant 0 : i32
    %c0_i32_1 = arith.constant 0 : i32
    return %c0_i32, %c0_i32_0 : i32, i32
  }
  func.func @transform_4(%arg0: i32) -> (i32, i32) {
    %c0_i32 = arith.constant 0 : i32
    %c0_i32_0 = arith.constant 0 : i32
    return %arg0, %c0_i32 : i32, i32
  }
  func.func @transform_5(%arg0: i32) -> (i32, i32) {
    %c0_i32 = arith.constant 0 : i32
    %c0_i32_0 = arith.constant 0 : i32
    return %arg0, %c0_i32 : i32, i32
  }
  func.func @transform_6(%arg0: i32) -> (i32, i32) {
    %c0_i32 = arith.constant 0 : i32
    %c0_i32_0 = arith.constant 0 : i32
    return %arg0, %c0_i32 : i32, i32
  }
  func.func @transform_7(%arg0: i32) -> (i32, i32) {
    %c0_i32 = arith.constant 0 : i32
    %c0_i32_0 = arith.constant 0 : i32
    return %c0_i32, %arg0 : i32, i32
  }
}

module attributes {stable_mosaic.version = 14 : i64} {
  func.func @_topk_body(%arg0: i32, %arg1: memref<10240x128xf32, #tpu.memory_space<vmem>>, %arg2: memref<128x128xf32, #tpu.memory_space<vmem>>, %arg3: memref<10240x1xf32, #tpu.memory_space<vmem>>, %arg4: memref<16x128xi32, #tpu.memory_space<vmem>>) attributes {dimension_semantics = [#tpu.dimension_semantics<arbitrary>], iteration_bounds = array<i64: 80>, scalar_prefetch = 0 : i64, scratch_operands = 0 : i64, tpu.core_type = #tpu.core_type<tc>, window_params = [{pipeline_mode = #tpu.pipeline_mode<synchronous>, transform_indices = @transform_0, window_bounds = array<i64: 10240, 128>}, {transform_indices = @transform_1, window_bounds = array<i64: 128, 128>}, {pipeline_mode = #tpu.pipeline_mode<synchronous>, transform_indices = @transform_2, window_bounds = array<i64: 10240, 1>}, {transform_indices = @transform_3, window_bounds = array<i64: 16, 128>}]} {
    %get3A = arith.constant 0 : index
    %get3A_0 = arith.constant 0 : index
    %get3A_1 = vector.load %arg1[%get3A, %get3A_0] : memref<10240x128xf32, #tpu.memory_space<vmem>>, vector<10240x128xf32>
    %get3A_2 = arith.constant 0 : index
    %get3A_3 = arith.constant 0 : index
    %get3A_4 = vector.load %arg2[%get3A_2, %get3A_3] : memref<128x128xf32, #tpu.memory_space<vmem>>, vector<128x128xf32>
    %get3A_5 = arith.constant 0 : index
    %get3A_6 = arith.constant 0 : index
    %get3A_7 = vector.load %arg3[%get3A_5, %get3A_6] : memref<10240x1xf32, #tpu.memory_space<vmem>>, vector<10240x1xf32>
    %mul3A = arith.mulf %get3A_4, %get3A_4 : vector<128x128xf32>
    %reduce_sum3A = arith.constant dense<0.000000e+00> : vector<128xf32>
    %reduce_sum3A_8 = vector.multi_reduction <add>, %mul3A, %reduce_sum3A [0] : vector<128x128xf32> to vector<128xf32>
    %broadcast_in_dim3A = vector.shape_cast %reduce_sum3A_8 : vector<128xf32> to vector<1x128xf32>
    %mul3A_9 = arith.constant 2.500000e-01 : f32
    %mul3A_10 = vector.broadcast %mul3A_9 : f32 to vector<1x128xf32>
    %mul3A_11 = arith.mulf %mul3A_10, %broadcast_in_dim3A : vector<1x128xf32>
    %add3A = vector.broadcast %get3A_7 : vector<10240x1xf32> to vector<10240x128xf32>
    %add3A_12 = vector.broadcast %mul3A_11 : vector<1x128xf32> to vector<10240x128xf32>
    %add3A_13 = arith.addf %add3A, %add3A_12 : vector<10240x128xf32>
    %dot_general3A = arith.constant dense<0.000000e+00> : vector<10240x128xf32>
    %dot_general3A_14 = tpu.matmul %get3A_1, %get3A_4, %dot_general3A {dimension_numbers = #tpu.dot_dimension_numbers<[1], [0], [0], [1], [0, 0, 1, 1], [], []>, transpose_lhs_hint = false} : vector<10240x128xf32>, vector<128x128xf32>, vector<10240x128xf32> -> vector<10240x128xf32>
    %add3A_15 = arith.addf %add3A_13, %dot_general3A_14 : vector<10240x128xf32>
    %reshape3A = vector.shape_cast %add3A_15 : vector<10240x128xf32> to vector<160x64x128xf32>
    %iota3A = tpu.iota {dimensions = array<i32: 1>} : vector<160x64x128xi32>
    %convert_element_type3A = arith.sitofp %iota3A : vector<160x64x128xi32> to vector<160x64x128xf32>
    %reduce_min3A = arith.constant dense<0x7F800000> : vector<160x128xf32>
    %reduce_min3A_16 = vector.multi_reduction <minimumf>, %reshape3A, %reduce_min3A [1] : vector<160x64x128xf32> to vector<160x128xf32>
    %broadcast_in_dim3A_17 = vector.shape_cast %reduce_min3A_16 : vector<160x128xf32> to vector<160x1x128xf32>
    %eq3A = vector.broadcast %broadcast_in_dim3A_17 : vector<160x1x128xf32> to vector<160x64x128xf32>
    %eq3A_18 = arith.cmpf oeq, %reshape3A, %eq3A : vector<160x64x128xf32>
    %jit3A = arith.constant 6.400000e+01 : f32
    %broadcast_in_dim3A_19 = vector.broadcast %jit3A : f32 to vector<160x64x128xf32>
    %select_n3A = arith.select %eq3A_18, %convert_element_type3A, %broadcast_in_dim3A_19 : vector<160x64x128xi1>, vector<160x64x128xf32>
    %reduce_min3A_20 = arith.constant dense<0x7F800000> : vector<160x128xf32>
    %reduce_min3A_21 = vector.multi_reduction <minimumf>, %select_n3A, %reduce_min3A_20 [1] : vector<160x64x128xf32> to vector<160x128xf32>
    %jit3A_22 = arith.constant 0x7F800000 : f32
    %broadcast_in_dim3A_23 = vector.broadcast %jit3A_22 : f32 to vector<160x64x128xf32>
    %select_n3A_24 = arith.select %eq3A_18, %broadcast_in_dim3A_23, %reshape3A : vector<160x64x128xi1>, vector<160x64x128xf32>
    %reduce_min3A_25 = arith.constant dense<0x7F800000> : vector<160x128xf32>
    %reduce_min3A_26 = vector.multi_reduction <minimumf>, %select_n3A_24, %reduce_min3A_25 [1] : vector<160x64x128xf32> to vector<160x128xf32>
    %broadcast_in_dim3A_27 = vector.shape_cast %reduce_min3A_26 : vector<160x128xf32> to vector<160x1x128xf32>
    %eq3A_28 = vector.broadcast %broadcast_in_dim3A_27 : vector<160x1x128xf32> to vector<160x64x128xf32>
    %eq3A_29 = arith.cmpf oeq, %select_n3A_24, %eq3A_28 : vector<160x64x128xf32>
    %jit3A_30 = arith.constant 6.400000e+01 : f32
    %broadcast_in_dim3A_31 = vector.broadcast %jit3A_30 : f32 to vector<160x64x128xf32>
    %select_n3A_32 = arith.select %eq3A_29, %convert_element_type3A, %broadcast_in_dim3A_31 : vector<160x64x128xi1>, vector<160x64x128xf32>
    %reduce_min3A_33 = arith.constant dense<0x7F800000> : vector<160x128xf32>
    %reduce_min3A_34 = vector.multi_reduction <minimumf>, %select_n3A_32, %reduce_min3A_33 [1] : vector<160x64x128xf32> to vector<160x128xf32>
    %jit3A_35 = arith.constant 0x7F800000 : f32
    %broadcast_in_dim3A_36 = vector.broadcast %jit3A_35 : f32 to vector<160x64x128xf32>
    %select_n3A_37 = arith.select %eq3A_29, %broadcast_in_dim3A_36, %select_n3A_24 : vector<160x64x128xi1>, vector<160x64x128xf32>
    %reduce_min3A_38 = arith.constant dense<0x7F800000> : vector<160x128xf32>
    %reduce_min3A_39 = vector.multi_reduction <minimumf>, %select_n3A_37, %reduce_min3A_38 [1] : vector<160x64x128xf32> to vector<160x128xf32>
    %broadcast_in_dim3A_40 = vector.shape_cast %reduce_min3A_39 : vector<160x128xf32> to vector<160x1x128xf32>
    %eq3A_41 = vector.broadcast %broadcast_in_dim3A_40 : vector<160x1x128xf32> to vector<160x64x128xf32>
    %eq3A_42 = arith.cmpf oeq, %select_n3A_37, %eq3A_41 : vector<160x64x128xf32>
    %jit3A_43 = arith.constant 6.400000e+01 : f32
    %broadcast_in_dim3A_44 = vector.broadcast %jit3A_43 : f32 to vector<160x64x128xf32>
    %select_n3A_45 = arith.select %eq3A_42, %convert_element_type3A, %broadcast_in_dim3A_44 : vector<160x64x128xi1>, vector<160x64x128xf32>
    %reduce_min3A_46 = arith.constant dense<0x7F800000> : vector<160x128xf32>
    %reduce_min3A_47 = vector.multi_reduction <minimumf>, %select_n3A_45, %reduce_min3A_46 [1] : vector<160x64x128xf32> to vector<160x128xf32>
    %iota3A_48 = tpu.iota {dimensions = array<i32: 0>} : vector<160x128xi32>
    %convert_element_type3A_49 = arith.sitofp %iota3A_48 : vector<160x128xi32> to vector<160x128xf32>
    %iota3A_50 = tpu.iota {dimensions = array<i32: 0>} : vector<16x128xi32>
    %broadcast_in_dim3A_51 = arith.constant 0 : i32
    %broadcast_in_dim3A_52 = vector.broadcast %broadcast_in_dim3A_51 : i32 to vector<16x128xi32>
    %reduce_min3A_53 = arith.constant dense<0x7F800000> : vector<128xf32>
    %reduce_min3A_54 = vector.multi_reduction <minimumf>, %reduce_min3A_16, %reduce_min3A_53 [0] : vector<160x128xf32> to vector<128xf32>
    %broadcast_in_dim3A_55 = vector.shape_cast %reduce_min3A_54 : vector<128xf32> to vector<1x128xf32>
    %eq3A_56 = vector.broadcast %broadcast_in_dim3A_55 : vector<1x128xf32> to vector<160x128xf32>
    %eq3A_57 = arith.cmpf oeq, %reduce_min3A_16, %eq3A_56 : vector<160x128xf32>
    %jit3A_58 = arith.constant 1.600000e+02 : f32
    %broadcast_in_dim3A_59 = vector.broadcast %jit3A_58 : f32 to vector<160x128xf32>
    %select_n3A_60 = arith.select %eq3A_57, %convert_element_type3A_49, %broadcast_in_dim3A_59 : vector<160x128xi1>, vector<160x128xf32>
    %reduce_min3A_61 = arith.constant dense<0x7F800000> : vector<128xf32>
    %reduce_min3A_62 = vector.multi_reduction <minimumf>, %select_n3A_60, %reduce_min3A_61 [0] : vector<160x128xf32> to vector<128xf32>
    %broadcast_in_dim3A_63 = vector.shape_cast %reduce_min3A_62 : vector<128xf32> to vector<1x128xf32>
    %eq3A_64 = vector.broadcast %broadcast_in_dim3A_63 : vector<1x128xf32> to vector<160x128xf32>
    %eq3A_65 = arith.cmpf oeq, %convert_element_type3A_49, %eq3A_64 : vector<160x128xf32>
    %select_n3A_66 = arith.select %eq3A_65, %reduce_min3A_26, %reduce_min3A_16 : vector<160x128xi1>, vector<160x128xf32>
    %select_n3A_67 = arith.select %eq3A_65, %reduce_min3A_34, %reduce_min3A_21 : vector<160x128xi1>, vector<160x128xf32>
    %select_n3A_68 = arith.select %eq3A_65, %reduce_min3A_39, %reduce_min3A_26 : vector<160x128xi1>, vector<160x128xf32>
    %select_n3A_69 = arith.select %eq3A_65, %reduce_min3A_47, %reduce_min3A_34 : vector<160x128xi1>, vector<160x128xf32>
    %jit3A_70 = arith.constant 0x7F800000 : f32
    %broadcast_in_dim3A_71 = vector.broadcast %jit3A_70 : f32 to vector<160x128xf32>
    %select_n3A_72 = arith.select %eq3A_65, %broadcast_in_dim3A_71, %reduce_min3A_39 : vector<160x128xi1>, vector<160x128xf32>
    %reduce_min3A_73 = arith.constant dense<0x7F800000> : vector<128xf32>
    %reduce_min3A_74 = vector.multi_reduction <minimumf>, %select_n3A_66, %reduce_min3A_73 [0] : vector<160x128xf32> to vector<128xf32>
    %broadcast_in_dim3A_75 = vector.shape_cast %reduce_min3A_74 : vector<128xf32> to vector<1x128xf32>
    %eq3A_76 = vector.broadcast %broadcast_in_dim3A_75 : vector<1x128xf32> to vector<160x128xf32>
    %eq3A_77 = arith.cmpf oeq, %select_n3A_66, %eq3A_76 : vector<160x128xf32>
    %jit3A_78 = arith.constant 1.600000e+02 : f32
    %broadcast_in_dim3A_79 = vector.broadcast %jit3A_78 : f32 to vector<160x128xf32>
    %select_n3A_80 = arith.select %eq3A_77, %convert_element_type3A_49, %broadcast_in_dim3A_79 : vector<160x128xi1>, vector<160x128xf32>
    %reduce_min3A_81 = arith.constant dense<0x7F800000> : vector<128xf32>
    %reduce_min3A_82 = vector.multi_reduction <minimumf>, %select_n3A_80, %reduce_min3A_81 [0] : vector<160x128xf32> to vector<128xf32>
    %broadcast_in_dim3A_83 = vector.shape_cast %reduce_min3A_82 : vector<128xf32> to vector<1x128xf32>
    %eq3A_84 = vector.broadcast %broadcast_in_dim3A_83 : vector<1x128xf32> to vector<160x128xf32>
    %eq3A_85 = arith.cmpf oeq, %convert_element_type3A_49, %eq3A_84 : vector<160x128xf32>
    %jit3A_86 = arith.constant 6.400000e+01 : f32
    %broadcast_in_dim3A_87 = vector.broadcast %jit3A_86 : f32 to vector<160x128xf32>
    %select_n3A_88 = arith.select %eq3A_85, %select_n3A_67, %broadcast_in_dim3A_87 : vector<160x128xi1>, vector<160x128xf32>
    %reduce_min3A_89 = arith.constant dense<0x7F800000> : vector<128xf32>
    %reduce_min3A_90 = vector.multi_reduction <minimumf>, %select_n3A_88, %reduce_min3A_89 [0] : vector<160x128xf32> to vector<128xf32>
    %broadcast_in_dim3A_91 = vector.shape_cast %reduce_min3A_90 : vector<128xf32> to vector<1x128xf32>
    %mul3A_92 = arith.constant 6.400000e+01 : f32
    %mul3A_93 = vector.broadcast %mul3A_92 : f32 to vector<1x128xf32>
    %mul3A_94 = arith.mulf %broadcast_in_dim3A_83, %mul3A_93 : vector<1x128xf32>
    %add3A_95 = arith.addf %mul3A_94, %broadcast_in_dim3A_91 : vector<1x128xf32>
    %convert_element_type3A_96 = arith.fptosi %add3A_95 : vector<1x128xf32> to vector<1x128xi32>
    %eq3A_97 = arith.constant 0 : i32
    %eq3A_98 = vector.broadcast %eq3A_97 : i32 to vector<16x128xi32>
    %eq3A_99 = arith.cmpi eq, %iota3A_50, %eq3A_98 : vector<16x128xi32>
    %broadcast_in_dim3A_100 = vector.shape_cast %convert_element_type3A_96 : vector<1x128xi32> to vector<1x128xi32>
    %broadcast_in_dim3A_101 = vector.broadcast %broadcast_in_dim3A_100 : vector<1x128xi32> to vector<16x128xi32>
    %select_n3A_102 = arith.select %eq3A_99, %broadcast_in_dim3A_101, %broadcast_in_dim3A_52 : vector<16x128xi1>, vector<16x128xi32>
    %select_n3A_103 = arith.select %eq3A_85, %select_n3A_68, %select_n3A_66 : vector<160x128xi1>, vector<160x128xf32>
    %select_n3A_104 = arith.select %eq3A_85, %select_n3A_69, %select_n3A_67 : vector<160x128xi1>, vector<160x128xf32>
    %select_n3A_105 = arith.select %eq3A_85, %select_n3A_72, %select_n3A_68 : vector<160x128xi1>, vector<160x128xf32>
    %select_n3A_106 = arith.select %eq3A_85, %reduce_min3A_47, %select_n3A_69 : vector<160x128xi1>, vector<160x128xf32>
    %jit3A_107 = arith.constant 0x7F800000 : f32
    %broadcast_in_dim3A_108 = vector.broadcast %jit3A_107 : f32 to vector<160x128xf32>
    %select_n3A_109 = arith.select %eq3A_85, %broadcast_in_dim3A_108, %select_n3A_72 : vector<160x128xi1>, vector<160x128xf32>
    %reduce_min3A_110 = arith.constant dense<0x7F800000> : vector<128xf32>
    %reduce_min3A_111 = vector.multi_reduction <minimumf>, %select_n3A_103, %reduce_min3A_110 [0] : vector<160x128xf32> to vector<128xf32>
    %broadcast_in_dim3A_112 = vector.shape_cast %reduce_min3A_111 : vector<128xf32> to vector<1x128xf32>
    %eq3A_113 = vector.broadcast %broadcast_in_dim3A_112 : vector<1x128xf32> to vector<160x128xf32>
    %eq3A_114 = arith.cmpf oeq, %select_n3A_103, %eq3A_113 : vector<160x128xf32>
    %jit3A_115 = arith.constant 1.600000e+02 : f32
    %broadcast_in_dim3A_116 = vector.broadcast %jit3A_115 : f32 to vector<160x128xf32>
    %select_n3A_117 = arith.select %eq3A_114, %convert_element_type3A_49, %broadcast_in_dim3A_116 : vector<160x128xi1>, vector<160x128xf32>
    %reduce_min3A_118 = arith.constant dense<0x7F800000> : vector<128xf32>
    %reduce_min3A_119 = vector.multi_reduction <minimumf>, %select_n3A_117, %reduce_min3A_118 [0] : vector<160x128xf32> to vector<128xf32>
    %broadcast_in_dim3A_120 = vector.shape_cast %reduce_min3A_119 : vector<128xf32> to vector<1x128xf32>
    %eq3A_121 = vector.broadcast %broadcast_in_dim3A_120 : vector<1x128xf32> to vector<160x128xf32>
    %eq3A_122 = arith.cmpf oeq, %convert_element_type3A_49, %eq3A_121 : vector<160x128xf32>
    %jit3A_123 = arith.constant 6.400000e+01 : f32
    %broadcast_in_dim3A_124 = vector.broadcast %jit3A_123 : f32 to vector<160x128xf32>
    %select_n3A_125 = arith.select %eq3A_122, %select_n3A_104, %broadcast_in_dim3A_124 : vector<160x128xi1>, vector<160x128xf32>
    %reduce_min3A_126 = arith.constant dense<0x7F800000> : vector<128xf32>
    %reduce_min3A_127 = vector.multi_reduction <minimumf>, %select_n3A_125, %reduce_min3A_126 [0] : vector<160x128xf32> to vector<128xf32>
    %broadcast_in_dim3A_128 = vector.shape_cast %reduce_min3A_127 : vector<128xf32> to vector<1x128xf32>
    %mul3A_129 = arith.constant 6.400000e+01 : f32
    %mul3A_130 = vector.broadcast %mul3A_129 : f32 to vector<1x128xf32>
    %mul3A_131 = arith.mulf %broadcast_in_dim3A_120, %mul3A_130 : vector<1x128xf32>
    %add3A_132 = arith.addf %mul3A_131, %broadcast_in_dim3A_128 : vector<1x128xf32>
    %convert_element_type3A_133 = arith.fptosi %add3A_132 : vector<1x128xf32> to vector<1x128xi32>
    %eq3A_134 = arith.constant 1 : i32
    %eq3A_135 = vector.broadcast %eq3A_134 : i32 to vector<16x128xi32>
    %eq3A_136 = arith.cmpi eq, %iota3A_50, %eq3A_135 : vector<16x128xi32>
    %broadcast_in_dim3A_137 = vector.shape_cast %convert_element_type3A_133 : vector<1x128xi32> to vector<1x128xi32>
    %broadcast_in_dim3A_138 = vector.broadcast %broadcast_in_dim3A_137 : vector<1x128xi32> to vector<16x128xi32>
    %select_n3A_139 = arith.select %eq3A_136, %broadcast_in_dim3A_138, %select_n3A_102 : vector<16x128xi1>, vector<16x128xi32>
    %select_n3A_140 = arith.select %eq3A_122, %select_n3A_105, %select_n3A_103 : vector<160x128xi1>, vector<160x128xf32>
    %select_n3A_141 = arith.select %eq3A_122, %select_n3A_106, %select_n3A_104 : vector<160x128xi1>, vector<160x128xf32>
    %select_n3A_142 = arith.select %eq3A_122, %select_n3A_109, %select_n3A_105 : vector<160x128xi1>, vector<160x128xf32>
    %select_n3A_143 = arith.select %eq3A_122, %reduce_min3A_47, %select_n3A_106 : vector<160x128xi1>, vector<160x128xf32>
    %jit3A_144 = arith.constant 0x7F800000 : f32
    %broadcast_in_dim3A_145 = vector.broadcast %jit3A_144 : f32 to vector<160x128xf32>
    %select_n3A_146 = arith.select %eq3A_122, %broadcast_in_dim3A_145, %select_n3A_109 : vector<160x128xi1>, vector<160x128xf32>
    %reduce_min3A_147 = arith.constant dense<0x7F800000> : vector<128xf32>
    %reduce_min3A_148 = vector.multi_reduction <minimumf>, %select_n3A_140, %reduce_min3A_147 [0] : vector<160x128xf32> to vector<128xf32>
    %broadcast_in_dim3A_149 = vector.shape_cast %reduce_min3A_148 : vector<128xf32> to vector<1x128xf32>
    %eq3A_150 = vector.broadcast %broadcast_in_dim3A_149 : vector<1x128xf32> to vector<160x128xf32>
    %eq3A_151 = arith.cmpf oeq, %select_n3A_140, %eq3A_150 : vector<160x128xf32>
    %jit3A_152 = arith.constant 1.600000e+02 : f32
    %broadcast_in_dim3A_153 = vector.broadcast %jit3A_152 : f32 to vector<160x128xf32>
    %select_n3A_154 = arith.select %eq3A_151, %convert_element_type3A_49, %broadcast_in_dim3A_153 : vector<160x128xi1>, vector<160x128xf32>
    %reduce_min3A_155 = arith.constant dense<0x7F800000> : vector<128xf32>
    %reduce_min3A_156 = vector.multi_reduction <minimumf>, %select_n3A_154, %reduce_min3A_155 [0] : vector<160x128xf32> to vector<128xf32>
    %broadcast_in_dim3A_157 = vector.shape_cast %reduce_min3A_156 : vector<128xf32> to vector<1x128xf32>
    %eq3A_158 = vector.broadcast %broadcast_in_dim3A_157 : vector<1x128xf32> to vector<160x128xf32>
    %eq3A_159 = arith.cmpf oeq, %convert_element_type3A_49, %eq3A_158 : vector<160x128xf32>
    %jit3A_160 = arith.constant 6.400000e+01 : f32
    %broadcast_in_dim3A_161 = vector.broadcast %jit3A_160 : f32 to vector<160x128xf32>
    %select_n3A_162 = arith.select %eq3A_159, %select_n3A_141, %broadcast_in_dim3A_161 : vector<160x128xi1>, vector<160x128xf32>
    %reduce_min3A_163 = arith.constant dense<0x7F800000> : vector<128xf32>
    %reduce_min3A_164 = vector.multi_reduction <minimumf>, %select_n3A_162, %reduce_min3A_163 [0] : vector<160x128xf32> to vector<128xf32>
    %broadcast_in_dim3A_165 = vector.shape_cast %reduce_min3A_164 : vector<128xf32> to vector<1x128xf32>
    %mul3A_166 = arith.constant 6.400000e+01 : f32
    %mul3A_167 = vector.broadcast %mul3A_166 : f32 to vector<1x128xf32>
    %mul3A_168 = arith.mulf %broadcast_in_dim3A_157, %mul3A_167 : vector<1x128xf32>
    %add3A_169 = arith.addf %mul3A_168, %broadcast_in_dim3A_165 : vector<1x128xf32>
    %convert_element_type3A_170 = arith.fptosi %add3A_169 : vector<1x128xf32> to vector<1x128xi32>
    %eq3A_171 = arith.constant 2 : i32
    %eq3A_172 = vector.broadcast %eq3A_171 : i32 to vector<16x128xi32>
    %eq3A_173 = arith.cmpi eq, %iota3A_50, %eq3A_172 : vector<16x128xi32>
    %broadcast_in_dim3A_174 = vector.shape_cast %convert_element_type3A_170 : vector<1x128xi32> to vector<1x128xi32>
    %broadcast_in_dim3A_175 = vector.broadcast %broadcast_in_dim3A_174 : vector<1x128xi32> to vector<16x128xi32>
    %select_n3A_176 = arith.select %eq3A_173, %broadcast_in_dim3A_175, %select_n3A_139 : vector<16x128xi1>, vector<16x128xi32>
    %select_n3A_177 = arith.select %eq3A_159, %select_n3A_142, %select_n3A_140 : vector<160x128xi1>, vector<160x128xf32>
    %select_n3A_178 = arith.select %eq3A_159, %select_n3A_143, %select_n3A_141 : vector<160x128xi1>, vector<160x128xf32>
    %select_n3A_179 = arith.select %eq3A_159, %select_n3A_146, %select_n3A_142 : vector<160x128xi1>, vector<160x128xf32>
    %select_n3A_180 = arith.select %eq3A_159, %reduce_min3A_47, %select_n3A_143 : vector<160x128xi1>, vector<160x128xf32>
    %jit3A_181 = arith.constant 0x7F800000 : f32
    %broadcast_in_dim3A_182 = vector.broadcast %jit3A_181 : f32 to vector<160x128xf32>
    %select_n3A_183 = arith.select %eq3A_159, %broadcast_in_dim3A_182, %select_n3A_146 : vector<160x128xi1>, vector<160x128xf32>
    %reduce_min3A_184 = arith.constant dense<0x7F800000> : vector<128xf32>
    %reduce_min3A_185 = vector.multi_reduction <minimumf>, %select_n3A_177, %reduce_min3A_184 [0] : vector<160x128xf32> to vector<128xf32>
    %broadcast_in_dim3A_186 = vector.shape_cast %reduce_min3A_185 : vector<128xf32> to vector<1x128xf32>
    %eq3A_187 = vector.broadcast %broadcast_in_dim3A_186 : vector<1x128xf32> to vector<160x128xf32>
    %eq3A_188 = arith.cmpf oeq, %select_n3A_177, %eq3A_187 : vector<160x128xf32>
    %jit3A_189 = arith.constant 1.600000e+02 : f32
    %broadcast_in_dim3A_190 = vector.broadcast %jit3A_189 : f32 to vector<160x128xf32>
    %select_n3A_191 = arith.select %eq3A_188, %convert_element_type3A_49, %broadcast_in_dim3A_190 : vector<160x128xi1>, vector<160x128xf32>
    %reduce_min3A_192 = arith.constant dense<0x7F800000> : vector<128xf32>
    %reduce_min3A_193 = vector.multi_reduction <minimumf>, %select_n3A_191, %reduce_min3A_192 [0] : vector<160x128xf32> to vector<128xf32>
    %broadcast_in_dim3A_194 = vector.shape_cast %reduce_min3A_193 : vector<128xf32> to vector<1x128xf32>
    %eq3A_195 = vector.broadcast %broadcast_in_dim3A_194 : vector<1x128xf32> to vector<160x128xf32>
    %eq3A_196 = arith.cmpf oeq, %convert_element_type3A_49, %eq3A_195 : vector<160x128xf32>
    %jit3A_197 = arith.constant 6.400000e+01 : f32
    %broadcast_in_dim3A_198 = vector.broadcast %jit3A_197 : f32 to vector<160x128xf32>
    %select_n3A_199 = arith.select %eq3A_196, %select_n3A_178, %broadcast_in_dim3A_198 : vector<160x128xi1>, vector<160x128xf32>
    %reduce_min3A_200 = arith.constant dense<0x7F800000> : vector<128xf32>
    %reduce_min3A_201 = vector.multi_reduction <minimumf>, %select_n3A_199, %reduce_min3A_200 [0] : vector<160x128xf32> to vector<128xf32>
    %broadcast_in_dim3A_202 = vector.shape_cast %reduce_min3A_201 : vector<128xf32> to vector<1x128xf32>
    %mul3A_203 = arith.constant 6.400000e+01 : f32
    %mul3A_204 = vector.broadcast %mul3A_203 : f32 to vector<1x128xf32>
    %mul3A_205 = arith.mulf %broadcast_in_dim3A_194, %mul3A_204 : vector<1x128xf32>
    %add3A_206 = arith.addf %mul3A_205, %broadcast_in_dim3A_202 : vector<1x128xf32>
    %convert_element_type3A_207 = arith.fptosi %add3A_206 : vector<1x128xf32> to vector<1x128xi32>
    %eq3A_208 = arith.constant 3 : i32
    %eq3A_209 = vector.broadcast %eq3A_208 : i32 to vector<16x128xi32>
    %eq3A_210 = arith.cmpi eq, %iota3A_50, %eq3A_209 : vector<16x128xi32>
    %broadcast_in_dim3A_211 = vector.shape_cast %convert_element_type3A_207 : vector<1x128xi32> to vector<1x128xi32>
    %broadcast_in_dim3A_212 = vector.broadcast %broadcast_in_dim3A_211 : vector<1x128xi32> to vector<16x128xi32>
    %select_n3A_213 = arith.select %eq3A_210, %broadcast_in_dim3A_212, %select_n3A_176 : vector<16x128xi1>, vector<16x128xi32>
    %select_n3A_214 = arith.select %eq3A_196, %select_n3A_179, %select_n3A_177 : vector<160x128xi1>, vector<160x128xf32>
    %select_n3A_215 = arith.select %eq3A_196, %select_n3A_180, %select_n3A_178 : vector<160x128xi1>, vector<160x128xf32>
    %select_n3A_216 = arith.select %eq3A_196, %select_n3A_183, %select_n3A_179 : vector<160x128xi1>, vector<160x128xf32>
    %select_n3A_217 = arith.select %eq3A_196, %reduce_min3A_47, %select_n3A_180 : vector<160x128xi1>, vector<160x128xf32>
    %jit3A_218 = arith.constant 0x7F800000 : f32
    %broadcast_in_dim3A_219 = vector.broadcast %jit3A_218 : f32 to vector<160x128xf32>
    %select_n3A_220 = arith.select %eq3A_196, %broadcast_in_dim3A_219, %select_n3A_183 : vector<160x128xi1>, vector<160x128xf32>
    %reduce_min3A_221 = arith.constant dense<0x7F800000> : vector<128xf32>
    %reduce_min3A_222 = vector.multi_reduction <minimumf>, %select_n3A_214, %reduce_min3A_221 [0] : vector<160x128xf32> to vector<128xf32>
    %broadcast_in_dim3A_223 = vector.shape_cast %reduce_min3A_222 : vector<128xf32> to vector<1x128xf32>
    %eq3A_224 = vector.broadcast %broadcast_in_dim3A_223 : vector<1x128xf32> to vector<160x128xf32>
    %eq3A_225 = arith.cmpf oeq, %select_n3A_214, %eq3A_224 : vector<160x128xf32>
    %jit3A_226 = arith.constant 1.600000e+02 : f32
    %broadcast_in_dim3A_227 = vector.broadcast %jit3A_226 : f32 to vector<160x128xf32>
    %select_n3A_228 = arith.select %eq3A_225, %convert_element_type3A_49, %broadcast_in_dim3A_227 : vector<160x128xi1>, vector<160x128xf32>
    %reduce_min3A_229 = arith.constant dense<0x7F800000> : vector<128xf32>
    %reduce_min3A_230 = vector.multi_reduction <minimumf>, %select_n3A_228, %reduce_min3A_229 [0] : vector<160x128xf32> to vector<128xf32>
    %broadcast_in_dim3A_231 = vector.shape_cast %reduce_min3A_230 : vector<128xf32> to vector<1x128xf32>
    %eq3A_232 = vector.broadcast %broadcast_in_dim3A_231 : vector<1x128xf32> to vector<160x128xf32>
    %eq3A_233 = arith.cmpf oeq, %convert_element_type3A_49, %eq3A_232 : vector<160x128xf32>
    %jit3A_234 = arith.constant 6.400000e+01 : f32
    %broadcast_in_dim3A_235 = vector.broadcast %jit3A_234 : f32 to vector<160x128xf32>
    %select_n3A_236 = arith.select %eq3A_233, %select_n3A_215, %broadcast_in_dim3A_235 : vector<160x128xi1>, vector<160x128xf32>
    %reduce_min3A_237 = arith.constant dense<0x7F800000> : vector<128xf32>
    %reduce_min3A_238 = vector.multi_reduction <minimumf>, %select_n3A_236, %reduce_min3A_237 [0] : vector<160x128xf32> to vector<128xf32>
    %broadcast_in_dim3A_239 = vector.shape_cast %reduce_min3A_238 : vector<128xf32> to vector<1x128xf32>
    %mul3A_240 = arith.constant 6.400000e+01 : f32
    %mul3A_241 = vector.broadcast %mul3A_240 : f32 to vector<1x128xf32>
    %mul3A_242 = arith.mulf %broadcast_in_dim3A_231, %mul3A_241 : vector<1x128xf32>
    %add3A_243 = arith.addf %mul3A_242, %broadcast_in_dim3A_239 : vector<1x128xf32>
    %convert_element_type3A_244 = arith.fptosi %add3A_243 : vector<1x128xf32> to vector<1x128xi32>
    %eq3A_245 = arith.constant 4 : i32
    %eq3A_246 = vector.broadcast %eq3A_245 : i32 to vector<16x128xi32>
    %eq3A_247 = arith.cmpi eq, %iota3A_50, %eq3A_246 : vector<16x128xi32>
    %broadcast_in_dim3A_248 = vector.shape_cast %convert_element_type3A_244 : vector<1x128xi32> to vector<1x128xi32>
    %broadcast_in_dim3A_249 = vector.broadcast %broadcast_in_dim3A_248 : vector<1x128xi32> to vector<16x128xi32>
    %select_n3A_250 = arith.select %eq3A_247, %broadcast_in_dim3A_249, %select_n3A_213 : vector<16x128xi1>, vector<16x128xi32>
    %select_n3A_251 = arith.select %eq3A_233, %select_n3A_216, %select_n3A_214 : vector<160x128xi1>, vector<160x128xf32>
    %select_n3A_252 = arith.select %eq3A_233, %select_n3A_217, %select_n3A_215 : vector<160x128xi1>, vector<160x128xf32>
    %select_n3A_253 = arith.select %eq3A_233, %select_n3A_220, %select_n3A_216 : vector<160x128xi1>, vector<160x128xf32>
    %select_n3A_254 = arith.select %eq3A_233, %reduce_min3A_47, %select_n3A_217 : vector<160x128xi1>, vector<160x128xf32>
    %jit3A_255 = arith.constant 0x7F800000 : f32
    %broadcast_in_dim3A_256 = vector.broadcast %jit3A_255 : f32 to vector<160x128xf32>
    %select_n3A_257 = arith.select %eq3A_233, %broadcast_in_dim3A_256, %select_n3A_220 : vector<160x128xi1>, vector<160x128xf32>
    %reduce_min3A_258 = arith.constant dense<0x7F800000> : vector<128xf32>
    %reduce_min3A_259 = vector.multi_reduction <minimumf>, %select_n3A_251, %reduce_min3A_258 [0] : vector<160x128xf32> to vector<128xf32>
    %broadcast_in_dim3A_260 = vector.shape_cast %reduce_min3A_259 : vector<128xf32> to vector<1x128xf32>
    %eq3A_261 = vector.broadcast %broadcast_in_dim3A_260 : vector<1x128xf32> to vector<160x128xf32>
    %eq3A_262 = arith.cmpf oeq, %select_n3A_251, %eq3A_261 : vector<160x128xf32>
    %jit3A_263 = arith.constant 1.600000e+02 : f32
    %broadcast_in_dim3A_264 = vector.broadcast %jit3A_263 : f32 to vector<160x128xf32>
    %select_n3A_265 = arith.select %eq3A_262, %convert_element_type3A_49, %broadcast_in_dim3A_264 : vector<160x128xi1>, vector<160x128xf32>
    %reduce_min3A_266 = arith.constant dense<0x7F800000> : vector<128xf32>
    %reduce_min3A_267 = vector.multi_reduction <minimumf>, %select_n3A_265, %reduce_min3A_266 [0] : vector<160x128xf32> to vector<128xf32>
    %broadcast_in_dim3A_268 = vector.shape_cast %reduce_min3A_267 : vector<128xf32> to vector<1x128xf32>
    %eq3A_269 = vector.broadcast %broadcast_in_dim3A_268 : vector<1x128xf32> to vector<160x128xf32>
    %eq3A_270 = arith.cmpf oeq, %convert_element_type3A_49, %eq3A_269 : vector<160x128xf32>
    %jit3A_271 = arith.constant 6.400000e+01 : f32
    %broadcast_in_dim3A_272 = vector.broadcast %jit3A_271 : f32 to vector<160x128xf32>
    %select_n3A_273 = arith.select %eq3A_270, %select_n3A_252, %broadcast_in_dim3A_272 : vector<160x128xi1>, vector<160x128xf32>
    %reduce_min3A_274 = arith.constant dense<0x7F800000> : vector<128xf32>
    %reduce_min3A_275 = vector.multi_reduction <minimumf>, %select_n3A_273, %reduce_min3A_274 [0] : vector<160x128xf32> to vector<128xf32>
    %broadcast_in_dim3A_276 = vector.shape_cast %reduce_min3A_275 : vector<128xf32> to vector<1x128xf32>
    %mul3A_277 = arith.constant 6.400000e+01 : f32
    %mul3A_278 = vector.broadcast %mul3A_277 : f32 to vector<1x128xf32>
    %mul3A_279 = arith.mulf %broadcast_in_dim3A_268, %mul3A_278 : vector<1x128xf32>
    %add3A_280 = arith.addf %mul3A_279, %broadcast_in_dim3A_276 : vector<1x128xf32>
    %convert_element_type3A_281 = arith.fptosi %add3A_280 : vector<1x128xf32> to vector<1x128xi32>
    %eq3A_282 = arith.constant 5 : i32
    %eq3A_283 = vector.broadcast %eq3A_282 : i32 to vector<16x128xi32>
    %eq3A_284 = arith.cmpi eq, %iota3A_50, %eq3A_283 : vector<16x128xi32>
    %broadcast_in_dim3A_285 = vector.shape_cast %convert_element_type3A_281 : vector<1x128xi32> to vector<1x128xi32>
    %broadcast_in_dim3A_286 = vector.broadcast %broadcast_in_dim3A_285 : vector<1x128xi32> to vector<16x128xi32>
    %select_n3A_287 = arith.select %eq3A_284, %broadcast_in_dim3A_286, %select_n3A_250 : vector<16x128xi1>, vector<16x128xi32>
    %select_n3A_288 = arith.select %eq3A_270, %select_n3A_253, %select_n3A_251 : vector<160x128xi1>, vector<160x128xf32>
    %select_n3A_289 = arith.select %eq3A_270, %select_n3A_254, %select_n3A_252 : vector<160x128xi1>, vector<160x128xf32>
    %select_n3A_290 = arith.select %eq3A_270, %select_n3A_257, %select_n3A_253 : vector<160x128xi1>, vector<160x128xf32>
    %select_n3A_291 = arith.select %eq3A_270, %reduce_min3A_47, %select_n3A_254 : vector<160x128xi1>, vector<160x128xf32>
    %jit3A_292 = arith.constant 0x7F800000 : f32
    %broadcast_in_dim3A_293 = vector.broadcast %jit3A_292 : f32 to vector<160x128xf32>
    %select_n3A_294 = arith.select %eq3A_270, %broadcast_in_dim3A_293, %select_n3A_257 : vector<160x128xi1>, vector<160x128xf32>
    %reduce_min3A_295 = arith.constant dense<0x7F800000> : vector<128xf32>
    %reduce_min3A_296 = vector.multi_reduction <minimumf>, %select_n3A_288, %reduce_min3A_295 [0] : vector<160x128xf32> to vector<128xf32>
    %broadcast_in_dim3A_297 = vector.shape_cast %reduce_min3A_296 : vector<128xf32> to vector<1x128xf32>
    %eq3A_298 = vector.broadcast %broadcast_in_dim3A_297 : vector<1x128xf32> to vector<160x128xf32>
    %eq3A_299 = arith.cmpf oeq, %select_n3A_288, %eq3A_298 : vector<160x128xf32>
    %jit3A_300 = arith.constant 1.600000e+02 : f32
    %broadcast_in_dim3A_301 = vector.broadcast %jit3A_300 : f32 to vector<160x128xf32>
    %select_n3A_302 = arith.select %eq3A_299, %convert_element_type3A_49, %broadcast_in_dim3A_301 : vector<160x128xi1>, vector<160x128xf32>
    %reduce_min3A_303 = arith.constant dense<0x7F800000> : vector<128xf32>
    %reduce_min3A_304 = vector.multi_reduction <minimumf>, %select_n3A_302, %reduce_min3A_303 [0] : vector<160x128xf32> to vector<128xf32>
    %broadcast_in_dim3A_305 = vector.shape_cast %reduce_min3A_304 : vector<128xf32> to vector<1x128xf32>
    %eq3A_306 = vector.broadcast %broadcast_in_dim3A_305 : vector<1x128xf32> to vector<160x128xf32>
    %eq3A_307 = arith.cmpf oeq, %convert_element_type3A_49, %eq3A_306 : vector<160x128xf32>
    %jit3A_308 = arith.constant 6.400000e+01 : f32
    %broadcast_in_dim3A_309 = vector.broadcast %jit3A_308 : f32 to vector<160x128xf32>
    %select_n3A_310 = arith.select %eq3A_307, %select_n3A_289, %broadcast_in_dim3A_309 : vector<160x128xi1>, vector<160x128xf32>
    %reduce_min3A_311 = arith.constant dense<0x7F800000> : vector<128xf32>
    %reduce_min3A_312 = vector.multi_reduction <minimumf>, %select_n3A_310, %reduce_min3A_311 [0] : vector<160x128xf32> to vector<128xf32>
    %broadcast_in_dim3A_313 = vector.shape_cast %reduce_min3A_312 : vector<128xf32> to vector<1x128xf32>
    %mul3A_314 = arith.constant 6.400000e+01 : f32
    %mul3A_315 = vector.broadcast %mul3A_314 : f32 to vector<1x128xf32>
    %mul3A_316 = arith.mulf %broadcast_in_dim3A_305, %mul3A_315 : vector<1x128xf32>
    %add3A_317 = arith.addf %mul3A_316, %broadcast_in_dim3A_313 : vector<1x128xf32>
    %convert_element_type3A_318 = arith.fptosi %add3A_317 : vector<1x128xf32> to vector<1x128xi32>
    %eq3A_319 = arith.constant 6 : i32
    %eq3A_320 = vector.broadcast %eq3A_319 : i32 to vector<16x128xi32>
    %eq3A_321 = arith.cmpi eq, %iota3A_50, %eq3A_320 : vector<16x128xi32>
    %broadcast_in_dim3A_322 = vector.shape_cast %convert_element_type3A_318 : vector<1x128xi32> to vector<1x128xi32>
    %broadcast_in_dim3A_323 = vector.broadcast %broadcast_in_dim3A_322 : vector<1x128xi32> to vector<16x128xi32>
    %select_n3A_324 = arith.select %eq3A_321, %broadcast_in_dim3A_323, %select_n3A_287 : vector<16x128xi1>, vector<16x128xi32>
    %select_n3A_325 = arith.select %eq3A_307, %select_n3A_290, %select_n3A_288 : vector<160x128xi1>, vector<160x128xf32>
    %select_n3A_326 = arith.select %eq3A_307, %select_n3A_291, %select_n3A_289 : vector<160x128xi1>, vector<160x128xf32>
    %select_n3A_327 = arith.select %eq3A_307, %select_n3A_294, %select_n3A_290 : vector<160x128xi1>, vector<160x128xf32>
    %select_n3A_328 = arith.select %eq3A_307, %reduce_min3A_47, %select_n3A_291 : vector<160x128xi1>, vector<160x128xf32>
    %jit3A_329 = arith.constant 0x7F800000 : f32
    %broadcast_in_dim3A_330 = vector.broadcast %jit3A_329 : f32 to vector<160x128xf32>
    %select_n3A_331 = arith.select %eq3A_307, %broadcast_in_dim3A_330, %select_n3A_294 : vector<160x128xi1>, vector<160x128xf32>
    %reduce_min3A_332 = arith.constant dense<0x7F800000> : vector<128xf32>
    %reduce_min3A_333 = vector.multi_reduction <minimumf>, %select_n3A_325, %reduce_min3A_332 [0] : vector<160x128xf32> to vector<128xf32>
    %broadcast_in_dim3A_334 = vector.shape_cast %reduce_min3A_333 : vector<128xf32> to vector<1x128xf32>
    %eq3A_335 = vector.broadcast %broadcast_in_dim3A_334 : vector<1x128xf32> to vector<160x128xf32>
    %eq3A_336 = arith.cmpf oeq, %select_n3A_325, %eq3A_335 : vector<160x128xf32>
    %jit3A_337 = arith.constant 1.600000e+02 : f32
    %broadcast_in_dim3A_338 = vector.broadcast %jit3A_337 : f32 to vector<160x128xf32>
    %select_n3A_339 = arith.select %eq3A_336, %convert_element_type3A_49, %broadcast_in_dim3A_338 : vector<160x128xi1>, vector<160x128xf32>
    %reduce_min3A_340 = arith.constant dense<0x7F800000> : vector<128xf32>
    %reduce_min3A_341 = vector.multi_reduction <minimumf>, %select_n3A_339, %reduce_min3A_340 [0] : vector<160x128xf32> to vector<128xf32>
    %broadcast_in_dim3A_342 = vector.shape_cast %reduce_min3A_341 : vector<128xf32> to vector<1x128xf32>
    %eq3A_343 = vector.broadcast %broadcast_in_dim3A_342 : vector<1x128xf32> to vector<160x128xf32>
    %eq3A_344 = arith.cmpf oeq, %convert_element_type3A_49, %eq3A_343 : vector<160x128xf32>
    %jit3A_345 = arith.constant 6.400000e+01 : f32
    %broadcast_in_dim3A_346 = vector.broadcast %jit3A_345 : f32 to vector<160x128xf32>
    %select_n3A_347 = arith.select %eq3A_344, %select_n3A_326, %broadcast_in_dim3A_346 : vector<160x128xi1>, vector<160x128xf32>
    %reduce_min3A_348 = arith.constant dense<0x7F800000> : vector<128xf32>
    %reduce_min3A_349 = vector.multi_reduction <minimumf>, %select_n3A_347, %reduce_min3A_348 [0] : vector<160x128xf32> to vector<128xf32>
    %broadcast_in_dim3A_350 = vector.shape_cast %reduce_min3A_349 : vector<128xf32> to vector<1x128xf32>
    %mul3A_351 = arith.constant 6.400000e+01 : f32
    %mul3A_352 = vector.broadcast %mul3A_351 : f32 to vector<1x128xf32>
    %mul3A_353 = arith.mulf %broadcast_in_dim3A_342, %mul3A_352 : vector<1x128xf32>
    %add3A_354 = arith.addf %mul3A_353, %broadcast_in_dim3A_350 : vector<1x128xf32>
    %convert_element_type3A_355 = arith.fptosi %add3A_354 : vector<1x128xf32> to vector<1x128xi32>
    %eq3A_356 = arith.constant 7 : i32
    %eq3A_357 = vector.broadcast %eq3A_356 : i32 to vector<16x128xi32>
    %eq3A_358 = arith.cmpi eq, %iota3A_50, %eq3A_357 : vector<16x128xi32>
    %broadcast_in_dim3A_359 = vector.shape_cast %convert_element_type3A_355 : vector<1x128xi32> to vector<1x128xi32>
    %broadcast_in_dim3A_360 = vector.broadcast %broadcast_in_dim3A_359 : vector<1x128xi32> to vector<16x128xi32>
    %select_n3A_361 = arith.select %eq3A_358, %broadcast_in_dim3A_360, %select_n3A_324 : vector<16x128xi1>, vector<16x128xi32>
    %select_n3A_362 = arith.select %eq3A_344, %select_n3A_327, %select_n3A_325 : vector<160x128xi1>, vector<160x128xf32>
    %select_n3A_363 = arith.select %eq3A_344, %select_n3A_328, %select_n3A_326 : vector<160x128xi1>, vector<160x128xf32>
    %select_n3A_364 = arith.select %eq3A_344, %select_n3A_331, %select_n3A_327 : vector<160x128xi1>, vector<160x128xf32>
    %select_n3A_365 = arith.select %eq3A_344, %reduce_min3A_47, %select_n3A_328 : vector<160x128xi1>, vector<160x128xf32>
    %jit3A_366 = arith.constant 0x7F800000 : f32
    %broadcast_in_dim3A_367 = vector.broadcast %jit3A_366 : f32 to vector<160x128xf32>
    %select_n3A_368 = arith.select %eq3A_344, %broadcast_in_dim3A_367, %select_n3A_331 : vector<160x128xi1>, vector<160x128xf32>
    %reduce_min3A_369 = arith.constant dense<0x7F800000> : vector<128xf32>
    %reduce_min3A_370 = vector.multi_reduction <minimumf>, %select_n3A_362, %reduce_min3A_369 [0] : vector<160x128xf32> to vector<128xf32>
    %broadcast_in_dim3A_371 = vector.shape_cast %reduce_min3A_370 : vector<128xf32> to vector<1x128xf32>
    %eq3A_372 = vector.broadcast %broadcast_in_dim3A_371 : vector<1x128xf32> to vector<160x128xf32>
    %eq3A_373 = arith.cmpf oeq, %select_n3A_362, %eq3A_372 : vector<160x128xf32>
    %jit3A_374 = arith.constant 1.600000e+02 : f32
    %broadcast_in_dim3A_375 = vector.broadcast %jit3A_374 : f32 to vector<160x128xf32>
    %select_n3A_376 = arith.select %eq3A_373, %convert_element_type3A_49, %broadcast_in_dim3A_375 : vector<160x128xi1>, vector<160x128xf32>
    %reduce_min3A_377 = arith.constant dense<0x7F800000> : vector<128xf32>
    %reduce_min3A_378 = vector.multi_reduction <minimumf>, %select_n3A_376, %reduce_min3A_377 [0] : vector<160x128xf32> to vector<128xf32>
    %broadcast_in_dim3A_379 = vector.shape_cast %reduce_min3A_378 : vector<128xf32> to vector<1x128xf32>
    %eq3A_380 = vector.broadcast %broadcast_in_dim3A_379 : vector<1x128xf32> to vector<160x128xf32>
    %eq3A_381 = arith.cmpf oeq, %convert_element_type3A_49, %eq3A_380 : vector<160x128xf32>
    %jit3A_382 = arith.constant 6.400000e+01 : f32
    %broadcast_in_dim3A_383 = vector.broadcast %jit3A_382 : f32 to vector<160x128xf32>
    %select_n3A_384 = arith.select %eq3A_381, %select_n3A_363, %broadcast_in_dim3A_383 : vector<160x128xi1>, vector<160x128xf32>
    %reduce_min3A_385 = arith.constant dense<0x7F800000> : vector<128xf32>
    %reduce_min3A_386 = vector.multi_reduction <minimumf>, %select_n3A_384, %reduce_min3A_385 [0] : vector<160x128xf32> to vector<128xf32>
    %broadcast_in_dim3A_387 = vector.shape_cast %reduce_min3A_386 : vector<128xf32> to vector<1x128xf32>
    %mul3A_388 = arith.constant 6.400000e+01 : f32
    %mul3A_389 = vector.broadcast %mul3A_388 : f32 to vector<1x128xf32>
    %mul3A_390 = arith.mulf %broadcast_in_dim3A_379, %mul3A_389 : vector<1x128xf32>
    %add3A_391 = arith.addf %mul3A_390, %broadcast_in_dim3A_387 : vector<1x128xf32>
    %convert_element_type3A_392 = arith.fptosi %add3A_391 : vector<1x128xf32> to vector<1x128xi32>
    %eq3A_393 = arith.constant 8 : i32
    %eq3A_394 = vector.broadcast %eq3A_393 : i32 to vector<16x128xi32>
    %eq3A_395 = arith.cmpi eq, %iota3A_50, %eq3A_394 : vector<16x128xi32>
    %broadcast_in_dim3A_396 = vector.shape_cast %convert_element_type3A_392 : vector<1x128xi32> to vector<1x128xi32>
    %broadcast_in_dim3A_397 = vector.broadcast %broadcast_in_dim3A_396 : vector<1x128xi32> to vector<16x128xi32>
    %select_n3A_398 = arith.select %eq3A_395, %broadcast_in_dim3A_397, %select_n3A_361 : vector<16x128xi1>, vector<16x128xi32>
    %select_n3A_399 = arith.select %eq3A_381, %select_n3A_364, %select_n3A_362 : vector<160x128xi1>, vector<160x128xf32>
    %select_n3A_400 = arith.select %eq3A_381, %select_n3A_365, %select_n3A_363 : vector<160x128xi1>, vector<160x128xf32>
    %select_n3A_401 = arith.select %eq3A_381, %select_n3A_368, %select_n3A_364 : vector<160x128xi1>, vector<160x128xf32>
    %select_n3A_402 = arith.select %eq3A_381, %reduce_min3A_47, %select_n3A_365 : vector<160x128xi1>, vector<160x128xf32>
    %jit3A_403 = arith.constant 0x7F800000 : f32
    %broadcast_in_dim3A_404 = vector.broadcast %jit3A_403 : f32 to vector<160x128xf32>
    %select_n3A_405 = arith.select %eq3A_381, %broadcast_in_dim3A_404, %select_n3A_368 : vector<160x128xi1>, vector<160x128xf32>
    %reduce_min3A_406 = arith.constant dense<0x7F800000> : vector<128xf32>
    %reduce_min3A_407 = vector.multi_reduction <minimumf>, %select_n3A_399, %reduce_min3A_406 [0] : vector<160x128xf32> to vector<128xf32>
    %broadcast_in_dim3A_408 = vector.shape_cast %reduce_min3A_407 : vector<128xf32> to vector<1x128xf32>
    %eq3A_409 = vector.broadcast %broadcast_in_dim3A_408 : vector<1x128xf32> to vector<160x128xf32>
    %eq3A_410 = arith.cmpf oeq, %select_n3A_399, %eq3A_409 : vector<160x128xf32>
    %jit3A_411 = arith.constant 1.600000e+02 : f32
    %broadcast_in_dim3A_412 = vector.broadcast %jit3A_411 : f32 to vector<160x128xf32>
    %select_n3A_413 = arith.select %eq3A_410, %convert_element_type3A_49, %broadcast_in_dim3A_412 : vector<160x128xi1>, vector<160x128xf32>
    %reduce_min3A_414 = arith.constant dense<0x7F800000> : vector<128xf32>
    %reduce_min3A_415 = vector.multi_reduction <minimumf>, %select_n3A_413, %reduce_min3A_414 [0] : vector<160x128xf32> to vector<128xf32>
    %broadcast_in_dim3A_416 = vector.shape_cast %reduce_min3A_415 : vector<128xf32> to vector<1x128xf32>
    %eq3A_417 = vector.broadcast %broadcast_in_dim3A_416 : vector<1x128xf32> to vector<160x128xf32>
    %eq3A_418 = arith.cmpf oeq, %convert_element_type3A_49, %eq3A_417 : vector<160x128xf32>
    %jit3A_419 = arith.constant 6.400000e+01 : f32
    %broadcast_in_dim3A_420 = vector.broadcast %jit3A_419 : f32 to vector<160x128xf32>
    %select_n3A_421 = arith.select %eq3A_418, %select_n3A_400, %broadcast_in_dim3A_420 : vector<160x128xi1>, vector<160x128xf32>
    %reduce_min3A_422 = arith.constant dense<0x7F800000> : vector<128xf32>
    %reduce_min3A_423 = vector.multi_reduction <minimumf>, %select_n3A_421, %reduce_min3A_422 [0] : vector<160x128xf32> to vector<128xf32>
    %broadcast_in_dim3A_424 = vector.shape_cast %reduce_min3A_423 : vector<128xf32> to vector<1x128xf32>
    %mul3A_425 = arith.constant 6.400000e+01 : f32
    %mul3A_426 = vector.broadcast %mul3A_425 : f32 to vector<1x128xf32>
    %mul3A_427 = arith.mulf %broadcast_in_dim3A_416, %mul3A_426 : vector<1x128xf32>
    %add3A_428 = arith.addf %mul3A_427, %broadcast_in_dim3A_424 : vector<1x128xf32>
    %convert_element_type3A_429 = arith.fptosi %add3A_428 : vector<1x128xf32> to vector<1x128xi32>
    %eq3A_430 = arith.constant 9 : i32
    %eq3A_431 = vector.broadcast %eq3A_430 : i32 to vector<16x128xi32>
    %eq3A_432 = arith.cmpi eq, %iota3A_50, %eq3A_431 : vector<16x128xi32>
    %broadcast_in_dim3A_433 = vector.shape_cast %convert_element_type3A_429 : vector<1x128xi32> to vector<1x128xi32>
    %broadcast_in_dim3A_434 = vector.broadcast %broadcast_in_dim3A_433 : vector<1x128xi32> to vector<16x128xi32>
    %select_n3A_435 = arith.select %eq3A_432, %broadcast_in_dim3A_434, %select_n3A_398 : vector<16x128xi1>, vector<16x128xi32>
    %select_n3A_436 = arith.select %eq3A_418, %select_n3A_401, %select_n3A_399 : vector<160x128xi1>, vector<160x128xf32>
    %select_n3A_437 = arith.select %eq3A_418, %select_n3A_402, %select_n3A_400 : vector<160x128xi1>, vector<160x128xf32>
    %select_n3A_438 = arith.select %eq3A_418, %select_n3A_405, %select_n3A_401 : vector<160x128xi1>, vector<160x128xf32>
    %select_n3A_439 = arith.select %eq3A_418, %reduce_min3A_47, %select_n3A_402 : vector<160x128xi1>, vector<160x128xf32>
    %jit3A_440 = arith.constant 0x7F800000 : f32
    %broadcast_in_dim3A_441 = vector.broadcast %jit3A_440 : f32 to vector<160x128xf32>
    %select_n3A_442 = arith.select %eq3A_418, %broadcast_in_dim3A_441, %select_n3A_405 : vector<160x128xi1>, vector<160x128xf32>
    %reduce_min3A_443 = arith.constant dense<0x7F800000> : vector<128xf32>
    %reduce_min3A_444 = vector.multi_reduction <minimumf>, %select_n3A_436, %reduce_min3A_443 [0] : vector<160x128xf32> to vector<128xf32>
    %broadcast_in_dim3A_445 = vector.shape_cast %reduce_min3A_444 : vector<128xf32> to vector<1x128xf32>
    %eq3A_446 = vector.broadcast %broadcast_in_dim3A_445 : vector<1x128xf32> to vector<160x128xf32>
    %eq3A_447 = arith.cmpf oeq, %select_n3A_436, %eq3A_446 : vector<160x128xf32>
    %jit3A_448 = arith.constant 1.600000e+02 : f32
    %broadcast_in_dim3A_449 = vector.broadcast %jit3A_448 : f32 to vector<160x128xf32>
    %select_n3A_450 = arith.select %eq3A_447, %convert_element_type3A_49, %broadcast_in_dim3A_449 : vector<160x128xi1>, vector<160x128xf32>
    %reduce_min3A_451 = arith.constant dense<0x7F800000> : vector<128xf32>
    %reduce_min3A_452 = vector.multi_reduction <minimumf>, %select_n3A_450, %reduce_min3A_451 [0] : vector<160x128xf32> to vector<128xf32>
    %broadcast_in_dim3A_453 = vector.shape_cast %reduce_min3A_452 : vector<128xf32> to vector<1x128xf32>
    %eq3A_454 = vector.broadcast %broadcast_in_dim3A_453 : vector<1x128xf32> to vector<160x128xf32>
    %eq3A_455 = arith.cmpf oeq, %convert_element_type3A_49, %eq3A_454 : vector<160x128xf32>
    %jit3A_456 = arith.constant 6.400000e+01 : f32
    %broadcast_in_dim3A_457 = vector.broadcast %jit3A_456 : f32 to vector<160x128xf32>
    %select_n3A_458 = arith.select %eq3A_455, %select_n3A_437, %broadcast_in_dim3A_457 : vector<160x128xi1>, vector<160x128xf32>
    %reduce_min3A_459 = arith.constant dense<0x7F800000> : vector<128xf32>
    %reduce_min3A_460 = vector.multi_reduction <minimumf>, %select_n3A_458, %reduce_min3A_459 [0] : vector<160x128xf32> to vector<128xf32>
    %broadcast_in_dim3A_461 = vector.shape_cast %reduce_min3A_460 : vector<128xf32> to vector<1x128xf32>
    %mul3A_462 = arith.constant 6.400000e+01 : f32
    %mul3A_463 = vector.broadcast %mul3A_462 : f32 to vector<1x128xf32>
    %mul3A_464 = arith.mulf %broadcast_in_dim3A_453, %mul3A_463 : vector<1x128xf32>
    %add3A_465 = arith.addf %mul3A_464, %broadcast_in_dim3A_461 : vector<1x128xf32>
    %convert_element_type3A_466 = arith.fptosi %add3A_465 : vector<1x128xf32> to vector<1x128xi32>
    %eq3A_467 = arith.constant 10 : i32
    %eq3A_468 = vector.broadcast %eq3A_467 : i32 to vector<16x128xi32>
    %eq3A_469 = arith.cmpi eq, %iota3A_50, %eq3A_468 : vector<16x128xi32>
    %broadcast_in_dim3A_470 = vector.shape_cast %convert_element_type3A_466 : vector<1x128xi32> to vector<1x128xi32>
    %broadcast_in_dim3A_471 = vector.broadcast %broadcast_in_dim3A_470 : vector<1x128xi32> to vector<16x128xi32>
    %select_n3A_472 = arith.select %eq3A_469, %broadcast_in_dim3A_471, %select_n3A_435 : vector<16x128xi1>, vector<16x128xi32>
    %select_n3A_473 = arith.select %eq3A_455, %select_n3A_438, %select_n3A_436 : vector<160x128xi1>, vector<160x128xf32>
    %select_n3A_474 = arith.select %eq3A_455, %select_n3A_439, %select_n3A_437 : vector<160x128xi1>, vector<160x128xf32>
    %select_n3A_475 = arith.select %eq3A_455, %select_n3A_442, %select_n3A_438 : vector<160x128xi1>, vector<160x128xf32>
    %select_n3A_476 = arith.select %eq3A_455, %reduce_min3A_47, %select_n3A_439 : vector<160x128xi1>, vector<160x128xf32>
    %jit3A_477 = arith.constant 0x7F800000 : f32
    %broadcast_in_dim3A_478 = vector.broadcast %jit3A_477 : f32 to vector<160x128xf32>
    %select_n3A_479 = arith.select %eq3A_455, %broadcast_in_dim3A_478, %select_n3A_442 : vector<160x128xi1>, vector<160x128xf32>
    %reduce_min3A_480 = arith.constant dense<0x7F800000> : vector<128xf32>
    %reduce_min3A_481 = vector.multi_reduction <minimumf>, %select_n3A_473, %reduce_min3A_480 [0] : vector<160x128xf32> to vector<128xf32>
    %broadcast_in_dim3A_482 = vector.shape_cast %reduce_min3A_481 : vector<128xf32> to vector<1x128xf32>
    %eq3A_483 = vector.broadcast %broadcast_in_dim3A_482 : vector<1x128xf32> to vector<160x128xf32>
    %eq3A_484 = arith.cmpf oeq, %select_n3A_473, %eq3A_483 : vector<160x128xf32>
    %jit3A_485 = arith.constant 1.600000e+02 : f32
    %broadcast_in_dim3A_486 = vector.broadcast %jit3A_485 : f32 to vector<160x128xf32>
    %select_n3A_487 = arith.select %eq3A_484, %convert_element_type3A_49, %broadcast_in_dim3A_486 : vector<160x128xi1>, vector<160x128xf32>
    %reduce_min3A_488 = arith.constant dense<0x7F800000> : vector<128xf32>
    %reduce_min3A_489 = vector.multi_reduction <minimumf>, %select_n3A_487, %reduce_min3A_488 [0] : vector<160x128xf32> to vector<128xf32>
    %broadcast_in_dim3A_490 = vector.shape_cast %reduce_min3A_489 : vector<128xf32> to vector<1x128xf32>
    %eq3A_491 = vector.broadcast %broadcast_in_dim3A_490 : vector<1x128xf32> to vector<160x128xf32>
    %eq3A_492 = arith.cmpf oeq, %convert_element_type3A_49, %eq3A_491 : vector<160x128xf32>
    %jit3A_493 = arith.constant 6.400000e+01 : f32
    %broadcast_in_dim3A_494 = vector.broadcast %jit3A_493 : f32 to vector<160x128xf32>
    %select_n3A_495 = arith.select %eq3A_492, %select_n3A_474, %broadcast_in_dim3A_494 : vector<160x128xi1>, vector<160x128xf32>
    %reduce_min3A_496 = arith.constant dense<0x7F800000> : vector<128xf32>
    %reduce_min3A_497 = vector.multi_reduction <minimumf>, %select_n3A_495, %reduce_min3A_496 [0] : vector<160x128xf32> to vector<128xf32>
    %broadcast_in_dim3A_498 = vector.shape_cast %reduce_min3A_497 : vector<128xf32> to vector<1x128xf32>
    %mul3A_499 = arith.constant 6.400000e+01 : f32
    %mul3A_500 = vector.broadcast %mul3A_499 : f32 to vector<1x128xf32>
    %mul3A_501 = arith.mulf %broadcast_in_dim3A_490, %mul3A_500 : vector<1x128xf32>
    %add3A_502 = arith.addf %mul3A_501, %broadcast_in_dim3A_498 : vector<1x128xf32>
    %convert_element_type3A_503 = arith.fptosi %add3A_502 : vector<1x128xf32> to vector<1x128xi32>
    %eq3A_504 = arith.constant 11 : i32
    %eq3A_505 = vector.broadcast %eq3A_504 : i32 to vector<16x128xi32>
    %eq3A_506 = arith.cmpi eq, %iota3A_50, %eq3A_505 : vector<16x128xi32>
    %broadcast_in_dim3A_507 = vector.shape_cast %convert_element_type3A_503 : vector<1x128xi32> to vector<1x128xi32>
    %broadcast_in_dim3A_508 = vector.broadcast %broadcast_in_dim3A_507 : vector<1x128xi32> to vector<16x128xi32>
    %select_n3A_509 = arith.select %eq3A_506, %broadcast_in_dim3A_508, %select_n3A_472 : vector<16x128xi1>, vector<16x128xi32>
    %select_n3A_510 = arith.select %eq3A_492, %select_n3A_475, %select_n3A_473 : vector<160x128xi1>, vector<160x128xf32>
    %select_n3A_511 = arith.select %eq3A_492, %select_n3A_476, %select_n3A_474 : vector<160x128xi1>, vector<160x128xf32>
    %select_n3A_512 = arith.select %eq3A_492, %select_n3A_479, %select_n3A_475 : vector<160x128xi1>, vector<160x128xf32>
    %select_n3A_513 = arith.select %eq3A_492, %reduce_min3A_47, %select_n3A_476 : vector<160x128xi1>, vector<160x128xf32>
    %jit3A_514 = arith.constant 0x7F800000 : f32
    %broadcast_in_dim3A_515 = vector.broadcast %jit3A_514 : f32 to vector<160x128xf32>
    %select_n3A_516 = arith.select %eq3A_492, %broadcast_in_dim3A_515, %select_n3A_479 : vector<160x128xi1>, vector<160x128xf32>
    %reduce_min3A_517 = arith.constant dense<0x7F800000> : vector<128xf32>
    %reduce_min3A_518 = vector.multi_reduction <minimumf>, %select_n3A_510, %reduce_min3A_517 [0] : vector<160x128xf32> to vector<128xf32>
    %broadcast_in_dim3A_519 = vector.shape_cast %reduce_min3A_518 : vector<128xf32> to vector<1x128xf32>
    %eq3A_520 = vector.broadcast %broadcast_in_dim3A_519 : vector<1x128xf32> to vector<160x128xf32>
    %eq3A_521 = arith.cmpf oeq, %select_n3A_510, %eq3A_520 : vector<160x128xf32>
    %jit3A_522 = arith.constant 1.600000e+02 : f32
    %broadcast_in_dim3A_523 = vector.broadcast %jit3A_522 : f32 to vector<160x128xf32>
    %select_n3A_524 = arith.select %eq3A_521, %convert_element_type3A_49, %broadcast_in_dim3A_523 : vector<160x128xi1>, vector<160x128xf32>
    %reduce_min3A_525 = arith.constant dense<0x7F800000> : vector<128xf32>
    %reduce_min3A_526 = vector.multi_reduction <minimumf>, %select_n3A_524, %reduce_min3A_525 [0] : vector<160x128xf32> to vector<128xf32>
    %broadcast_in_dim3A_527 = vector.shape_cast %reduce_min3A_526 : vector<128xf32> to vector<1x128xf32>
    %eq3A_528 = vector.broadcast %broadcast_in_dim3A_527 : vector<1x128xf32> to vector<160x128xf32>
    %eq3A_529 = arith.cmpf oeq, %convert_element_type3A_49, %eq3A_528 : vector<160x128xf32>
    %jit3A_530 = arith.constant 6.400000e+01 : f32
    %broadcast_in_dim3A_531 = vector.broadcast %jit3A_530 : f32 to vector<160x128xf32>
    %select_n3A_532 = arith.select %eq3A_529, %select_n3A_511, %broadcast_in_dim3A_531 : vector<160x128xi1>, vector<160x128xf32>
    %reduce_min3A_533 = arith.constant dense<0x7F800000> : vector<128xf32>
    %reduce_min3A_534 = vector.multi_reduction <minimumf>, %select_n3A_532, %reduce_min3A_533 [0] : vector<160x128xf32> to vector<128xf32>
    %broadcast_in_dim3A_535 = vector.shape_cast %reduce_min3A_534 : vector<128xf32> to vector<1x128xf32>
    %mul3A_536 = arith.constant 6.400000e+01 : f32
    %mul3A_537 = vector.broadcast %mul3A_536 : f32 to vector<1x128xf32>
    %mul3A_538 = arith.mulf %broadcast_in_dim3A_527, %mul3A_537 : vector<1x128xf32>
    %add3A_539 = arith.addf %mul3A_538, %broadcast_in_dim3A_535 : vector<1x128xf32>
    %convert_element_type3A_540 = arith.fptosi %add3A_539 : vector<1x128xf32> to vector<1x128xi32>
    %eq3A_541 = arith.constant 12 : i32
    %eq3A_542 = vector.broadcast %eq3A_541 : i32 to vector<16x128xi32>
    %eq3A_543 = arith.cmpi eq, %iota3A_50, %eq3A_542 : vector<16x128xi32>
    %broadcast_in_dim3A_544 = vector.shape_cast %convert_element_type3A_540 : vector<1x128xi32> to vector<1x128xi32>
    %broadcast_in_dim3A_545 = vector.broadcast %broadcast_in_dim3A_544 : vector<1x128xi32> to vector<16x128xi32>
    %select_n3A_546 = arith.select %eq3A_543, %broadcast_in_dim3A_545, %select_n3A_509 : vector<16x128xi1>, vector<16x128xi32>
    %select_n3A_547 = arith.select %eq3A_529, %select_n3A_512, %select_n3A_510 : vector<160x128xi1>, vector<160x128xf32>
    %select_n3A_548 = arith.select %eq3A_529, %select_n3A_513, %select_n3A_511 : vector<160x128xi1>, vector<160x128xf32>
    %select_n3A_549 = arith.select %eq3A_529, %select_n3A_516, %select_n3A_512 : vector<160x128xi1>, vector<160x128xf32>
    %select_n3A_550 = arith.select %eq3A_529, %reduce_min3A_47, %select_n3A_513 : vector<160x128xi1>, vector<160x128xf32>
    %jit3A_551 = arith.constant 0x7F800000 : f32
    %broadcast_in_dim3A_552 = vector.broadcast %jit3A_551 : f32 to vector<160x128xf32>
    %select_n3A_553 = arith.select %eq3A_529, %broadcast_in_dim3A_552, %select_n3A_516 : vector<160x128xi1>, vector<160x128xf32>
    %reduce_min3A_554 = arith.constant dense<0x7F800000> : vector<128xf32>
    %reduce_min3A_555 = vector.multi_reduction <minimumf>, %select_n3A_547, %reduce_min3A_554 [0] : vector<160x128xf32> to vector<128xf32>
    %broadcast_in_dim3A_556 = vector.shape_cast %reduce_min3A_555 : vector<128xf32> to vector<1x128xf32>
    %eq3A_557 = vector.broadcast %broadcast_in_dim3A_556 : vector<1x128xf32> to vector<160x128xf32>
    %eq3A_558 = arith.cmpf oeq, %select_n3A_547, %eq3A_557 : vector<160x128xf32>
    %jit3A_559 = arith.constant 1.600000e+02 : f32
    %broadcast_in_dim3A_560 = vector.broadcast %jit3A_559 : f32 to vector<160x128xf32>
    %select_n3A_561 = arith.select %eq3A_558, %convert_element_type3A_49, %broadcast_in_dim3A_560 : vector<160x128xi1>, vector<160x128xf32>
    %reduce_min3A_562 = arith.constant dense<0x7F800000> : vector<128xf32>
    %reduce_min3A_563 = vector.multi_reduction <minimumf>, %select_n3A_561, %reduce_min3A_562 [0] : vector<160x128xf32> to vector<128xf32>
    %broadcast_in_dim3A_564 = vector.shape_cast %reduce_min3A_563 : vector<128xf32> to vector<1x128xf32>
    %eq3A_565 = vector.broadcast %broadcast_in_dim3A_564 : vector<1x128xf32> to vector<160x128xf32>
    %eq3A_566 = arith.cmpf oeq, %convert_element_type3A_49, %eq3A_565 : vector<160x128xf32>
    %jit3A_567 = arith.constant 6.400000e+01 : f32
    %broadcast_in_dim3A_568 = vector.broadcast %jit3A_567 : f32 to vector<160x128xf32>
    %select_n3A_569 = arith.select %eq3A_566, %select_n3A_548, %broadcast_in_dim3A_568 : vector<160x128xi1>, vector<160x128xf32>
    %reduce_min3A_570 = arith.constant dense<0x7F800000> : vector<128xf32>
    %reduce_min3A_571 = vector.multi_reduction <minimumf>, %select_n3A_569, %reduce_min3A_570 [0] : vector<160x128xf32> to vector<128xf32>
    %broadcast_in_dim3A_572 = vector.shape_cast %reduce_min3A_571 : vector<128xf32> to vector<1x128xf32>
    %mul3A_573 = arith.constant 6.400000e+01 : f32
    %mul3A_574 = vector.broadcast %mul3A_573 : f32 to vector<1x128xf32>
    %mul3A_575 = arith.mulf %broadcast_in_dim3A_564, %mul3A_574 : vector<1x128xf32>
    %add3A_576 = arith.addf %mul3A_575, %broadcast_in_dim3A_572 : vector<1x128xf32>
    %convert_element_type3A_577 = arith.fptosi %add3A_576 : vector<1x128xf32> to vector<1x128xi32>
    %eq3A_578 = arith.constant 13 : i32
    %eq3A_579 = vector.broadcast %eq3A_578 : i32 to vector<16x128xi32>
    %eq3A_580 = arith.cmpi eq, %iota3A_50, %eq3A_579 : vector<16x128xi32>
    %broadcast_in_dim3A_581 = vector.shape_cast %convert_element_type3A_577 : vector<1x128xi32> to vector<1x128xi32>
    %broadcast_in_dim3A_582 = vector.broadcast %broadcast_in_dim3A_581 : vector<1x128xi32> to vector<16x128xi32>
    %select_n3A_583 = arith.select %eq3A_580, %broadcast_in_dim3A_582, %select_n3A_546 : vector<16x128xi1>, vector<16x128xi32>
    %select_n3A_584 = arith.select %eq3A_566, %select_n3A_549, %select_n3A_547 : vector<160x128xi1>, vector<160x128xf32>
    %select_n3A_585 = arith.select %eq3A_566, %select_n3A_550, %select_n3A_548 : vector<160x128xi1>, vector<160x128xf32>
    %select_n3A_586 = arith.select %eq3A_566, %select_n3A_553, %select_n3A_549 : vector<160x128xi1>, vector<160x128xf32>
    %select_n3A_587 = arith.select %eq3A_566, %reduce_min3A_47, %select_n3A_550 : vector<160x128xi1>, vector<160x128xf32>
    %reduce_min3A_588 = arith.constant dense<0x7F800000> : vector<128xf32>
    %reduce_min3A_589 = vector.multi_reduction <minimumf>, %select_n3A_584, %reduce_min3A_588 [0] : vector<160x128xf32> to vector<128xf32>
    %broadcast_in_dim3A_590 = vector.shape_cast %reduce_min3A_589 : vector<128xf32> to vector<1x128xf32>
    %eq3A_591 = vector.broadcast %broadcast_in_dim3A_590 : vector<1x128xf32> to vector<160x128xf32>
    %eq3A_592 = arith.cmpf oeq, %select_n3A_584, %eq3A_591 : vector<160x128xf32>
    %jit3A_593 = arith.constant 1.600000e+02 : f32
    %broadcast_in_dim3A_594 = vector.broadcast %jit3A_593 : f32 to vector<160x128xf32>
    %select_n3A_595 = arith.select %eq3A_592, %convert_element_type3A_49, %broadcast_in_dim3A_594 : vector<160x128xi1>, vector<160x128xf32>
    %reduce_min3A_596 = arith.constant dense<0x7F800000> : vector<128xf32>
    %reduce_min3A_597 = vector.multi_reduction <minimumf>, %select_n3A_595, %reduce_min3A_596 [0] : vector<160x128xf32> to vector<128xf32>
    %broadcast_in_dim3A_598 = vector.shape_cast %reduce_min3A_597 : vector<128xf32> to vector<1x128xf32>
    %eq3A_599 = vector.broadcast %broadcast_in_dim3A_598 : vector<1x128xf32> to vector<160x128xf32>
    %eq3A_600 = arith.cmpf oeq, %convert_element_type3A_49, %eq3A_599 : vector<160x128xf32>
    %jit3A_601 = arith.constant 6.400000e+01 : f32
    %broadcast_in_dim3A_602 = vector.broadcast %jit3A_601 : f32 to vector<160x128xf32>
    %select_n3A_603 = arith.select %eq3A_600, %select_n3A_585, %broadcast_in_dim3A_602 : vector<160x128xi1>, vector<160x128xf32>
    %reduce_min3A_604 = arith.constant dense<0x7F800000> : vector<128xf32>
    %reduce_min3A_605 = vector.multi_reduction <minimumf>, %select_n3A_603, %reduce_min3A_604 [0] : vector<160x128xf32> to vector<128xf32>
    %broadcast_in_dim3A_606 = vector.shape_cast %reduce_min3A_605 : vector<128xf32> to vector<1x128xf32>
    %mul3A_607 = arith.constant 6.400000e+01 : f32
    %mul3A_608 = vector.broadcast %mul3A_607 : f32 to vector<1x128xf32>
    %mul3A_609 = arith.mulf %broadcast_in_dim3A_598, %mul3A_608 : vector<1x128xf32>
    %add3A_610 = arith.addf %mul3A_609, %broadcast_in_dim3A_606 : vector<1x128xf32>
    %convert_element_type3A_611 = arith.fptosi %add3A_610 : vector<1x128xf32> to vector<1x128xi32>
    %eq3A_612 = arith.constant 14 : i32
    %eq3A_613 = vector.broadcast %eq3A_612 : i32 to vector<16x128xi32>
    %eq3A_614 = arith.cmpi eq, %iota3A_50, %eq3A_613 : vector<16x128xi32>
    %broadcast_in_dim3A_615 = vector.shape_cast %convert_element_type3A_611 : vector<1x128xi32> to vector<1x128xi32>
    %broadcast_in_dim3A_616 = vector.broadcast %broadcast_in_dim3A_615 : vector<1x128xi32> to vector<16x128xi32>
    %select_n3A_617 = arith.select %eq3A_614, %broadcast_in_dim3A_616, %select_n3A_583 : vector<16x128xi1>, vector<16x128xi32>
    %select_n3A_618 = arith.select %eq3A_600, %select_n3A_586, %select_n3A_584 : vector<160x128xi1>, vector<160x128xf32>
    %select_n3A_619 = arith.select %eq3A_600, %select_n3A_587, %select_n3A_585 : vector<160x128xi1>, vector<160x128xf32>
    %reduce_min3A_620 = arith.constant dense<0x7F800000> : vector<128xf32>
    %reduce_min3A_621 = vector.multi_reduction <minimumf>, %select_n3A_618, %reduce_min3A_620 [0] : vector<160x128xf32> to vector<128xf32>
    %broadcast_in_dim3A_622 = vector.shape_cast %reduce_min3A_621 : vector<128xf32> to vector<1x128xf32>
    %eq3A_623 = vector.broadcast %broadcast_in_dim3A_622 : vector<1x128xf32> to vector<160x128xf32>
    %eq3A_624 = arith.cmpf oeq, %select_n3A_618, %eq3A_623 : vector<160x128xf32>
    %jit3A_625 = arith.constant 1.600000e+02 : f32
    %broadcast_in_dim3A_626 = vector.broadcast %jit3A_625 : f32 to vector<160x128xf32>
    %select_n3A_627 = arith.select %eq3A_624, %convert_element_type3A_49, %broadcast_in_dim3A_626 : vector<160x128xi1>, vector<160x128xf32>
    %reduce_min3A_628 = arith.constant dense<0x7F800000> : vector<128xf32>
    %reduce_min3A_629 = vector.multi_reduction <minimumf>, %select_n3A_627, %reduce_min3A_628 [0] : vector<160x128xf32> to vector<128xf32>
    %broadcast_in_dim3A_630 = vector.shape_cast %reduce_min3A_629 : vector<128xf32> to vector<1x128xf32>
    %eq3A_631 = vector.broadcast %broadcast_in_dim3A_630 : vector<1x128xf32> to vector<160x128xf32>
    %eq3A_632 = arith.cmpf oeq, %convert_element_type3A_49, %eq3A_631 : vector<160x128xf32>
    %jit3A_633 = arith.constant 6.400000e+01 : f32
    %broadcast_in_dim3A_634 = vector.broadcast %jit3A_633 : f32 to vector<160x128xf32>
    %select_n3A_635 = arith.select %eq3A_632, %select_n3A_619, %broadcast_in_dim3A_634 : vector<160x128xi1>, vector<160x128xf32>
    %reduce_min3A_636 = arith.constant dense<0x7F800000> : vector<128xf32>
    %reduce_min3A_637 = vector.multi_reduction <minimumf>, %select_n3A_635, %reduce_min3A_636 [0] : vector<160x128xf32> to vector<128xf32>
    %broadcast_in_dim3A_638 = vector.shape_cast %reduce_min3A_637 : vector<128xf32> to vector<1x128xf32>
    %mul3A_639 = arith.constant 6.400000e+01 : f32
    %mul3A_640 = vector.broadcast %mul3A_639 : f32 to vector<1x128xf32>
    %mul3A_641 = arith.mulf %broadcast_in_dim3A_630, %mul3A_640 : vector<1x128xf32>
    %add3A_642 = arith.addf %mul3A_641, %broadcast_in_dim3A_638 : vector<1x128xf32>
    %convert_element_type3A_643 = arith.fptosi %add3A_642 : vector<1x128xf32> to vector<1x128xi32>
    %eq3A_644 = arith.constant 15 : i32
    %eq3A_645 = vector.broadcast %eq3A_644 : i32 to vector<16x128xi32>
    %eq3A_646 = arith.cmpi eq, %iota3A_50, %eq3A_645 : vector<16x128xi32>
    %broadcast_in_dim3A_647 = vector.shape_cast %convert_element_type3A_643 : vector<1x128xi32> to vector<1x128xi32>
    %broadcast_in_dim3A_648 = vector.broadcast %broadcast_in_dim3A_647 : vector<1x128xi32> to vector<16x128xi32>
    %select_n3A_649 = arith.select %eq3A_646, %broadcast_in_dim3A_648, %select_n3A_617 : vector<16x128xi1>, vector<16x128xi32>
    %swap3A = arith.constant 0 : index
    %swap3A_650 = arith.constant 0 : index
    %swap3A_651 = vector.load %arg4[%swap3A, %swap3A_650] : memref<16x128xi32, #tpu.memory_space<vmem>>, vector<16x128xi32>
    tpu.vector_store %arg4[%swap3A, %swap3A_650], %select_n3A_649 {strides = array<i32>} : memref<16x128xi32, #tpu.memory_space<vmem>>, vector<16x128xi32>,
    return
  }
  func.func @transform_0(%arg0: i32) -> (i32, i32) {
    %c0_i32 = arith.constant 0 : i32
    %c0_i32_0 = arith.constant 0 : i32
    %c0_i32_1 = arith.constant 0 : i32
    return %c0_i32, %c0_i32_0 : i32, i32
  }
  func.func @transform_1(%arg0: i32) -> (i32, i32) {
    %c0_i32 = arith.constant 0 : i32
    %c0_i32_0 = arith.constant 0 : i32
    return %c0_i32, %arg0 : i32, i32
  }
  func.func @transform_2(%arg0: i32) -> (i32, i32) {
    %c0_i32 = arith.constant 0 : i32
    %c0_i32_0 = arith.constant 0 : i32
    %c0_i32_1 = arith.constant 0 : i32
    return %c0_i32, %c0_i32_0 : i32, i32
  }
  func.func @transform_3(%arg0: i32) -> (i32, i32) {
    %c0_i32 = arith.constant 0 : i32
    %c0_i32_0 = arith.constant 0 : i32
    return %c0_i32, %arg0 : i32, i32
  }
}

</mosaic_0001>

<sc_bundles>
// kernel: kernel.5.cloned.1.call-start
scs
__scs_entry_jumppad:
0x0: {  	(pc) =	sbr.rel $0x88, $3  }
0x1: {  	(tag) =	ssettag $0x0;
	lr =	simm.s32 $0x1  }
0x2: {  	[smem:$0x3F9E] =	sst lr;
	_ =	strace $0xD0000000  }
0x3: {  	_ = 	snop  }
0x4: {  	_ = 	snop  }
0x5: {  	_ = 	snop  }
0x6: {  	_ = 	snop  }
0x7: {  	_ = 	snop  }
__scs_overlays_trampoline_lowered:
0x8: {  	[smem:$0x3FAD] =	sst s0  }
0x9: {  	[smem:$0x3FAE] =	sst s1  }
0xa: {  	[smem:$0x3FAF] =	sst s2  }
0xb: {  	[smem:$0x3FB0] =	sst s3  }
0xc: {  	[smem:$0x3FB1] =	sst s4  }
0xd: {  	[smem:$0x3FB2] =	sst s5  }
0xe: {  	[smem:$0x3FB3] =	sst s6  }
0xf: {  	[smem:$0x3FB4] =	sst s7  }
0x10: {  	[smem:$0x3FB5] =	sst s8  }
0x11: {  	[smem:$0x3FB6] =	sst s9;
	s0 =	simm.s32 @!p0 $0x0  }
0x12: {  	s1 =	sld [smem:$0x3F9C];
	s0 =	simm.s32 @p0 $0x1  }
0x13: {  	[smem:$0x3FB7] =	sst s0;
	s0 =	simm.s32 @!p1 $0x0  }
0x14: {  	s2 =	sld [smem:$0x3F9B];
	s0 =	simm.s32 @p1 $0x1  }
0x15: {  	[smem:$0x3FB8] =	sst s0;
	s0 =	simm.s32 @!p2 $0x0  }
0x16: {  	s3 =	sld [smem:$0x3FDB];
	s0 =	simm.s32 @p2 $0x1  }
0x17: {  	s4 =	simm.s32 $0x1BF5;
	[smem:$0x3FBA] =	sst s0  }
0x18: {  	s0 =	sld [smem:$0x3F9D];
	_ =	swait.ge [sflag:s4], $0x0  }
0x19: {  	s7 =	sld [smem:$0x3F9E]  }
0x1a: {  	s8 =	sadd.s32 $0xFFFFE003, lr  }
0x1b: {  	s9 =	sadd.s32 $0xFFFFFEF7, lr;
	s5 =	simm.s32 $0xFFFFFFFF;
	p2 =	slt.u32 s8, $0xFFFFF086  }
0x1c: {  	p1 =	slt.u32 s9, $0xF7A;
	s5 =	simm.s32 @!p2 $0x0  }
0x1d: {  	s5 =	simm.s32 @p1 $0x1;
	p0 =	seq.s32 s7, s2  }
0x1e: {  	s7 =	smul.u32 @!p0 $0xF7A, s2;
	p2 =	seq.s32 @!p0 s5, $0x0  }
0x1f: {  	s9 =	smul.u32 $0xF7A, s1;
	s8 =	simm.s32 @!p0 $0x1BF5;
	p2 =	por !p2, p0  }
0x20: {  	[sflag:s8] =	ssyncset.s32 @!p0 $0xFFFFF086;
	s6 =	sadd.s32 @!p0 s3, s7;
	s7 =	simm.s32 @!p0 $0x108  }
0x21: {  	s3 =	sadd.s32 s3, s9;
	s6 =	sadd.s32 @!p0 $0x88, s6;
	s7 =	simm.s32 @p2 $0x1082  }
0x22: {  	[simem:s7], [sflag:s8] =	dma.local @!p0 [hbm:s6], $0xF7A  }
0x23: {  	s9 =	sor.u32 $0xD0000000, s2;
	s6 =	simm.s32 $0x108;
	_ =	swait.ge @!p0 [sflag:s8], $0x0  }
0x24: {  	s3 =	sadd.s32 $0x88, s3;
	s6 =	simm.s32 @!p1 $0x1082;
	[sflag:s4] =	ssyncset.s32 $0xFFFFF086  }
0x25: {  	[simem:s6], [sflag:s4] =	dma.local [hbm:s3], $0xF7A  }
0x26: {  	[smem:$0x3F9E] =	sst s1;
	(tag) =	ssettag s2;
	_ =	strace s9  }
0x27: {  	s1 =	sld [smem:$0x3FAE]  }
0x28: {  	s2 =	sld [smem:$0x3FAF]  }
0x29: {  	s4 =	sld [smem:$0x3FB1]  }
0x2a: {  	p0 =	seq.s32 s5, $0x0;
	s5 =	sld [smem:$0x3FB2]  }
0x2b: {  	s6 =	sld [smem:$0x3FB3]  }
0x2c: {  	s7 =	sld [smem:$0x3FB4]  }
0x2d: {  	s3 =	simm.s32 $0x108;
	s8 =	sld [smem:$0x3FB5]  }
0x2e: {  	s3 =	simm.s32 @!p0 $0x1082;
	s9 =	sld [smem:$0x3FB6]  }
0x2f: {  	lr =	sadd.s32 s0, s3;
	s0 =	sld [smem:$0x3FAD]  }
0x30: {  	s3 =	sld [smem:$0x3FB0]  }
0x31: {  	[smem:$0x3FB9] =	sst s10  }
0x32: {  	s10 =	sld [smem:$0x3FB7];
	_ =	sdelay $0x3  }
0x33: {  	p0 =	seq.s32 s10, $0x1;
	s10 =	sld [smem:$0x3FB9];
	_ =	sdelay $0x3  }
0x34: {  	[smem:$0x3FB9] =	sst s10  }
0x35: {  	s10 =	sld [smem:$0x3FB8];
	_ =	sdelay $0x3  }
0x36: {  	p1 =	seq.s32 s10, $0x1;
	s10 =	sld [smem:$0x3FB9];
	_ =	sdelay $0x3  }
0x37: {  	[smem:$0x3FB9] =	sst s10  }
0x38: {  	s10 =	sld [smem:$0x3FBA]  }
0x39: {  	_ = 	snop;
	(pc) =	sbr.ind lr, $3  }
0x3a: {  	_ = 	snop  }
0x3b: {  	_ = 	snop  }
0x3c: {  	p2 =	seq.s32 s10, $0x1;
	s10 =	sld [smem:$0x3FB9]  }
0x3d: {  	_ =	shalt  }
0x3e: {  	_ =	shalt  }
0x3f: {  	_ =	shalt  }
0x40: {  	_ =	shalt  }
0x41: {  	_ =	shalt  }
0x42: {  	_ =	shalt  }
0x43: {  	_ =	shalt  }
0x44: {  	_ =	shalt  }
0x45: {  	_ =	shalt  }
0x46: {  	_ =	shalt  }
0x47: {  	_ =	shalt  }
0x48: {  	_ =	shalt  }
0x49: {  	_ =	shalt  }
0x4a: {  	_ =	shalt  }
0x4b: {  	_ =	shalt  }
0x4c: {  	_ =	shalt  }
0x4d: {  	_ =	shalt  }
0x4e: {  	_ =	shalt  }
0x4f: {  	_ =	shalt  }
0x50: {  	_ =	shalt  }
0x51: {  	_ =	shalt  }
0x52: {  	_ =	shalt  }
0x53: {  	_ =	shalt  }
0x54: {  	_ =	shalt  }
0x55: {  	_ =	shalt  }
0x56: {  	_ =	shalt  }
0x57: {  	_ =	shalt  }
0x58: {  	_ =	shalt  }
0x59: {  	_ =	shalt  }
0x5a: {  	_ =	shalt  }
0x5b: {  	_ =	shalt  }
0x5c: {  	_ =	shalt  }
0x5d: {  	_ =	shalt  }
0x5e: {  	_ =	shalt  }
0x5f: {  	_ =	shalt  }
0x60: {  	_ =	shalt  }
0x61: {  	_ =	shalt  }
0x62: {  	_ =	shalt  }
0x63: {  	_ =	shalt  }
0x64: {  	_ =	shalt  }
0x65: {  	_ =	shalt  }
0x66: {  	_ =	shalt  }
0x67: {  	_ =	shalt  }
0x68: {  	_ =	shalt  }
0x69: {  	_ =	shalt  }
0x6a: {  	_ =	shalt  }
0x6b: {  	_ =	shalt  }
0x6c: {  	_ =	shalt  }
0x6d: {  	_ =	shalt  }
0x6e: {  	_ =	shalt  }
0x6f: {  	_ =	shalt  }
0x70: {  	_ =	shalt  }
0x71: {  	_ =	shalt  }
0x72: {  	_ =	shalt  }
0x73: {  	_ =	shalt  }
0x74: {  	_ =	shalt  }
0x75: {  	_ =	shalt  }
0x76: {  	_ =	shalt  }
0x77: {  	_ =	shalt  }
0x78: {  	_ =	shalt  }
0x79: {  	_ =	shalt  }
0x7a: {  	_ =	shalt  }
0x7b: {  	_ =	shalt  }
0x7c: {  	_ =	shalt  }
0x7d: {  	_ =	shalt  }
0x7e: {  	_ =	shalt  }
0x7f: {  	_ =	shalt  }
0x80: {  	_ =	shalt  }
0x81: {  	_ =	shalt  }
0x82: {  	_ =	shalt  }
0x83: {  	_ =	shalt  }
0x84: {  	_ =	shalt  }
0x85: {  	_ =	shalt  }
0x86: {  	_ =	shalt  }
0x87: {  	_ =	shalt  }
.Lfunc_end0:
.L_simem_size_0:
called_computation_lowered:
.L_overlay_start_0:
0x88: {  	s2 =	sld [smem:$0x3FD9]  }
0x89: {  	s3 =	sld [smem:$0x3FFE];
	_ =	sdelay $0x1  }
0x8a: {  	s1 =	srdreg.scid  }
0x8b: {  	s0 =	sand.u32 $0x1, s1  }
0x8c: {  	s17 =	sshll.u32 s0, $0xA;
	s2 =	sadd.s32 s3, s2  }
0x8d: {  	s2 =	sadd.s32 s2, s17  }
0x8e: {  	[smem:$0x3FC5] =	sst s2  }
0x8f: {  	_ = 	snop  }
0x90: {  	s2 =	sld [smem:$0x3FD0];
	(tm) =	ssettm $0x1  }
0x91: {  	s18 =	sld [smem:$0x3FFB];
	_ =	sdelay $0x3  }
0x92: {  	_ =	strace s18  }
0x93: {  	s3 =	sld [smem:$0x3FFC];
	_ =	sdelay $0x3  }
0x94: {  	_ =	strace s3  }
0x95: {  	s3 =	sld [smem:$0x3FFD];
	_ =	sdelay $0x3  }
0x96: {  	_ =	strace s3  }
0x97: {  	_ =	strace $0x8FFFFFFF  }
0x98: {  	s19 =	sld [smem:$0x3FDB];
	_ =	sdelay $0x1  }
0x99: {  	s4 =	simm.s32 $_scs_section_size  }
0x9a: {  	s5 =	simm.s32 $_size__tile_overlayer_lowered;
	s6 =	simm.s32 $_tile_overlayer_lowered  }
0x9b: {  	s22 =	simm.s32 $0x1BFF;
	s21 =	sshll.u32 s6, $0x1;
	s3 =	sadd.s32 s4, s19  }
0x9c: {  	s7 =	simm.s32 $0x0;
	s20 =	sshll.u32 s5, $0x1;
	s5 =	sadd.s32 s21, s3  }
0x9d: {  	[timem:s7], [sflag:s22] =	dma.local [hbm:s5], s20  }
0x9e: {  	_ =	swait.ge [sflag:s22], s20  }
0x9f: {  	s4 =	ssub.s32 $0x0, s20;
	[sflag:s22] =	ssyncset.done $0x0  }
0xa0: {  	[sflag:s22] =	ssyncadd.s32 s4;
	_ =	sdelay $0x1  }
0xa1: {  	s23 =	simm.s32 $0x1B8B  }
0xa2: {  	_ =	swait.ge [sflag:s23], $0x1  }
0xa3: {  	[sflag:s23] =	ssyncset.done $0x0  }
0xa4: {  	s25 =	simm.s32 $0x1B8E;
	s24 =	sld [smem:$0x3FFE];
	[sflag:s23] =	ssyncadd.s32 $0xFFFFFFFF  }
0xa5: {  	s26 =	simm.s32 $execute0_lowered;
	[smem:$0x3FD2] =	sst s25  }
0xa6: {  	s5 =	sshll.u32 s26, $0x1;
	_ =	strace $0x80000046;
	[dreg:$0x1] =	wrdreg $0xFFFFFFFF  }
0xa7: {  	s28 =	simm.s32 $_size_execute0_lowered;
	s3 =	sadd.s32 s3, s5;
	[dreg:$0x0] =	wrdreg $0x0  }
0xa8: {  	s5 =	sshll.u32 s28, $0x1;
	[dreg:$0x2] =	wrdreg s3  }
0xa9: {  	[dreg:$0x3] =	wrdreg s5  }
0xaa: {  	[dreg:$0x4] =	wrdreg $0xC0  }
0xab: {  	_ =	task [dreg:s7], $0x5FFFF  }
0xac: {  	[dreg:$0x1] =	wrdreg $0xFFFFFFFF  }
0xad: {  	[dreg:$0x0] =	wrdreg $0x60  }
0xae: {  	[dreg:$0x2] =	wrdreg s2  }
0xaf: {  	[dreg:$0x3] =	wrdreg s24  }
0xb0: {  	[dreg:$0x4] =	wrdreg $0x9  }
0xb1: {  	_ =	task.clear_ibuf [dreg:s7], $0x5FFFF;
	_ =	strace $0x90000046  }
0xb2: {  	s29 =	simm.s32 $0x9;
	_ =	strace $0x80000048  }
0xb3: {  	_ =	swait.ge [sflag:s29], $0x1  }
0xb4: {  	[sflag:s29] =	ssyncadd.s32 $0xFFFFFFFF  }
0xb5: {  	_ =	strace $0x90000048  }
0xb6: {  	_ =	sfence  }
0xb7: {  	s30 =	sld [smem:$0x0];
	_ =	sdelay $0x2  }
0xb8: {  	s31 =	sshll.u32 s1, $0xD;
	s1 =	sshrl.u32 s1, $0x2  }
0xb9: {  	s3 =	sand.u32 $0x4000, s31;
	s1 =	sadd.s32 s1, s30  }
0xba: {  	s0 =	sor.u32 s3, s0;
	s1 =	sshll.u32 s1, $0x11  }
0xbb: {  	s0 =	sor.u32 s1, s0  }
0xbc: {  	s0 =	sadd.s32 $0x8F2B, s0  }
0xbd: {  	[sflag:s0] =	ssyncadd.remote.s32 $0x1  }
0xbe: {  	_ =	sfence.sel $0xFFFF  }
0xbf: {  	[dreg:$0x0] =	wrdreg $0xFFFFFFFF;
	(pc) =	sbr.abs _section_cstart, $3  }
0xc0: {  	[dreg:$0x1] =	wrdreg $0xFFFFFFFF  }
0xc1: {  	_ =	task.clear_ibuf [dreg:s7], $0x2FFFF;
	_ =	strace $0x9FFFFFFF  }
0xc2: {  	(tm) =	ssettm $0x7FFFFFFF  }
0xc3: {  	_ =	shalt  }
tec
execute0_lowered:
.L_overlay_start_1:
0x0: {  	(tag) =	ssettag $0x1  }
0x1: {  	s2 =	rddreg [dreg:$0x0]  }
0x2: {  	s0 =	srdreg.scid;
	s3 =	stileid.u32  }
0x3: {  	s1 =	rddreg [dreg:$0x1];
	s16 =	simm.s32 $0x7;
	s28 =	simm.s32 $0xE900  }
0x4: {  	s29 =	simm.s32 $0xF100;
	s30 =	simm.s32 $0xF900;
	s31 =	simm.s32 $0x10900  }
0x5: {  	s11 =	simm.s32 $0x2;
	s0 =	sand.u32 $0x1, s0;
	s4 =	sshll.u32 s3, $0x1  }
0x6: {  	s14 =	simm.s32 $0x4;
	s18 =	simm.s32 $0x0;
	s8 =	sor.u32 s0, s4  }
0x7: {  	s3 =	simm.s32 $0x0;
	s5 =	sadd.s32 $0x51200, s1;
	s4 =	smul.u32 $0x1400, s8  }
0x8: {  	s6 =	sadd.s32 $0x1200, s1;
	s7 =	sadd.s32 $0xA1200, s1;
	s10 =	smul.u32 $0x2800, s8  }
0x9: {  	[smem:$0x7FF] =	sst s3;
	s0 =	ssub.s32 $0x2, s0;
	s12 =	smul.u32 $0x14000, s8  }
0xa: {  	_ =	strace $0x80000047;
	s24 =	sshrl.u32 s0, $0x1;
	s13 =	smul.u32 $0x28, s8  }
0xb: {  	s8 =	simm.s32 $0x11900;
	s0 =	ssub.s32 s0, s24;
	s9 =	sshrl.u32 s4, $0x3  }
0xc: {  	s25 =	sadd.s32 s6, s10;
	s26 =	sadd.s32 s10, s7;
	s0 =	smax.u32 s0, $0x1  }
.Ltmp0:
0xd: {  	s10 =	simm.s32 $0x11100;
	[dreg:$0x4] =	wrdreg s25;
	(pc) =	sbr.rel .LBB2_1-.Ltmp0, $4  }
0xe: {  	s9 =	sadd.s32 s2, s9;
	s1 =	sadd.s32 $0x100, s25;
	[dreg:$0x7] =	wrdreg s0  }
0xf: {  	v2 =	vlaneseq.u32;
	s15 =	sadd.s32 $0x100, s26;
	s25 =	simm.s32 $0xD900;
	[dreg:$0x3] =	wrdreg s9  }
0x10: {  	vm0 =	vmmov $0xffff;
	v1 =	vshrl.u32 v2, $0x3;
	s26 =	simm.s32 $0xE100;
	s9 =	sadd.s32 $0x10, s9;
	[dreg:$0x6] =	wrdreg s1  }
0x11: {  	v0 =	vand.u32 $0x7, v2;
	v2 =	vor.u32 $0x8, v2;
	v1 =	vmul.u32 $0x8, v1;
	s0 =	simm.s32 $0x3;
	s1 =	simm.s32 $0x1;
	[dreg:$0x5] =	wrdreg s9  }
.LBB2_10:
0x12: {  	s9 =	simm.s32 $0x5  }
0x13: {  	_ =	swait.ge [sflag:s9], $0x800  }
0x14: {  	[sflag:s9] =	ssyncset.done $0x0  }
0x15: {  	s17 =	simm.s32 $0x6;
	[sflag:s9] =	ssyncadd.s32 $0xFFFFF800  }
0x16: {  	_ =	swait.ge [sflag:s17], $0x800  }
0x17: {  	s18 =	rddreg [dreg:$0x8]  }
0x18: {  	s24 =	rddreg [dreg:$0x7];
	s18 =	sadd.s32 $0x1, s18  }
0x19: {  	p0 =	sne.s32 s18, s24  }
.Ltmp1:
0x1a: {  	_ = 	snop;
	(pc) =	sbr.rel @!p0 .LBB2_11-.Ltmp1, $3  }
0x1b: {  	_ =	sdelay $0x1  }
0x1c: {  	[sflag:s17] =	ssyncset.done $0x0  }
0x1d: {  	[sflag:s17] =	ssyncadd.s32 $0xFFFFF800  }
.LBB2_1:
0x1e: {  	[dreg:$0x8] =	wrdreg s18  }
0x1f: {  	s9 =	rddreg [dreg:$0x3]  }
0x20: {  	[tilespmem:s3], [sflag:$0x7] =	stream.linear.gather [hbm4b:s9+s3], $0x80, $0x38;
	[tilespmem:$0x12100] =	vst v63  }
0x21: {  	_ =	swait.ge [sflag:s16], $0x80  }
0x22: {  	[sflag:s16] =	ssyncset.done $0x0  }
0x23: {  	[sflag:s16] =	ssyncadd.s32 $0xFFFFFF80  }
0x24: {  	v3 =	vld [tilespmem:$0x0];
	_ =	sdelay $0x4  }
0x25: {  	v4 =	vshll.u32 v3, $0x1  }
0x26: {  	v3 =	vand.u32 $0x7, v3;
	v4 =	vand.u32 $0xFFFFFFF0, v4  }
0x27: {  	v3 =	vor.u32 v3, v4  }
0x28: {  	v4 =	vperm.xlane v3, v0;
	_ =	sdelay $0x1  }
0x29: {  	v3 =	vperm.xlane v3, v2;
	v4 =	vadd.s32 v1, v4;
	_ =	sdelay $0x1  }
0x2a: {  	v3 =	vadd.s32 v1, v3;
	_ =	sdelay $0x1  }
0x2b: {  	s18 =	simm.s32 $0x100  }
0x2c: {  	[tilespmem:s18], [sflag:$0x1] =	stream.indirect_vreg.gather [hbm4b:s5+s3], $0x80, v4, vm0, $0xb8;
	[tilespmem:$0x12100] =	vst v63  }
0x2d: {  	s19 =	simm.s32 $0x900  }
0x2e: {  	[tilespmem:s19], [sflag:$0x1] =	stream.indirect_vreg.gather [hbm4b:s5+s3], $0x80, v3, vm0, $0xb8;
	[tilespmem:$0x12100] =	vst v63  }
0x2f: {  	v3 =	vld [tilespmem:$0x10];
	_ =	sdelay $0x4  }
0x30: {  	v49 =	vshll.u32 v3, $0x1  }
0x31: {  	v3 =	vand.u32 $0x7, v3;
	v4 =	vand.u32 $0xFFFFFFF0, v49  }
0x32: {  	v3 =	vor.u32 v3, v4  }
0x33: {  	v4 =	vperm.xlane v3, v0;
	_ =	sdelay $0x1  }
0x34: {  	v3 =	vperm.xlane v3, v2;
	v4 =	vadd.s32 v1, v4;
	_ =	sdelay $0x1  }
0x35: {  	v3 =	vadd.s32 v1, v3;
	_ =	sdelay $0x1  }
0x36: {  	s20 =	simm.s32 $0x1100  }
0x37: {  	[tilespmem:s20], [sflag:$0x1] =	stream.indirect_vreg.gather [hbm4b:s5+s3], $0x80, v4, vm0, $0xb8;
	[tilespmem:$0x12100] =	vst v63  }
0x38: {  	s21 =	simm.s32 $0x1900  }
0x39: {  	[tilespmem:s21], [sflag:$0x1] =	stream.indirect_vreg.gather [hbm4b:s5+s3], $0x80, v3, vm0, $0xb8;
	[tilespmem:$0x12100] =	vst v63  }
0x3a: {  	v3 =	vld [tilespmem:$0x20];
	_ =	sdelay $0x4  }
0x3b: {  	v50 =	vshll.u32 v3, $0x1  }
0x3c: {  	v3 =	vand.u32 $0x7, v3;
	v4 =	vand.u32 $0xFFFFFFF0, v50  }
0x3d: {  	v3 =	vor.u32 v3, v4  }
0x3e: {  	v4 =	vperm.xlane v3, v0;
	_ =	sdelay $0x1  }
0x3f: {  	v3 =	vperm.xlane v3, v2;
	v4 =	vadd.s32 v1, v4;
	_ =	sdelay $0x1  }
0x40: {  	v3 =	vadd.s32 v1, v3;
	_ =	sdelay $0x1  }
0x41: {  	s22 =	simm.s32 $0x2100  }
0x42: {  	[tilespmem:s22], [sflag:$0x1] =	stream.indirect_vreg.gather [hbm4b:s5+s3], $0x80, v4, vm0, $0xb8;
	[tilespmem:$0x12100] =	vst v63  }
0x43: {  	s23 =	simm.s32 $0x2900  }
0x44: {  	[tilespmem:s23], [sflag:$0x1] =	stream.indirect_vreg.gather [hbm4b:s5+s3], $0x80, v3, vm0, $0xb8;
	[tilespmem:$0x12100] =	vst v63  }
0x45: {  	v3 =	vld [tilespmem:$0x30];
	_ =	sdelay $0x4  }
0x46: {  	v51 =	vshll.u32 v3, $0x1  }
0x47: {  	v3 =	vand.u32 $0x7, v3;
	v4 =	vand.u32 $0xFFFFFFF0, v51  }
0x48: {  	v3 =	vor.u32 v3, v4  }
0x49: {  	v4 =	vperm.xlane v3, v0;
	_ =	sdelay $0x1  }
0x4a: {  	v3 =	vperm.xlane v3, v2;
	v4 =	vadd.s32 v1, v4;
	_ =	sdelay $0x1  }
0x4b: {  	v3 =	vadd.s32 v1, v3;
	_ =	sdelay $0x1  }
0x4c: {  	s24 =	simm.s32 $0x3100  }
0x4d: {  	[tilespmem:s24], [sflag:$0x1] =	stream.indirect_vreg.gather [hbm4b:s5+s3], $0x80, v4, vm0, $0xb8;
	[tilespmem:$0x12100] =	vst v63  }
0x4e: {  	s17 =	simm.s32 $0x3900  }
0x4f: {  	[tilespmem:s17], [sflag:$0x1] =	stream.indirect_vreg.gather [hbm4b:s5+s3], $0x80, v3, vm0, $0xb8;
	[tilespmem:$0x12100] =	vst v63  }
0x50: {  	v3 =	vld [tilespmem:$0x40];
	_ =	sdelay $0x4  }
0x51: {  	v52 =	vshll.u32 v3, $0x1  }
0x52: {  	v3 =	vand.u32 $0x7, v3;
	v4 =	vand.u32 $0xFFFFFFF0, v52  }
0x53: {  	v3 =	vor.u32 v3, v4  }
0x54: {  	v4 =	vperm.xlane v3, v0;
	_ =	sdelay $0x1  }
0x55: {  	v3 =	vperm.xlane v3, v2;
	v4 =	vadd.s32 v1, v4;
	_ =	sdelay $0x1  }
0x56: {  	v3 =	vadd.s32 v1, v3;
	_ =	sdelay $0x1  }
0x57: {  	s18 =	simm.s32 $0x4100  }
0x58: {  	[tilespmem:s18], [sflag:$0x1] =	stream.indirect_vreg.gather [hbm4b:s5+s3], $0x80, v4, vm0, $0xb8;
	[tilespmem:$0x12100] =	vst v63  }
0x59: {  	s19 =	simm.s32 $0x4900  }
0x5a: {  	[tilespmem:s19], [sflag:$0x1] =	stream.indirect_vreg.gather [hbm4b:s5+s3], $0x80, v3, vm0, $0xb8;
	[tilespmem:$0x12100] =	vst v63  }
0x5b: {  	v3 =	vld [tilespmem:$0x50];
	_ =	sdelay $0x4  }
0x5c: {  	v53 =	vshll.u32 v3, $0x1  }
0x5d: {  	v3 =	vand.u32 $0x7, v3;
	v4 =	vand.u32 $0xFFFFFFF0, v53  }
0x5e: {  	v3 =	vor.u32 v3, v4  }
0x5f: {  	v4 =	vperm.xlane v3, v0;
	_ =	sdelay $0x1  }
0x60: {  	v3 =	vperm.xlane v3, v2;
	v4 =	vadd.s32 v1, v4;
	_ =	sdelay $0x1  }
0x61: {  	v3 =	vadd.s32 v1, v3;
	_ =	sdelay $0x1  }
0x62: {  	s20 =	simm.s32 $0x5100  }
0x63: {  	[tilespmem:s20], [sflag:$0x1] =	stream.indirect_vreg.gather [hbm4b:s5+s3], $0x80, v4, vm0, $0xb8;
	[tilespmem:$0x12100] =	vst v63  }
0x64: {  	s21 =	simm.s32 $0x5900  }
0x65: {  	[tilespmem:s21], [sflag:$0x1] =	stream.indirect_vreg.gather [hbm4b:s5+s3], $0x80, v3, vm0, $0xb8;
	[tilespmem:$0x12100] =	vst v63  }
0x66: {  	v3 =	vld [tilespmem:$0x60];
	_ =	sdelay $0x4  }
0x67: {  	v54 =	vshll.u32 v3, $0x1  }
0x68: {  	v3 =	vand.u32 $0x7, v3;
	v4 =	vand.u32 $0xFFFFFFF0, v54  }
0x69: {  	v3 =	vor.u32 v3, v4  }
0x6a: {  	v4 =	vperm.xlane v3, v0;
	_ =	sdelay $0x1  }
0x6b: {  	v3 =	vperm.xlane v3, v2;
	v4 =	vadd.s32 v1, v4;
	_ =	sdelay $0x1  }
0x6c: {  	v3 =	vadd.s32 v1, v3;
	_ =	sdelay $0x1  }
0x6d: {  	s22 =	simm.s32 $0x6100  }
0x6e: {  	[tilespmem:s22], [sflag:$0x1] =	stream.indirect_vreg.gather [hbm4b:s5+s3], $0x80, v4, vm0, $0xb8;
	[tilespmem:$0x12100] =	vst v63  }
0x6f: {  	s23 =	simm.s32 $0x6900  }
0x70: {  	[tilespmem:s23], [sflag:$0x1] =	stream.indirect_vreg.gather [hbm4b:s5+s3], $0x80, v3, vm0, $0xb8;
	[tilespmem:$0x12100] =	vst v63  }
0x71: {  	v3 =	vld [tilespmem:$0x70];
	_ =	sdelay $0x4  }
0x72: {  	v55 =	vshll.u32 v3, $0x1  }
0x73: {  	v3 =	vand.u32 $0x7, v3;
	v4 =	vand.u32 $0xFFFFFFF0, v55  }
0x74: {  	v3 =	vor.u32 v3, v4  }
0x75: {  	v4 =	vperm.xlane v3, v0;
	_ =	sdelay $0x1  }
0x76: {  	v3 =	vperm.xlane v3, v2;
	v4 =	vadd.s32 v1, v4;
	_ =	sdelay $0x1  }
0x77: {  	v3 =	vadd.s32 v1, v3;
	_ =	sdelay $0x1  }
0x78: {  	s24 =	simm.s32 $0x7100  }
0x79: {  	[tilespmem:s24], [sflag:$0x1] =	stream.indirect_vreg.gather [hbm4b:s5+s3], $0x80, v4, vm0, $0xb8;
	[tilespmem:$0x12100] =	vst v63  }
0x7a: {  	s17 =	simm.s32 $0x7900  }
0x7b: {  	[tilespmem:s17], [sflag:$0x1] =	stream.indirect_vreg.gather [hbm4b:s5+s3], $0x80, v3, vm0, $0xb8;
	[tilespmem:$0x12100] =	vst v63  }
0x7c: {  	s18 =	rddreg [dreg:$0x4];
	s17 =	simm.s32 $0x10100  }
0x7d: {  	[tilespmem:s17], [sflag:$0x3] =	stream.linear.gather [hbm4b:s18+s3], $0x800, $0x38;
	[tilespmem:$0x12100] =	vst v63  }
0x7e: {  	s19 =	rddreg [dreg:$0x5];
	s20 =	simm.s32 $0x80  }
0x7f: {  	[tilespmem:s20], [sflag:$0x7] =	stream.linear.gather [hbm4b:s19+s3], $0x80, $0x38;
	[tilespmem:$0x12100] =	vst v63  }
0x80: {  	_ =	swait.ge [sflag:s16], $0x80  }
0x81: {  	[sflag:s16] =	ssyncset.done $0x0  }
0x82: {  	[sflag:s16] =	ssyncadd.s32 $0xFFFFFF80  }
0x83: {  	v3 =	vld [tilespmem:$0x80];
	_ =	sdelay $0x4  }
0x84: {  	v56 =	vshll.u32 v3, $0x1  }
0x85: {  	v3 =	vand.u32 $0x7, v3;
	v4 =	vand.u32 $0xFFFFFFF0, v56  }
0x86: {  	v3 =	vor.u32 v3, v4  }
0x87: {  	v4 =	vperm.xlane v3, v0;
	_ =	sdelay $0x1  }
0x88: {  	v3 =	vperm.xlane v3, v2;
	v4 =	vadd.s32 v1, v4;
	_ =	sdelay $0x1  }
0x89: {  	v3 =	vadd.s32 v1, v3;
	_ =	sdelay $0x1  }
0x8a: {  	s21 =	simm.s32 $0x8100  }
0x8b: {  	[tilespmem:s21], [sflag:$0x2] =	stream.indirect_vreg.gather [hbm4b:s5+s3], $0x80, v4, vm0, $0xb8;
	[tilespmem:$0x12100] =	vst v63  }
0x8c: {  	s22 =	simm.s32 $0x8900  }
0x8d: {  	[tilespmem:s22], [sflag:$0x2] =	stream.indirect_vreg.gather [hbm4b:s5+s3], $0x80, v3, vm0, $0xb8;
	[tilespmem:$0x12100] =	vst v63  }
0x8e: {  	v3 =	vld [tilespmem:$0x90];
	_ =	sdelay $0x4  }
0x8f: {  	v57 =	vshll.u32 v3, $0x1  }
0x90: {  	v3 =	vand.u32 $0x7, v3;
	v4 =	vand.u32 $0xFFFFFFF0, v57  }
0x91: {  	v3 =	vor.u32 v3, v4  }
0x92: {  	v4 =	vperm.xlane v3, v0;
	_ =	sdelay $0x1  }
0x93: {  	v3 =	vperm.xlane v3, v2;
	v4 =	vadd.s32 v1, v4;
	_ =	sdelay $0x1  }
0x94: {  	v3 =	vadd.s32 v1, v3;
	_ =	sdelay $0x1  }
0x95: {  	s23 =	simm.s32 $0x9100  }
0x96: {  	[tilespmem:s23], [sflag:$0x2] =	stream.indirect_vreg.gather [hbm4b:s5+s3], $0x80, v4, vm0, $0xb8;
	[tilespmem:$0x12100] =	vst v63  }
0x97: {  	s24 =	simm.s32 $0x9900  }
0x98: {  	[tilespmem:s24], [sflag:$0x2] =	stream.indirect_vreg.gather [hbm4b:s5+s3], $0x80, v3, vm0, $0xb8;
	[tilespmem:$0x12100] =	vst v63  }
0x99: {  	v3 =	vld [tilespmem:$0xA0];
	_ =	sdelay $0x4  }
0x9a: {  	v58 =	vshll.u32 v3, $0x1  }
0x9b: {  	v3 =	vand.u32 $0x7, v3;
	v4 =	vand.u32 $0xFFFFFFF0, v58  }
0x9c: {  	v3 =	vor.u32 v3, v4  }
0x9d: {  	v4 =	vperm.xlane v3, v0;
	_ =	sdelay $0x1  }
0x9e: {  	v3 =	vperm.xlane v3, v2;
	v4 =	vadd.s32 v1, v4;
	_ =	sdelay $0x1  }
0x9f: {  	v3 =	vadd.s32 v1, v3;
	_ =	sdelay $0x1  }
0xa0: {  	s17 =	simm.s32 $0xA100  }
0xa1: {  	[tilespmem:s17], [sflag:$0x2] =	stream.indirect_vreg.gather [hbm4b:s5+s3], $0x80, v4, vm0, $0xb8;
	[tilespmem:$0x12100] =	vst v63  }
0xa2: {  	s18 =	simm.s32 $0xA900  }
0xa3: {  	[tilespmem:s18], [sflag:$0x2] =	stream.indirect_vreg.gather [hbm4b:s5+s3], $0x80, v3, vm0, $0xb8;
	[tilespmem:$0x12100] =	vst v63  }
0xa4: {  	v3 =	vld [tilespmem:$0xB0];
	_ =	sdelay $0x4  }
0xa5: {  	v59 =	vshll.u32 v3, $0x1  }
0xa6: {  	v3 =	vand.u32 $0x7, v3;
	v4 =	vand.u32 $0xFFFFFFF0, v59  }
0xa7: {  	v3 =	vor.u32 v3, v4  }
0xa8: {  	v4 =	vperm.xlane v3, v0;
	_ =	sdelay $0x1  }
0xa9: {  	v3 =	vperm.xlane v3, v2;
	v4 =	vadd.s32 v1, v4;
	_ =	sdelay $0x1  }
0xaa: {  	v3 =	vadd.s32 v1, v3;
	_ =	sdelay $0x1  }
0xab: {  	s19 =	simm.s32 $0xB100  }
0xac: {  	[tilespmem:s19], [sflag:$0x2] =	stream.indirect_vreg.gather [hbm4b:s5+s3], $0x80, v4, vm0, $0xb8;
	[tilespmem:$0x12100] =	vst v63  }
0xad: {  	s20 =	simm.s32 $0xB900  }
0xae: {  	[tilespmem:s20], [sflag:$0x2] =	stream.indirect_vreg.gather [hbm4b:s5+s3], $0x80, v3, vm0, $0xb8;
	[tilespmem:$0x12100] =	vst v63  }
0xaf: {  	v3 =	vld [tilespmem:$0xC0];
	_ =	sdelay $0x4  }
0xb0: {  	v60 =	vshll.u32 v3, $0x1  }
0xb1: {  	v3 =	vand.u32 $0x7, v3;
	v4 =	vand.u32 $0xFFFFFFF0, v60  }
0xb2: {  	v3 =	vor.u32 v3, v4  }
0xb3: {  	v4 =	vperm.xlane v3, v0;
	_ =	sdelay $0x1  }
0xb4: {  	v3 =	vperm.xlane v3, v2;
	v4 =	vadd.s32 v1, v4;
	_ =	sdelay $0x1  }
0xb5: {  	v3 =	vadd.s32 v1, v3;
	_ =	sdelay $0x1  }
0xb6: {  	s21 =	simm.s32 $0xC100  }
0xb7: {  	[tilespmem:s21], [sflag:$0x2] =	stream.indirect_vreg.gather [hbm4b:s5+s3], $0x80, v4, vm0, $0xb8;
	[tilespmem:$0x12100] =	vst v63  }
0xb8: {  	s22 =	simm.s32 $0xC900  }
0xb9: {  	[tilespmem:s22], [sflag:$0x2] =	stream.indirect_vreg.gather [hbm4b:s5+s3], $0x80, v3, vm0, $0xb8;
	[tilespmem:$0x12100] =	vst v63  }
0xba: {  	v3 =	vld [tilespmem:$0xD0];
	_ =	sdelay $0x4  }
0xbb: {  	v61 =	vshll.u32 v3, $0x1  }
0xbc: {  	v3 =	vand.u32 $0x7, v3;
	v4 =	vand.u32 $0xFFFFFFF0, v61  }
0xbd: {  	v3 =	vor.u32 v3, v4  }
0xbe: {  	v4 =	vperm.xlane v3, v0;
	_ =	sdelay $0x1  }
0xbf: {  	v3 =	vperm.xlane v3, v2;
	v4 =	vadd.s32 v1, v4;
	_ =	sdelay $0x1  }
0xc0: {  	v3 =	vadd.s32 v1, v3;
	_ =	sdelay $0x1  }
0xc1: {  	s23 =	simm.s32 $0xD100  }
0xc2: {  	[tilespmem:s23], [sflag:$0x2] =	stream.indirect_vreg.gather [hbm4b:s5+s3], $0x80, v4, vm0, $0xb8;
	[tilespmem:$0x12100] =	vst v63  }
0xc3: {  	_ = 	snop  }
0xc4: {  	[tilespmem:s25], [sflag:$0x2] =	stream.indirect_vreg.gather [hbm4b:s5+s3], $0x80, v3, vm0, $0xb8;
	[tilespmem:$0x12100] =	vst v63  }
0xc5: {  	v3 =	vld [tilespmem:$0xE0];
	_ =	sdelay $0x4  }
0xc6: {  	v62 =	vshll.u32 v3, $0x1  }
0xc7: {  	v3 =	vand.u32 $0x7, v3;
	v4 =	vand.u32 $0xFFFFFFF0, v62  }
0xc8: {  	v3 =	vor.u32 v3, v4  }
0xc9: {  	v4 =	vperm.xlane v3, v0;
	_ =	sdelay $0x1  }
0xca: {  	v3 =	vperm.xlane v3, v2;
	v4 =	vadd.s32 v1, v4;
	_ =	sdelay $0x1  }
0xcb: {  	v3 =	vadd.s32 v1, v3;
	_ =	sdelay $0x2  }
0xcc: {  	[tilespmem:s26], [sflag:$0x2] =	stream.indirect_vreg.gather [hbm4b:s5+s3], $0x80, v4, vm0, $0xb8;
	[tilespmem:$0x12100] =	vst v63  }
0xcd: {  	_ = 	snop  }
0xce: {  	[tilespmem:s28], [sflag:$0x2] =	stream.indirect_vreg.gather [hbm4b:s5+s3], $0x80, v3, vm0, $0xb8;
	[tilespmem:$0x12100] =	vst v63  }
0xcf: {  	v3 =	vld [tilespmem:$0xF0];
	_ =	sdelay $0x4  }
0xd0: {  	v63 =	vshll.u32 v3, $0x1  }
0xd1: {  	v3 =	vand.u32 $0x7, v3;
	v4 =	vand.u32 $0xFFFFFFF0, v63  }
0xd2: {  	v3 =	vor.u32 v3, v4  }
0xd3: {  	v4 =	vperm.xlane v3, v0;
	_ =	sdelay $0x1  }
0xd4: {  	v3 =	vperm.xlane v3, v2;
	v4 =	vadd.s32 v1, v4;
	_ =	sdelay $0x1  }
0xd5: {  	v3 =	vadd.s32 v1, v3;
	_ =	sdelay $0x2  }
0xd6: {  	[tilespmem:s29], [sflag:$0x2] =	stream.indirect_vreg.gather [hbm4b:s5+s3], $0x80, v4, vm0, $0xb8;
	[tilespmem:$0x12100] =	vst v63  }
0xd7: {  	_ = 	snop  }
0xd8: {  	[tilespmem:s30], [sflag:$0x2] =	stream.indirect_vreg.gather [hbm4b:s5+s3], $0x80, v3, vm0, $0xb8;
	[tilespmem:$0x12100] =	vst v63  }
0xd9: {  	s9 =	simm.s32 $0x0;
	s24 =	rddreg [dreg:$0x6]  }
0xda: {  	[tilespmem:s31], [sflag:$0x4] =	stream.linear.gather [hbm4b:s24+s3], $0x800, $0x38;
	[tilespmem:$0x12100] =	vst v63  }
.LBB2_2:
0xdb: {  	_ =	swait.ge [sflag:s1], $0x8000  }
0xdc: {  	[sflag:s1] =	ssyncset.done $0x0  }
0xdd: {  	[sflag:s1] =	ssyncadd.s32 $0xFFFF8000  }
0xde: {  	_ =	swait.ge [sflag:s0], $0x800  }
0xdf: {  	p0 =	seq.s32 s9, $0x0;
	[sflag:s0] =	ssyncset.done $0x0  }
0xe0: {  	s18 =	simm.s32 @!p0 $0x5;
	[sflag:s0] =	ssyncadd.s32 $0xFFFFF800  }
0xe1: {  	_ =	swait.ge @!p0 [sflag:s18], $0x800  }
0xe2: {  	s17 =	sshll.u32 s9, $0x1;
	[sflag:s18] =	ssyncset.done @!p0 $0x0  }
0xe3: {  	s19 =	simm.s32 $0x0;
	[sflag:s18] =	ssyncadd.s32 @!p0 $0xFFFFF800;
	s18 =	simm.s32 $0x0  }
.LBB2_3:
0xe4: {  	s20 =	sand.u32 $0x70, s19;
	s22 =	sand.u32 $0x400, s18  }
0xe5: {  	s20 =	sor.u32 s20, s22  }
0xe6: {  	v3 =	vld [tilespmem:s20+$0x100]  }
0xe7: {  	v5 =	vld [tilespmem:s20+$0x200]  }
0xe8: {  	v7 =	vld [tilespmem:s20+$0x300]  }
0xe9: {  	v9 =	vld [tilespmem:s20+$0x400]  }
0xea: {  	v11 =	vld [tilespmem:s20+$0x900]  }
0xeb: {  	v12 =	vld [tilespmem:s20+$0x980]  }
0xec: {  	v13 =	vld [tilespmem:s20+$0xA00]  }
0xed: {  	s21 =	sand.u32 $0xFFFFFC00, s18;
	v14 =	vld [tilespmem:s20+$0xA80]  }
0xee: {  	s21 =	sadd.s32 s21, s19;
	v15 =	vld [tilespmem:s20+$0xB00]  }
0xef: {  	s24 =	sor.u32 $0x80, s21;
	v16 =	vld [tilespmem:s20+$0xB80]  }
0xf0: {  	v4 =	vld [tilespmem:s24+$0x100]  }
0xf1: {  	s23 =	sor.u32 $0x180, s21;
	v17 =	vld [tilespmem:s20+$0xC00]  }
0xf2: {  	v6 =	vld [tilespmem:s23+$0x100]  }
0xf3: {  	s22 =	sor.u32 $0x280, s21;
	v32 =	vld [tilespmem:s20+$0xC80]  }
0xf4: {  	s21 =	sor.u32 s18, s19;
	v8 =	vld [tilespmem:s22+$0x100]  }
0xf5: {  	v33 =	vld [tilespmem:s20+$0x10100];
	s21 =	sor.u32 $0x380, s21;
	v3 =	vmax.f32 v3, v4  }
0xf6: {  	v10 =	vld [tilespmem:s21+$0x100];
	v3 =	vmax.f32 v3, v5  }
0xf7: {  	v34 =	vld [tilespmem:s20+$0x1100];
	v3 =	vmax.f32 v3, v6  }
0xf8: {  	v35 =	vld [tilespmem:s20+$0x1180];
	v3 =	vmax.f32 v3, v7  }
0xf9: {  	v36 =	vld [tilespmem:s20+$0x1200];
	v3 =	vmax.f32 v3, v8  }
0xfa: {  	v37 =	vld [tilespmem:s20+$0x1280];
	v3 =	vmax.f32 v3, v9  }
0xfb: {  	v38 =	vld [tilespmem:s20+$0x1300];
	v3 =	vmax.f32 v3, v10  }
0xfc: {  	v39 =	vld [tilespmem:s20+$0x1380];
	v3 =	vmax.f32 v3, v11  }
0xfd: {  	v40 =	vld [tilespmem:s20+$0x1400];
	v6 =	vmax.f32 v34, v35;
	v3 =	vmax.f32 v3, v12  }
0xfe: {  	v41 =	vld [tilespmem:s20+$0x1480];
	v6 =	vmax.f32 v6, v36;
	v3 =	vmax.f32 v3, v13  }
0xff: {  	v42 =	vld [tilespmem:s20+$0x1900];
	v6 =	vmax.f32 v6, v37;
	v3 =	vmax.f32 v3, v14  }
0x100: {  	v43 =	vld [tilespmem:s20+$0x1980];
	v6 =	vmax.f32 v6, v38;
	v3 =	vmax.f32 v3, v15  }
0x101: {  	v44 =	vld [tilespmem:s20+$0x1A00];
	v6 =	vmax.f32 v6, v39;
	v3 =	vmax.f32 v3, v16  }
0x102: {  	v45 =	vld [tilespmem:s20+$0x1A80];
	v6 =	vmax.f32 v6, v40;
	v3 =	vmax.f32 v3, v17  }
0x103: {  	v47 =	vld [tilespmem:s20+$0x1B00];
	v46 =	vmax.f32 v6, v41;
	v3 =	vmax.f32 v3, v32  }
0x104: {  	v48 =	vld [tilespmem:s20+$0x1B80];
	v4 =	vmax.f32 v46, v42;
	v3 =	vadd.f32 v3, v33  }
0x105: {  	v49 =	vld [tilespmem:s20+$0x1C00];
	v4 =	vmax.f32 v4, v43  }
0x106: {  	v50 =	vld [tilespmem:s20+$0x1C80];
	[tilespmem:s20+$0x11100] =	vst v3;
	v3 =	vmax.f32 v4, v44  }
0x107: {  	v3 =	vmax.f32 v3, v45;
	v51 =	vld [tilespmem:s24+$0x10100]  }
0x108: {  	v3 =	vmax.f32 v3, v47  }
0x109: {  	v3 =	vmax.f32 v3, v48  }
0x10a: {  	v3 =	vmax.f32 v3, v49  }
0x10b: {  	v3 =	vmax.f32 v3, v50  }
0x10c: {  	v3 =	vadd.f32 v3, v51;
	_ =	sdelay $0x1  }
0x10d: {  	[tilespmem:s24+$0x11100] =	vst v3  }
0x10e: {  	v3 =	vld [tilespmem:s20+$0x2100]  }
0x10f: {  	v52 =	vld [tilespmem:s20+$0x2180]  }
0x110: {  	v53 =	vld [tilespmem:s20+$0x2200]  }
0x111: {  	v54 =	vld [tilespmem:s20+$0x2280]  }
0x112: {  	v55 =	vld [tilespmem:s20+$0x2300]  }
0x113: {  	v56 =	vld [tilespmem:s20+$0x2380]  }
0x114: {  	v57 =	vld [tilespmem:s20+$0x2400]  }
0x115: {  	v58 =	vld [tilespmem:s20+$0x2480]  }
0x116: {  	v59 =	vld [tilespmem:s20+$0x2900]  }
0x117: {  	v60 =	vld [tilespmem:s20+$0x2980]  }
0x118: {  	v61 =	vld [tilespmem:s20+$0x2A00]  }
0x119: {  	v62 =	vld [tilespmem:s20+$0x2A80]  }
0x11a: {  	v63 =	vld [tilespmem:s20+$0x2B00]  }
0x11b: {  	v20 =	vld [tilespmem:s20+$0x2B80]  }
0x11c: {  	v21 =	vld [tilespmem:s20+$0x2C00]  }
0x11d: {  	v22 =	vld [tilespmem:s20+$0x2C80];
	v3 =	vmax.f32 v3, v52  }
0x11e: {  	v23 =	vld [tilespmem:s20+$0x10200];
	v3 =	vmax.f32 v3, v53  }
0x11f: {  	v24 =	vld [tilespmem:s20+$0x3100];
	v3 =	vmax.f32 v3, v54  }
0x120: {  	v25 =	vld [tilespmem:s20+$0x3180];
	v3 =	vmax.f32 v3, v55  }
0x121: {  	v26 =	vld [tilespmem:s20+$0x3200];
	v3 =	vmax.f32 v3, v56  }
0x122: {  	v27 =	vld [tilespmem:s20+$0x3280];
	v3 =	vmax.f32 v3, v57  }
0x123: {  	v28 =	vld [tilespmem:s20+$0x3300];
	v3 =	vmax.f32 v3, v58  }
0x124: {  	v29 =	vld [tilespmem:s20+$0x3380];
	v3 =	vmax.f32 v3, v59  }
0x125: {  	v30 =	vld [tilespmem:s20+$0x3400];
	v6 =	vmax.f32 v24, v25;
	v3 =	vmax.f32 v3, v60  }
0x126: {  	v31 =	vld [tilespmem:s20+$0x3480];
	v6 =	vmax.f32 v6, v26;
	v3 =	vmax.f32 v3, v61  }
0x127: {  	v32 =	vld [tilespmem:s20+$0x3900];
	v6 =	vmax.f32 v6, v27;
	v3 =	vmax.f32 v3, v62  }
0x128: {  	v33 =	vld [tilespmem:s20+$0x3980];
	v6 =	vmax.f32 v6, v28;
	v3 =	vmax.f32 v3, v63  }
0x129: {  	v34 =	vld [tilespmem:s20+$0x3A00];
	v6 =	vmax.f32 v6, v29;
	v3 =	vmax.f32 v3, v20  }
0x12a: {  	v35 =	vld [tilespmem:s20+$0x3A80];
	v6 =	vmax.f32 v6, v30;
	v3 =	vmax.f32 v3, v21  }
0x12b: {  	v37 =	vld [tilespmem:s20+$0x3B00];
	v36 =	vmax.f32 v6, v31;
	v3 =	vmax.f32 v3, v22  }
0x12c: {  	v38 =	vld [tilespmem:s20+$0x3B80];
	v4 =	vmax.f32 v36, v32;
	v3 =	vadd.f32 v3, v23  }
0x12d: {  	v39 =	vld [tilespmem:s20+$0x3C00];
	v4 =	vmax.f32 v4, v33  }
0x12e: {  	v40 =	vld [tilespmem:s20+$0x3C80];
	[tilespmem:s20+$0x11200] =	vst v3;
	v3 =	vmax.f32 v4, v34  }
0x12f: {  	v3 =	vmax.f32 v3, v35;
	v41 =	vld [tilespmem:s23+$0x10100]  }
0x130: {  	v3 =	vmax.f32 v3, v37  }
0x131: {  	v3 =	vmax.f32 v3, v38  }
0x132: {  	v3 =	vmax.f32 v3, v39  }
0x133: {  	v3 =	vmax.f32 v3, v40  }
0x134: {  	v3 =	vadd.f32 v3, v41;
	_ =	sdelay $0x1  }
0x135: {  	[tilespmem:s23+$0x11100] =	vst v3  }
0x136: {  	v3 =	vld [tilespmem:s20+$0x4100]  }
0x137: {  	v42 =	vld [tilespmem:s20+$0x4180]  }
0x138: {  	v43 =	vld [tilespmem:s20+$0x4200]  }
0x139: {  	v44 =	vld [tilespmem:s20+$0x4280]  }
0x13a: {  	v45 =	vld [tilespmem:s20+$0x4300]  }
0x13b: {  	v46 =	vld [tilespmem:s20+$0x4380]  }
0x13c: {  	v47 =	vld [tilespmem:s20+$0x4400]  }
0x13d: {  	v48 =	vld [tilespmem:s20+$0x4480]  }
0x13e: {  	v49 =	vld [tilespmem:s20+$0x4900]  }
0x13f: {  	v50 =	vld [tilespmem:s20+$0x4980]  }
0x140: {  	v51 =	vld [tilespmem:s20+$0x4A00]  }
0x141: {  	v52 =	vld [tilespmem:s20+$0x4A80]  }
0x142: {  	v53 =	vld [tilespmem:s20+$0x4B00]  }
0x143: {  	v54 =	vld [tilespmem:s20+$0x4B80]  }
0x144: {  	v55 =	vld [tilespmem:s20+$0x4C00]  }
0x145: {  	v56 =	vld [tilespmem:s20+$0x4C80];
	v3 =	vmax.f32 v3, v42  }
0x146: {  	v57 =	vld [tilespmem:s20+$0x10300];
	v3 =	vmax.f32 v3, v43  }
0x147: {  	v58 =	vld [tilespmem:s20+$0x5100];
	v3 =	vmax.f32 v3, v44  }
0x148: {  	v59 =	vld [tilespmem:s20+$0x5180];
	v3 =	vmax.f32 v3, v45  }
0x149: {  	v60 =	vld [tilespmem:s20+$0x5200];
	v3 =	vmax.f32 v3, v46  }
0x14a: {  	v61 =	vld [tilespmem:s20+$0x5280];
	v3 =	vmax.f32 v3, v47  }
0x14b: {  	v62 =	vld [tilespmem:s20+$0x5300];
	v3 =	vmax.f32 v3, v48  }
0x14c: {  	v63 =	vld [tilespmem:s20+$0x5380];
	v3 =	vmax.f32 v3, v49  }
0x14d: {  	v18 =	vld [tilespmem:s20+$0x5400];
	v6 =	vmax.f32 v58, v59;
	v3 =	vmax.f32 v3, v50  }
0x14e: {  	v19 =	vld [tilespmem:s20+$0x5480];
	v6 =	vmax.f32 v6, v60;
	v3 =	vmax.f32 v3, v51  }
0x14f: {  	v20 =	vld [tilespmem:s20+$0x5900];
	v6 =	vmax.f32 v6, v61;
	v3 =	vmax.f32 v3, v52  }
0x150: {  	v21 =	vld [tilespmem:s20+$0x5980];
	v6 =	vmax.f32 v6, v62;
	v3 =	vmax.f32 v3, v53  }
0x151: {  	v22 =	vld [tilespmem:s20+$0x5A00];
	v6 =	vmax.f32 v6, v63;
	v3 =	vmax.f32 v3, v54  }
0x152: {  	v23 =	vld [tilespmem:s20+$0x5A80];
	v6 =	vmax.f32 v6, v18;
	v3 =	vmax.f32 v3, v55  }
0x153: {  	v25 =	vld [tilespmem:s20+$0x5B00];
	v24 =	vmax.f32 v6, v19;
	v3 =	vmax.f32 v3, v56  }
0x154: {  	v26 =	vld [tilespmem:s20+$0x5B80];
	v4 =	vmax.f32 v24, v20;
	v3 =	vadd.f32 v3, v57  }
0x155: {  	v27 =	vld [tilespmem:s20+$0x5C00];
	v4 =	vmax.f32 v4, v21  }
0x156: {  	v28 =	vld [tilespmem:s20+$0x5C80];
	[tilespmem:s20+$0x11300] =	vst v3;
	v3 =	vmax.f32 v4, v22  }
0x157: {  	v3 =	vmax.f32 v3, v23;
	v29 =	vld [tilespmem:s22+$0x10100]  }
0x158: {  	v3 =	vmax.f32 v3, v25  }
0x159: {  	v3 =	vmax.f32 v3, v26  }
0x15a: {  	v3 =	vmax.f32 v3, v27  }
0x15b: {  	v3 =	vmax.f32 v3, v28  }
0x15c: {  	v3 =	vadd.f32 v3, v29;
	_ =	sdelay $0x1  }
0x15d: {  	[tilespmem:s22+$0x11100] =	vst v3  }
0x15e: {  	v3 =	vld [tilespmem:s20+$0x6100]  }
0x15f: {  	v30 =	vld [tilespmem:s20+$0x6180]  }
0x160: {  	v31 =	vld [tilespmem:s20+$0x6200]  }
0x161: {  	v32 =	vld [tilespmem:s20+$0x6280]  }
0x162: {  	v33 =	vld [tilespmem:s20+$0x6300]  }
0x163: {  	v34 =	vld [tilespmem:s20+$0x6380]  }
0x164: {  	v35 =	vld [tilespmem:s20+$0x6400]  }
0x165: {  	v36 =	vld [tilespmem:s20+$0x6480]  }
0x166: {  	v37 =	vld [tilespmem:s20+$0x6900]  }
0x167: {  	v38 =	vld [tilespmem:s20+$0x6980]  }
0x168: {  	v39 =	vld [tilespmem:s20+$0x6A00]  }
0x169: {  	v40 =	vld [tilespmem:s20+$0x6A80]  }
0x16a: {  	v41 =	vld [tilespmem:s20+$0x6B00]  }
0x16b: {  	v42 =	vld [tilespmem:s20+$0x6B80]  }
0x16c: {  	v43 =	vld [tilespmem:s20+$0x6C00]  }
0x16d: {  	v44 =	vld [tilespmem:s20+$0x6C80];
	v3 =	vmax.f32 v3, v30  }
0x16e: {  	v45 =	vld [tilespmem:s20+$0x10400];
	v3 =	vmax.f32 v3, v31  }
0x16f: {  	v46 =	vld [tilespmem:s20+$0x7100];
	v3 =	vmax.f32 v3, v32  }
0x170: {  	v47 =	vld [tilespmem:s20+$0x7180];
	v3 =	vmax.f32 v3, v33  }
0x171: {  	v48 =	vld [tilespmem:s20+$0x7200];
	v3 =	vmax.f32 v3, v34  }
0x172: {  	v49 =	vld [tilespmem:s20+$0x7280];
	v3 =	vmax.f32 v3, v35  }
0x173: {  	v50 =	vld [tilespmem:s20+$0x7300];
	v3 =	vmax.f32 v3, v36  }
0x174: {  	v51 =	vld [tilespmem:s20+$0x7380];
	v3 =	vmax.f32 v3, v37  }
0x175: {  	v52 =	vld [tilespmem:s20+$0x7400];
	v6 =	vmax.f32 v46, v47;
	v3 =	vmax.f32 v3, v38  }
0x176: {  	v53 =	vld [tilespmem:s20+$0x7480];
	v6 =	vmax.f32 v6, v48;
	v3 =	vmax.f32 v3, v39  }
0x177: {  	v54 =	vld [tilespmem:s20+$0x7900];
	v6 =	vmax.f32 v6, v49;
	v3 =	vmax.f32 v3, v40  }
0x178: {  	v55 =	vld [tilespmem:s20+$0x7980];
	v6 =	vmax.f32 v6, v50;
	v3 =	vmax.f32 v3, v41  }
0x179: {  	v56 =	vld [tilespmem:s20+$0x7A00];
	v6 =	vmax.f32 v6, v51;
	v3 =	vmax.f32 v3, v42  }
0x17a: {  	v57 =	vld [tilespmem:s20+$0x7A80];
	v6 =	vmax.f32 v6, v52;
	v3 =	vmax.f32 v3, v43  }
0x17b: {  	v59 =	vld [tilespmem:s20+$0x7B00];
	v58 =	vmax.f32 v6, v53;
	v3 =	vmax.f32 v3, v44  }
0x17c: {  	v60 =	vld [tilespmem:s20+$0x7B80];
	v4 =	vmax.f32 v58, v54;
	v3 =	vadd.f32 v3, v45  }
0x17d: {  	v61 =	vld [tilespmem:s20+$0x7C00];
	v4 =	vmax.f32 v4, v55  }
0x17e: {  	v62 =	vld [tilespmem:s20+$0x7C80];
	[tilespmem:s20+$0x11400] =	vst v3;
	v3 =	vmax.f32 v4, v56  }
0x17f: {  	v3 =	vmax.f32 v3, v57;
	v63 =	vld [tilespmem:s21+$0x10100]  }
0x180: {  	v3 =	vmax.f32 v3, v59  }
0x181: {  	p1 =	sne.s32 s19, $0xF0;
	v3 =	vmax.f32 v3, v60  }
.Ltmp2:
0x182: {  	v3 =	vmax.f32 v3, v61;
	(pc) =	sbr.rel @p1 .LBB2_3-.Ltmp2, $3  }
0x183: {  	v3 =	vmax.f32 v3, v62  }
0x184: {  	v3 =	vadd.f32 v3, v63;
	_ =	sdelay $0x1  }
0x185: {  	s18 =	sadd.s32 $0x80, s18;
	s19 =	sadd.s32 $0x10, s19;
	[tilespmem:s21+$0x11100] =	vst v3  }
0x186: {  	p1 =	seq.s32 s9, $0x13  }
.Ltmp3:
0x187: {  	s18 =	sshll.u32 s9, $0xC;
	(pc) =	sbr.rel @p1 .LBB2_6-.Ltmp3, $4  }
0x188: {  	s18 =	sadd.s32 s12, s18  }
0x189: {  	s18 =	sshrl.u32 s18, $0x3  }
0x18a: {  	s18 =	sadd.s32 s7, s18  }
0x18b: {  	[hbm4b:s18+s3] =	stream.linear.scatter [tilespmem:s10], [sflag:$0x5], $0x800, $0x38;
	[tilespmem:$0x12100] =	vst v63  }
0x18c: {  	s18 =	sadd.s32 $0x2, s17  }
0x18d: {  	s19 =	sshll.u32 s18, $0x7  }
0x18e: {  	s19 =	sadd.s32 s4, s19  }
0x18f: {  	s19 =	sshrl.u32 s19, $0x3  }
0x190: {  	s19 =	sadd.s32 s2, s19  }
0x191: {  	[tilespmem:s3], [sflag:$0x7] =	stream.linear.gather [hbm4b:s19+s3], $0x80, $0x38;
	[tilespmem:$0x12100] =	vst v63  }
0x192: {  	_ =	swait.ge [sflag:s16], $0x80  }
0x193: {  	[sflag:s16] =	ssyncset.done $0x0  }
0x194: {  	[sflag:s16] =	ssyncadd.s32 $0xFFFFFF80  }
0x195: {  	v3 =	vld [tilespmem:$0x0];
	_ =	sdelay $0x4  }
0x196: {  	v4 =	vshll.u32 v3, $0x1  }
0x197: {  	v3 =	vand.u32 $0x7, v3;
	v4 =	vand.u32 $0xFFFFFFF0, v4  }
0x198: {  	v3 =	vor.u32 v3, v4  }
0x199: {  	v4 =	vperm.xlane v3, v0;
	_ =	sdelay $0x1  }
0x19a: {  	v3 =	vperm.xlane v3, v2;
	v4 =	vadd.s32 v1, v4;
	_ =	sdelay $0x1  }
0x19b: {  	v3 =	vadd.s32 v1, v3;
	_ =	sdelay $0x1  }
0x19c: {  	s23 =	simm.s32 $0x100  }
0x19d: {  	[tilespmem:s23], [sflag:$0x1] =	stream.indirect_vreg.gather [hbm4b:s5+s3], $0x80, v4, vm0, $0xb8;
	[tilespmem:$0x12100] =	vst v63  }
0x19e: {  	s24 =	simm.s32 $0x900  }
0x19f: {  	[tilespmem:s24], [sflag:$0x1] =	stream.indirect_vreg.gather [hbm4b:s5+s3], $0x80, v3, vm0, $0xb8;
	[tilespmem:$0x12100] =	vst v63  }
0x1a0: {  	v3 =	vld [tilespmem:$0x10];
	_ =	sdelay $0x4  }
0x1a1: {  	v57 =	vshll.u32 v3, $0x1  }
0x1a2: {  	v3 =	vand.u32 $0x7, v3;
	v4 =	vand.u32 $0xFFFFFFF0, v57  }
0x1a3: {  	v3 =	vor.u32 v3, v4  }
0x1a4: {  	v4 =	vperm.xlane v3, v0;
	_ =	sdelay $0x1  }
0x1a5: {  	v3 =	vperm.xlane v3, v2;
	v4 =	vadd.s32 v1, v4;
	_ =	sdelay $0x1  }
0x1a6: {  	v3 =	vadd.s32 v1, v3;
	_ =	sdelay $0x1  }
0x1a7: {  	s20 =	simm.s32 $0x1100  }
0x1a8: {  	[tilespmem:s20], [sflag:$0x1] =	stream.indirect_vreg.gather [hbm4b:s5+s3], $0x80, v4, vm0, $0xb8;
	[tilespmem:$0x12100] =	vst v63  }
0x1a9: {  	s21 =	simm.s32 $0x1900  }
0x1aa: {  	[tilespmem:s21], [sflag:$0x1] =	stream.indirect_vreg.gather [hbm4b:s5+s3], $0x80, v3, vm0, $0xb8;
	[tilespmem:$0x12100] =	vst v63  }
0x1ab: {  	v3 =	vld [tilespmem:$0x20];
	_ =	sdelay $0x4  }
0x1ac: {  	v58 =	vshll.u32 v3, $0x1  }
0x1ad: {  	v3 =	vand.u32 $0x7, v3;
	v4 =	vand.u32 $0xFFFFFFF0, v58  }
0x1ae: {  	v3 =	vor.u32 v3, v4  }
0x1af: {  	v4 =	vperm.xlane v3, v0;
	_ =	sdelay $0x1  }
0x1b0: {  	v3 =	vperm.xlane v3, v2;
	v4 =	vadd.s32 v1, v4;
	_ =	sdelay $0x1  }
0x1b1: {  	v3 =	vadd.s32 v1, v3;
	_ =	sdelay $0x1  }
0x1b2: {  	s22 =	simm.s32 $0x2100  }
0x1b3: {  	[tilespmem:s22], [sflag:$0x1] =	stream.indirect_vreg.gather [hbm4b:s5+s3], $0x80, v4, vm0, $0xb8;
	[tilespmem:$0x12100] =	vst v63  }
0x1b4: {  	s23 =	simm.s32 $0x2900  }
0x1b5: {  	[tilespmem:s23], [sflag:$0x1] =	stream.indirect_vreg.gather [hbm4b:s5+s3], $0x80, v3, vm0, $0xb8;
	[tilespmem:$0x12100] =	vst v63  }
0x1b6: {  	v3 =	vld [tilespmem:$0x30];
	_ =	sdelay $0x4  }
0x1b7: {  	v59 =	vshll.u32 v3, $0x1  }
0x1b8: {  	v3 =	vand.u32 $0x7, v3;
	v4 =	vand.u32 $0xFFFFFFF0, v59  }
0x1b9: {  	v3 =	vor.u32 v3, v4  }
0x1ba: {  	v4 =	vperm.xlane v3, v0;
	_ =	sdelay $0x1  }
0x1bb: {  	v3 =	vperm.xlane v3, v2;
	v4 =	vadd.s32 v1, v4;
	_ =	sdelay $0x1  }
0x1bc: {  	v3 =	vadd.s32 v1, v3;
	_ =	sdelay $0x1  }
0x1bd: {  	s24 =	simm.s32 $0x3100  }
0x1be: {  	[tilespmem:s24], [sflag:$0x1] =	stream.indirect_vreg.gather [hbm4b:s5+s3], $0x80, v4, vm0, $0xb8;
	[tilespmem:$0x12100] =	vst v63  }
0x1bf: {  	s20 =	simm.s32 $0x3900  }
0x1c0: {  	[tilespmem:s20], [sflag:$0x1] =	stream.indirect_vreg.gather [hbm4b:s5+s3], $0x80, v3, vm0, $0xb8;
	[tilespmem:$0x12100] =	vst v63  }
0x1c1: {  	v3 =	vld [tilespmem:$0x40];
	_ =	sdelay $0x4  }
0x1c2: {  	v60 =	vshll.u32 v3, $0x1  }
0x1c3: {  	v3 =	vand.u32 $0x7, v3;
	v4 =	vand.u32 $0xFFFFFFF0, v60  }
0x1c4: {  	v3 =	vor.u32 v3, v4  }
0x1c5: {  	v4 =	vperm.xlane v3, v0;
	_ =	sdelay $0x1  }
0x1c6: {  	v3 =	vperm.xlane v3, v2;
	v4 =	vadd.s32 v1, v4;
	_ =	sdelay $0x1  }
0x1c7: {  	v3 =	vadd.s32 v1, v3;
	_ =	sdelay $0x1  }
0x1c8: {  	s21 =	simm.s32 $0x4100  }
0x1c9: {  	[tilespmem:s21], [sflag:$0x1] =	stream.indirect_vreg.gather [hbm4b:s5+s3], $0x80, v4, vm0, $0xb8;
	[tilespmem:$0x12100] =	vst v63  }
0x1ca: {  	s22 =	simm.s32 $0x4900  }
0x1cb: {  	[tilespmem:s22], [sflag:$0x1] =	stream.indirect_vreg.gather [hbm4b:s5+s3], $0x80, v3, vm0, $0xb8;
	[tilespmem:$0x12100] =	vst v63  }
0x1cc: {  	v3 =	vld [tilespmem:$0x50];
	_ =	sdelay $0x4  }
0x1cd: {  	v61 =	vshll.u32 v3, $0x1  }
0x1ce: {  	v3 =	vand.u32 $0x7, v3;
	v4 =	vand.u32 $0xFFFFFFF0, v61  }
0x1cf: {  	v3 =	vor.u32 v3, v4  }
0x1d0: {  	v4 =	vperm.xlane v3, v0;
	_ =	sdelay $0x1  }
0x1d1: {  	v3 =	vperm.xlane v3, v2;
	v4 =	vadd.s32 v1, v4;
	_ =	sdelay $0x1  }
0x1d2: {  	v3 =	vadd.s32 v1, v3;
	_ =	sdelay $0x1  }
0x1d3: {  	s23 =	simm.s32 $0x5100  }
0x1d4: {  	[tilespmem:s23], [sflag:$0x1] =	stream.indirect_vreg.gather [hbm4b:s5+s3], $0x80, v4, vm0, $0xb8;
	[tilespmem:$0x12100] =	vst v63  }
0x1d5: {  	s24 =	simm.s32 $0x5900  }
0x1d6: {  	[tilespmem:s24], [sflag:$0x1] =	stream.indirect_vreg.gather [hbm4b:s5+s3], $0x80, v3, vm0, $0xb8;
	[tilespmem:$0x12100] =	vst v63  }
0x1d7: {  	v3 =	vld [tilespmem:$0x60];
	_ =	sdelay $0x4  }
0x1d8: {  	v62 =	vshll.u32 v3, $0x1  }
0x1d9: {  	v3 =	vand.u32 $0x7, v3;
	v4 =	vand.u32 $0xFFFFFFF0, v62  }
0x1da: {  	v3 =	vor.u32 v3, v4  }
0x1db: {  	v4 =	vperm.xlane v3, v0;
	_ =	sdelay $0x1  }
0x1dc: {  	v3 =	vperm.xlane v3, v2;
	v4 =	vadd.s32 v1, v4;
	_ =	sdelay $0x1  }
0x1dd: {  	v3 =	vadd.s32 v1, v3;
	_ =	sdelay $0x1  }
0x1de: {  	s20 =	simm.s32 $0x6100  }
0x1df: {  	[tilespmem:s20], [sflag:$0x1] =	stream.indirect_vreg.gather [hbm4b:s5+s3], $0x80, v4, vm0, $0xb8;
	[tilespmem:$0x12100] =	vst v63  }
0x1e0: {  	s21 =	simm.s32 $0x6900  }
0x1e1: {  	[tilespmem:s21], [sflag:$0x1] =	stream.indirect_vreg.gather [hbm4b:s5+s3], $0x80, v3, vm0, $0xb8;
	[tilespmem:$0x12100] =	vst v63  }
0x1e2: {  	v3 =	vld [tilespmem:$0x70];
	_ =	sdelay $0x4  }
0x1e3: {  	v63 =	vshll.u32 v3, $0x1  }
0x1e4: {  	v3 =	vand.u32 $0x7, v3;
	v4 =	vand.u32 $0xFFFFFFF0, v63  }
0x1e5: {  	v3 =	vor.u32 v3, v4  }
0x1e6: {  	v4 =	vperm.xlane v3, v0;
	_ =	sdelay $0x1  }
0x1e7: {  	v3 =	vperm.xlane v3, v2;
	v4 =	vadd.s32 v1, v4;
	_ =	sdelay $0x1  }
0x1e8: {  	v3 =	vadd.s32 v1, v3  }
0x1e9: {  	s18 =	sadd.s32 s13, s18  }
0x1ea: {  	s18 =	sshll.u32 s18, $0x8;
	s22 =	simm.s32 $0x7100  }
0x1eb: {  	[tilespmem:s22], [sflag:$0x1] =	stream.indirect_vreg.gather [hbm4b:s5+s3], $0x80, v4, vm0, $0xb8;
	[tilespmem:$0x12100] =	vst v63  }
0x1ec: {  	s18 =	sand.u32 $0x1FFFFE00, s18;
	s23 =	simm.s32 $0x7900  }
0x1ed: {  	[tilespmem:s23], [sflag:$0x1] =	stream.indirect_vreg.gather [hbm4b:s5+s3], $0x80, v3, vm0, $0xb8;
	[tilespmem:$0x12100] =	vst v63  }
0x1ee: {  	s18 =	sadd.s32 s6, s18;
	s24 =	simm.s32 $0x10100  }
0x1ef: {  	[tilespmem:s24], [sflag:$0x3] =	stream.linear.gather [hbm4b:s18+s3], $0x800, $0x38;
	[tilespmem:$0x12100] =	vst v63  }
.LBB2_6:
0x1f0: {  	_ =	swait.ge [sflag:s11], $0x8000  }
0x1f1: {  	[sflag:s11] =	ssyncset.done $0x0  }
0x1f2: {  	[sflag:s11] =	ssyncadd.s32 $0xFFFF8000  }
0x1f3: {  	_ =	swait.ge [sflag:s14], $0x800  }
0x1f4: {  	[sflag:s14] =	ssyncset.done $0x0  }
0x1f5: {  	s18 =	simm.s32 @!p0 $0x6;
	[sflag:s14] =	ssyncadd.s32 $0xFFFFF800  }
0x1f6: {  	_ =	swait.ge @!p0 [sflag:s18], $0x800  }
0x1f7: {  	[sflag:s18] =	ssyncset.done @!p0 $0x0  }
0x1f8: {  	s19 =	simm.s32 $0x0;
	[sflag:s18] =	ssyncadd.s32 @!p0 $0xFFFFF800;
	s18 =	simm.s32 $0x0  }
.LBB2_7:
0x1f9: {  	s20 =	sand.u32 $0x70, s19;
	s22 =	sand.u32 $0x400, s18  }
0x1fa: {  	s20 =	sor.u32 s20, s22  }
0x1fb: {  	v3 =	vld [tilespmem:s20+$0x8100]  }
0x1fc: {  	v5 =	vld [tilespmem:s20+$0x8200]  }
0x1fd: {  	v7 =	vld [tilespmem:s20+$0x8300]  }
0x1fe: {  	v9 =	vld [tilespmem:s20+$0x8400]  }
0x1ff: {  	v11 =	vld [tilespmem:s20+$0x8900]  }
0x200: {  	v12 =	vld [tilespmem:s20+$0x8980]  }
0x201: {  	v13 =	vld [tilespmem:s20+$0x8A00]  }
0x202: {  	s21 =	sand.u32 $0xFFFFFC00, s18;
	v14 =	vld [tilespmem:s20+$0x8A80]  }
0x203: {  	s21 =	sadd.s32 s21, s19;
	v15 =	vld [tilespmem:s20+$0x8B00]  }
0x204: {  	s24 =	sor.u32 $0x80, s21;
	v16 =	vld [tilespmem:s20+$0x8B80]  }
0x205: {  	v4 =	vld [tilespmem:s24+$0x8100]  }
0x206: {  	s23 =	sor.u32 $0x180, s21;
	v17 =	vld [tilespmem:s20+$0x8C00]  }
0x207: {  	v6 =	vld [tilespmem:s23+$0x8100]  }
0x208: {  	s22 =	sor.u32 $0x280, s21;
	v32 =	vld [tilespmem:s20+$0x8C80]  }
0x209: {  	s21 =	sor.u32 s18, s19;
	v8 =	vld [tilespmem:s22+$0x8100]  }
0x20a: {  	v33 =	vld [tilespmem:s20+$0x10900];
	s21 =	sor.u32 $0x380, s21;
	v3 =	vmax.f32 v3, v4  }
0x20b: {  	v10 =	vld [tilespmem:s21+$0x8100];
	v3 =	vmax.f32 v3, v5  }
0x20c: {  	v34 =	vld [tilespmem:s20+$0x9100];
	v3 =	vmax.f32 v3, v6  }
0x20d: {  	v35 =	vld [tilespmem:s20+$0x9180];
	v3 =	vmax.f32 v3, v7  }
0x20e: {  	v36 =	vld [tilespmem:s20+$0x9200];
	v3 =	vmax.f32 v3, v8  }
0x20f: {  	v37 =	vld [tilespmem:s20+$0x9280];
	v3 =	vmax.f32 v3, v9  }
0x210: {  	v38 =	vld [tilespmem:s20+$0x9300];
	v3 =	vmax.f32 v3, v10  }
0x211: {  	v39 =	vld [tilespmem:s20+$0x9380];
	v3 =	vmax.f32 v3, v11  }
0x212: {  	v40 =	vld [tilespmem:s20+$0x9400];
	v6 =	vmax.f32 v34, v35;
	v3 =	vmax.f32 v3, v12  }
0x213: {  	v41 =	vld [tilespmem:s20+$0x9480];
	v6 =	vmax.f32 v6, v36;
	v3 =	vmax.f32 v3, v13  }
0x214: {  	v42 =	vld [tilespmem:s20+$0x9900];
	v6 =	vmax.f32 v6, v37;
	v3 =	vmax.f32 v3, v14  }
0x215: {  	v43 =	vld [tilespmem:s20+$0x9980];
	v6 =	vmax.f32 v6, v38;
	v3 =	vmax.f32 v3, v15  }
0x216: {  	v44 =	vld [tilespmem:s20+$0x9A00];
	v6 =	vmax.f32 v6, v39;
	v3 =	vmax.f32 v3, v16  }
0x217: {  	v45 =	vld [tilespmem:s20+$0x9A80];
	v6 =	vmax.f32 v6, v40;
	v3 =	vmax.f32 v3, v17  }
0x218: {  	v47 =	vld [tilespmem:s20+$0x9B00];
	v46 =	vmax.f32 v6, v41;
	v3 =	vmax.f32 v3, v32  }
0x219: {  	v48 =	vld [tilespmem:s20+$0x9B80];
	v4 =	vmax.f32 v46, v42;
	v3 =	vadd.f32 v3, v33  }
0x21a: {  	v49 =	vld [tilespmem:s20+$0x9C00];
	v4 =	vmax.f32 v4, v43  }
0x21b: {  	v50 =	vld [tilespmem:s20+$0x9C80];
	[tilespmem:s20+$0x11900] =	vst v3;
	v3 =	vmax.f32 v4, v44  }
0x21c: {  	v3 =	vmax.f32 v3, v45;
	v51 =	vld [tilespmem:s24+$0x10900]  }
0x21d: {  	v3 =	vmax.f32 v3, v47  }
0x21e: {  	v3 =	vmax.f32 v3, v48  }
0x21f: {  	v3 =	vmax.f32 v3, v49  }
0x220: {  	v3 =	vmax.f32 v3, v50  }
0x221: {  	v3 =	vadd.f32 v3, v51;
	_ =	sdelay $0x1  }
0x222: {  	[tilespmem:s24+$0x11900] =	vst v3  }
0x223: {  	v3 =	vld [tilespmem:s20+$0xA100]  }
0x224: {  	v52 =	vld [tilespmem:s20+$0xA180]  }
0x225: {  	v53 =	vld [tilespmem:s20+$0xA200]  }
0x226: {  	v54 =	vld [tilespmem:s20+$0xA280]  }
0x227: {  	v55 =	vld [tilespmem:s20+$0xA300]  }
0x228: {  	v56 =	vld [tilespmem:s20+$0xA380]  }
0x229: {  	v57 =	vld [tilespmem:s20+$0xA400]  }
0x22a: {  	v58 =	vld [tilespmem:s20+$0xA480]  }
0x22b: {  	v59 =	vld [tilespmem:s20+$0xA900]  }
0x22c: {  	v60 =	vld [tilespmem:s20+$0xA980]  }
0x22d: {  	v61 =	vld [tilespmem:s20+$0xAA00]  }
0x22e: {  	v62 =	vld [tilespmem:s20+$0xAA80]  }
0x22f: {  	v63 =	vld [tilespmem:s20+$0xAB00]  }
0x230: {  	v20 =	vld [tilespmem:s20+$0xAB80]  }
0x231: {  	v21 =	vld [tilespmem:s20+$0xAC00]  }
0x232: {  	v22 =	vld [tilespmem:s20+$0xAC80];
	v3 =	vmax.f32 v3, v52  }
0x233: {  	v23 =	vld [tilespmem:s20+$0x10A00];
	v3 =	vmax.f32 v3, v53  }
0x234: {  	v24 =	vld [tilespmem:s20+$0xB100];
	v3 =	vmax.f32 v3, v54  }
0x235: {  	v25 =	vld [tilespmem:s20+$0xB180];
	v3 =	vmax.f32 v3, v55  }
0x236: {  	v26 =	vld [tilespmem:s20+$0xB200];
	v3 =	vmax.f32 v3, v56  }
0x237: {  	v27 =	vld [tilespmem:s20+$0xB280];
	v3 =	vmax.f32 v3, v57  }
0x238: {  	v28 =	vld [tilespmem:s20+$0xB300];
	v3 =	vmax.f32 v3, v58  }
0x239: {  	v29 =	vld [tilespmem:s20+$0xB380];
	v3 =	vmax.f32 v3, v59  }
0x23a: {  	v30 =	vld [tilespmem:s20+$0xB400];
	v6 =	vmax.f32 v24, v25;
	v3 =	vmax.f32 v3, v60  }
0x23b: {  	v31 =	vld [tilespmem:s20+$0xB480];
	v6 =	vmax.f32 v6, v26;
	v3 =	vmax.f32 v3, v61  }
0x23c: {  	v32 =	vld [tilespmem:s20+$0xB900];
	v6 =	vmax.f32 v6, v27;
	v3 =	vmax.f32 v3, v62  }
0x23d: {  	v33 =	vld [tilespmem:s20+$0xB980];
	v6 =	vmax.f32 v6, v28;
	v3 =	vmax.f32 v3, v63  }
0x23e: {  	v34 =	vld [tilespmem:s20+$0xBA00];
	v6 =	vmax.f32 v6, v29;
	v3 =	vmax.f32 v3, v20  }
0x23f: {  	v35 =	vld [tilespmem:s20+$0xBA80];
	v6 =	vmax.f32 v6, v30;
	v3 =	vmax.f32 v3, v21  }
0x240: {  	v37 =	vld [tilespmem:s20+$0xBB00];
	v36 =	vmax.f32 v6, v31;
	v3 =	vmax.f32 v3, v22  }
0x241: {  	v38 =	vld [tilespmem:s20+$0xBB80];
	v4 =	vmax.f32 v36, v32;
	v3 =	vadd.f32 v3, v23  }
0x242: {  	v39 =	vld [tilespmem:s20+$0xBC00];
	v4 =	vmax.f32 v4, v33  }
0x243: {  	v40 =	vld [tilespmem:s20+$0xBC80];
	[tilespmem:s20+$0x11A00] =	vst v3;
	v3 =	vmax.f32 v4, v34  }
0x244: {  	v3 =	vmax.f32 v3, v35;
	v41 =	vld [tilespmem:s23+$0x10900]  }
0x245: {  	v3 =	vmax.f32 v3, v37  }
0x246: {  	v3 =	vmax.f32 v3, v38  }
0x247: {  	v3 =	vmax.f32 v3, v39  }
0x248: {  	v3 =	vmax.f32 v3, v40  }
0x249: {  	v3 =	vadd.f32 v3, v41;
	_ =	sdelay $0x1  }
0x24a: {  	[tilespmem:s23+$0x11900] =	vst v3  }
0x24b: {  	v3 =	vld [tilespmem:s20+$0xC100]  }
0x24c: {  	v42 =	vld [tilespmem:s20+$0xC180]  }
0x24d: {  	v43 =	vld [tilespmem:s20+$0xC200]  }
0x24e: {  	v44 =	vld [tilespmem:s20+$0xC280]  }
0x24f: {  	v45 =	vld [tilespmem:s20+$0xC300]  }
0x250: {  	v46 =	vld [tilespmem:s20+$0xC380]  }
0x251: {  	v47 =	vld [tilespmem:s20+$0xC400]  }
0x252: {  	v48 =	vld [tilespmem:s20+$0xC480]  }
0x253: {  	v49 =	vld [tilespmem:s20+$0xC900]  }
0x254: {  	v50 =	vld [tilespmem:s20+$0xC980]  }
0x255: {  	v51 =	vld [tilespmem:s20+$0xCA00]  }
0x256: {  	v52 =	vld [tilespmem:s20+$0xCA80]  }
0x257: {  	v53 =	vld [tilespmem:s20+$0xCB00]  }
0x258: {  	v54 =	vld [tilespmem:s20+$0xCB80]  }
0x259: {  	v55 =	vld [tilespmem:s20+$0xCC00]  }
0x25a: {  	v56 =	vld [tilespmem:s20+$0xCC80];
	v3 =	vmax.f32 v3, v42  }
0x25b: {  	v57 =	vld [tilespmem:s20+$0x10B00];
	v3 =	vmax.f32 v3, v43  }
0x25c: {  	v58 =	vld [tilespmem:s20+$0xD100];
	v3 =	vmax.f32 v3, v44  }
0x25d: {  	v59 =	vld [tilespmem:s20+$0xD180];
	v3 =	vmax.f32 v3, v45  }
0x25e: {  	v60 =	vld [tilespmem:s20+$0xD200];
	v3 =	vmax.f32 v3, v46  }
0x25f: {  	v61 =	vld [tilespmem:s20+$0xD280];
	v3 =	vmax.f32 v3, v47  }
0x260: {  	v62 =	vld [tilespmem:s20+$0xD300];
	v3 =	vmax.f32 v3, v48  }
0x261: {  	v63 =	vld [tilespmem:s20+$0xD380];
	v3 =	vmax.f32 v3, v49  }
0x262: {  	v18 =	vld [tilespmem:s20+$0xD400];
	v6 =	vmax.f32 v58, v59;
	v3 =	vmax.f32 v3, v50  }
0x263: {  	v19 =	vld [tilespmem:s20+$0xD480];
	v6 =	vmax.f32 v6, v60;
	v3 =	vmax.f32 v3, v51  }
0x264: {  	v20 =	vld [tilespmem:s20+$0xD900];
	v6 =	vmax.f32 v6, v61;
	v3 =	vmax.f32 v3, v52  }
0x265: {  	v21 =	vld [tilespmem:s20+$0xD980];
	v6 =	vmax.f32 v6, v62;
	v3 =	vmax.f32 v3, v53  }
0x266: {  	v22 =	vld [tilespmem:s20+$0xDA00];
	v6 =	vmax.f32 v6, v63;
	v3 =	vmax.f32 v3, v54  }
0x267: {  	v23 =	vld [tilespmem:s20+$0xDA80];
	v6 =	vmax.f32 v6, v18;
	v3 =	vmax.f32 v3, v55  }
0x268: {  	v25 =	vld [tilespmem:s20+$0xDB00];
	v24 =	vmax.f32 v6, v19;
	v3 =	vmax.f32 v3, v56  }
0x269: {  	v26 =	vld [tilespmem:s20+$0xDB80];
	v4 =	vmax.f32 v24, v20;
	v3 =	vadd.f32 v3, v57  }
0x26a: {  	v27 =	vld [tilespmem:s20+$0xDC00];
	v4 =	vmax.f32 v4, v21  }
0x26b: {  	v28 =	vld [tilespmem:s20+$0xDC80];
	[tilespmem:s20+$0x11B00] =	vst v3;
	v3 =	vmax.f32 v4, v22  }
0x26c: {  	v3 =	vmax.f32 v3, v23;
	v29 =	vld [tilespmem:s22+$0x10900]  }
0x26d: {  	v3 =	vmax.f32 v3, v25  }
0x26e: {  	v3 =	vmax.f32 v3, v26  }
0x26f: {  	v3 =	vmax.f32 v3, v27  }
0x270: {  	v3 =	vmax.f32 v3, v28  }
0x271: {  	v3 =	vadd.f32 v3, v29;
	_ =	sdelay $0x1  }
0x272: {  	[tilespmem:s22+$0x11900] =	vst v3  }
0x273: {  	v3 =	vld [tilespmem:s20+$0xE100]  }
0x274: {  	v30 =	vld [tilespmem:s20+$0xE180]  }
0x275: {  	v31 =	vld [tilespmem:s20+$0xE200]  }
0x276: {  	v32 =	vld [tilespmem:s20+$0xE280]  }
0x277: {  	v33 =	vld [tilespmem:s20+$0xE300]  }
0x278: {  	v34 =	vld [tilespmem:s20+$0xE380]  }
0x279: {  	v35 =	vld [tilespmem:s20+$0xE400]  }
0x27a: {  	v36 =	vld [tilespmem:s20+$0xE480]  }
0x27b: {  	v37 =	vld [tilespmem:s20+$0xE900]  }
0x27c: {  	v38 =	vld [tilespmem:s20+$0xE980]  }
0x27d: {  	v39 =	vld [tilespmem:s20+$0xEA00]  }
0x27e: {  	v40 =	vld [tilespmem:s20+$0xEA80]  }
0x27f: {  	v41 =	vld [tilespmem:s20+$0xEB00]  }
0x280: {  	v42 =	vld [tilespmem:s20+$0xEB80]  }
0x281: {  	v43 =	vld [tilespmem:s20+$0xEC00]  }
0x282: {  	v44 =	vld [tilespmem:s20+$0xEC80];
	v3 =	vmax.f32 v3, v30  }
0x283: {  	v45 =	vld [tilespmem:s20+$0x10C00];
	v3 =	vmax.f32 v3, v31  }
0x284: {  	v46 =	vld [tilespmem:s20+$0xF100];
	v3 =	vmax.f32 v3, v32  }
0x285: {  	v47 =	vld [tilespmem:s20+$0xF180];
	v3 =	vmax.f32 v3, v33  }
0x286: {  	v48 =	vld [tilespmem:s20+$0xF200];
	v3 =	vmax.f32 v3, v34  }
0x287: {  	v49 =	vld [tilespmem:s20+$0xF280];
	v3 =	vmax.f32 v3, v35  }
0x288: {  	v50 =	vld [tilespmem:s20+$0xF300];
	v3 =	vmax.f32 v3, v36  }
0x289: {  	v51 =	vld [tilespmem:s20+$0xF380];
	v3 =	vmax.f32 v3, v37  }
0x28a: {  	v52 =	vld [tilespmem:s20+$0xF400];
	v6 =	vmax.f32 v46, v47;
	v3 =	vmax.f32 v3, v38  }
0x28b: {  	v53 =	vld [tilespmem:s20+$0xF480];
	v6 =	vmax.f32 v6, v48;
	v3 =	vmax.f32 v3, v39  }
0x28c: {  	v54 =	vld [tilespmem:s20+$0xF900];
	v6 =	vmax.f32 v6, v49;
	v3 =	vmax.f32 v3, v40  }
0x28d: {  	v55 =	vld [tilespmem:s20+$0xF980];
	v6 =	vmax.f32 v6, v50;
	v3 =	vmax.f32 v3, v41  }
0x28e: {  	v56 =	vld [tilespmem:s20+$0xFA00];
	v6 =	vmax.f32 v6, v51;
	v3 =	vmax.f32 v3, v42  }
0x28f: {  	v57 =	vld [tilespmem:s20+$0xFA80];
	v6 =	vmax.f32 v6, v52;
	v3 =	vmax.f32 v3, v43  }
0x290: {  	v59 =	vld [tilespmem:s20+$0xFB00];
	v58 =	vmax.f32 v6, v53;
	v3 =	vmax.f32 v3, v44  }
0x291: {  	v60 =	vld [tilespmem:s20+$0xFB80];
	v4 =	vmax.f32 v58, v54;
	v3 =	vadd.f32 v3, v45  }
0x292: {  	v61 =	vld [tilespmem:s20+$0xFC00];
	v4 =	vmax.f32 v4, v55  }
0x293: {  	v62 =	vld [tilespmem:s20+$0xFC80];
	[tilespmem:s20+$0x11C00] =	vst v3;
	v3 =	vmax.f32 v4, v56  }
0x294: {  	v3 =	vmax.f32 v3, v57;
	v63 =	vld [tilespmem:s21+$0x10900]  }
0x295: {  	v3 =	vmax.f32 v3, v59  }
0x296: {  	p0 =	sne.s32 s19, $0xF0;
	v3 =	vmax.f32 v3, v60  }
.Ltmp4:
0x297: {  	v3 =	vmax.f32 v3, v61;
	(pc) =	sbr.rel @p0 .LBB2_7-.Ltmp4, $3  }
0x298: {  	v3 =	vmax.f32 v3, v62  }
0x299: {  	v3 =	vadd.f32 v3, v63;
	_ =	sdelay $0x1  }
0x29a: {  	s18 =	sadd.s32 $0x80, s18;
	s19 =	sadd.s32 $0x10, s19;
	[tilespmem:s21+$0x11900] =	vst v3  }
.Ltmp5:
0x29b: {  	(pc) =	sbr.rel @p1 .LBB2_10-.Ltmp5, $4  }
0x29c: {  	_ = 	snop  }
0x29d: {  	s18 =	sshll.u32 s9, $0x9  }
0x29e: {  	s18 =	sadd.s32 s15, s18  }
0x29f: {  	[hbm4b:s18+s3] =	stream.linear.scatter [tilespmem:s8], [sflag:$0x6], $0x800, $0x38;
	[tilespmem:$0x12100] =	vst v63  }
0x2a0: {  	s17 =	sadd.s32 $0x3, s17  }
0x2a1: {  	s18 =	sshll.u32 s17, $0x7  }
0x2a2: {  	s18 =	sadd.s32 s4, s18  }
0x2a3: {  	s18 =	sshrl.u32 s18, $0x3  }
0x2a4: {  	s19 =	simm.s32 $0x80;
	s18 =	sadd.s32 s2, s18  }
0x2a5: {  	[tilespmem:s19], [sflag:$0x7] =	stream.linear.gather [hbm4b:s18+s3], $0x80, $0x38;
	[tilespmem:$0x12100] =	vst v63  }
0x2a6: {  	_ =	swait.ge [sflag:s16], $0x80  }
0x2a7: {  	[sflag:s16] =	ssyncset.done $0x0  }
0x2a8: {  	[sflag:s16] =	ssyncadd.s32 $0xFFFFFF80  }
0x2a9: {  	v3 =	vld [tilespmem:$0x80];
	_ =	sdelay $0x4  }
0x2aa: {  	v4 =	vshll.u32 v3, $0x1  }
0x2ab: {  	v3 =	vand.u32 $0x7, v3;
	v4 =	vand.u32 $0xFFFFFFF0, v4  }
0x2ac: {  	v3 =	vor.u32 v3, v4  }
0x2ad: {  	v4 =	vperm.xlane v3, v0;
	_ =	sdelay $0x1  }
0x2ae: {  	v3 =	vperm.xlane v3, v2;
	v4 =	vadd.s32 v1, v4;
	_ =	sdelay $0x1  }
0x2af: {  	v3 =	vadd.s32 v1, v3;
	_ =	sdelay $0x1  }
0x2b0: {  	s20 =	simm.s32 $0x8100  }
0x2b1: {  	[tilespmem:s20], [sflag:$0x2] =	stream.indirect_vreg.gather [hbm4b:s5+s3], $0x80, v4, vm0, $0xb8;
	[tilespmem:$0x12100] =	vst v63  }
0x2b2: {  	s21 =	simm.s32 $0x8900  }
0x2b3: {  	[tilespmem:s21], [sflag:$0x2] =	stream.indirect_vreg.gather [hbm4b:s5+s3], $0x80, v3, vm0, $0xb8;
	[tilespmem:$0x12100] =	vst v63  }
0x2b4: {  	v3 =	vld [tilespmem:$0x90];
	_ =	sdelay $0x4  }
0x2b5: {  	v57 =	vshll.u32 v3, $0x1  }
0x2b6: {  	v3 =	vand.u32 $0x7, v3;
	v4 =	vand.u32 $0xFFFFFFF0, v57  }
0x2b7: {  	v3 =	vor.u32 v3, v4  }
0x2b8: {  	v4 =	vperm.xlane v3, v0;
	_ =	sdelay $0x1  }
0x2b9: {  	v3 =	vperm.xlane v3, v2;
	v4 =	vadd.s32 v1, v4;
	_ =	sdelay $0x1  }
0x2ba: {  	v3 =	vadd.s32 v1, v3;
	_ =	sdelay $0x1  }
0x2bb: {  	s22 =	simm.s32 $0x9100  }
0x2bc: {  	[tilespmem:s22], [sflag:$0x2] =	stream.indirect_vreg.gather [hbm4b:s5+s3], $0x80, v4, vm0, $0xb8;
	[tilespmem:$0x12100] =	vst v63  }
0x2bd: {  	s23 =	simm.s32 $0x9900  }
0x2be: {  	[tilespmem:s23], [sflag:$0x2] =	stream.indirect_vreg.gather [hbm4b:s5+s3], $0x80, v3, vm0, $0xb8;
	[tilespmem:$0x12100] =	vst v63  }
0x2bf: {  	v3 =	vld [tilespmem:$0xA0];
	_ =	sdelay $0x4  }
0x2c0: {  	v58 =	vshll.u32 v3, $0x1  }
0x2c1: {  	v3 =	vand.u32 $0x7, v3;
	v4 =	vand.u32 $0xFFFFFFF0, v58  }
0x2c2: {  	v3 =	vor.u32 v3, v4  }
0x2c3: {  	v4 =	vperm.xlane v3, v0;
	_ =	sdelay $0x1  }
0x2c4: {  	v3 =	vperm.xlane v3, v2;
	v4 =	vadd.s32 v1, v4;
	_ =	sdelay $0x1  }
0x2c5: {  	v3 =	vadd.s32 v1, v3;
	_ =	sdelay $0x1  }
0x2c6: {  	s24 =	simm.s32 $0xA100  }
0x2c7: {  	[tilespmem:s24], [sflag:$0x2] =	stream.indirect_vreg.gather [hbm4b:s5+s3], $0x80, v4, vm0, $0xb8;
	[tilespmem:$0x12100] =	vst v63  }
0x2c8: {  	s19 =	simm.s32 $0xA900  }
0x2c9: {  	[tilespmem:s19], [sflag:$0x2] =	stream.indirect_vreg.gather [hbm4b:s5+s3], $0x80, v3, vm0, $0xb8;
	[tilespmem:$0x12100] =	vst v63  }
0x2ca: {  	v3 =	vld [tilespmem:$0xB0];
	_ =	sdelay $0x4  }
0x2cb: {  	v59 =	vshll.u32 v3, $0x1  }
0x2cc: {  	v3 =	vand.u32 $0x7, v3;
	v4 =	vand.u32 $0xFFFFFFF0, v59  }
0x2cd: {  	v3 =	vor.u32 v3, v4  }
0x2ce: {  	v4 =	vperm.xlane v3, v0;
	_ =	sdelay $0x1  }
0x2cf: {  	v3 =	vperm.xlane v3, v2;
	v4 =	vadd.s32 v1, v4;
	_ =	sdelay $0x1  }
0x2d0: {  	v3 =	vadd.s32 v1, v3;
	_ =	sdelay $0x1  }
0x2d1: {  	s20 =	simm.s32 $0xB100  }
0x2d2: {  	[tilespmem:s20], [sflag:$0x2] =	stream.indirect_vreg.gather [hbm4b:s5+s3], $0x80, v4, vm0, $0xb8;
	[tilespmem:$0x12100] =	vst v63  }
0x2d3: {  	s21 =	simm.s32 $0xB900  }
0x2d4: {  	[tilespmem:s21], [sflag:$0x2] =	stream.indirect_vreg.gather [hbm4b:s5+s3], $0x80, v3, vm0, $0xb8;
	[tilespmem:$0x12100] =	vst v63  }
0x2d5: {  	v3 =	vld [tilespmem:$0xC0];
	_ =	sdelay $0x4  }
0x2d6: {  	v60 =	vshll.u32 v3, $0x1  }
0x2d7: {  	v3 =	vand.u32 $0x7, v3;
	v4 =	vand.u32 $0xFFFFFFF0, v60  }
0x2d8: {  	v3 =	vor.u32 v3, v4  }
0x2d9: {  	v4 =	vperm.xlane v3, v0;
	_ =	sdelay $0x1  }
0x2da: {  	v3 =	vperm.xlane v3, v2;
	v4 =	vadd.s32 v1, v4;
	_ =	sdelay $0x1  }
0x2db: {  	v3 =	vadd.s32 v1, v3;
	_ =	sdelay $0x1  }
0x2dc: {  	s22 =	simm.s32 $0xC100  }
0x2dd: {  	[tilespmem:s22], [sflag:$0x2] =	stream.indirect_vreg.gather [hbm4b:s5+s3], $0x80, v4, vm0, $0xb8;
	[tilespmem:$0x12100] =	vst v63  }
0x2de: {  	s23 =	simm.s32 $0xC900  }
0x2df: {  	[tilespmem:s23], [sflag:$0x2] =	stream.indirect_vreg.gather [hbm4b:s5+s3], $0x80, v3, vm0, $0xb8;
	[tilespmem:$0x12100] =	vst v63  }
0x2e0: {  	v3 =	vld [tilespmem:$0xD0];
	_ =	sdelay $0x4  }
0x2e1: {  	v61 =	vshll.u32 v3, $0x1  }
0x2e2: {  	v3 =	vand.u32 $0x7, v3;
	v4 =	vand.u32 $0xFFFFFFF0, v61  }
0x2e3: {  	v3 =	vor.u32 v3, v4  }
0x2e4: {  	v4 =	vperm.xlane v3, v0;
	_ =	sdelay $0x1  }
0x2e5: {  	v3 =	vperm.xlane v3, v2;
	v4 =	vadd.s32 v1, v4;
	_ =	sdelay $0x1  }
0x2e6: {  	v3 =	vadd.s32 v1, v3;
	_ =	sdelay $0x1  }
0x2e7: {  	s24 =	simm.s32 $0xD100  }
0x2e8: {  	[tilespmem:s24], [sflag:$0x2] =	stream.indirect_vreg.gather [hbm4b:s5+s3], $0x80, v4, vm0, $0xb8;
	[tilespmem:$0x12100] =	vst v63  }
0x2e9: {  	_ = 	snop  }
0x2ea: {  	[tilespmem:s25], [sflag:$0x2] =	stream.indirect_vreg.gather [hbm4b:s5+s3], $0x80, v3, vm0, $0xb8;
	[tilespmem:$0x12100] =	vst v63  }
0x2eb: {  	v3 =	vld [tilespmem:$0xE0];
	_ =	sdelay $0x4  }
0x2ec: {  	v62 =	vshll.u32 v3, $0x1  }
0x2ed: {  	v3 =	vand.u32 $0x7, v3;
	v4 =	vand.u32 $0xFFFFFFF0, v62  }
0x2ee: {  	v3 =	vor.u32 v3, v4  }
0x2ef: {  	v4 =	vperm.xlane v3, v0;
	_ =	sdelay $0x1  }
0x2f0: {  	v3 =	vperm.xlane v3, v2;
	v4 =	vadd.s32 v1, v4;
	_ =	sdelay $0x1  }
0x2f1: {  	v3 =	vadd.s32 v1, v3;
	_ =	sdelay $0x2  }
0x2f2: {  	[tilespmem:s26], [sflag:$0x2] =	stream.indirect_vreg.gather [hbm4b:s5+s3], $0x80, v4, vm0, $0xb8;
	[tilespmem:$0x12100] =	vst v63  }
0x2f3: {  	_ = 	snop  }
0x2f4: {  	[tilespmem:s28], [sflag:$0x2] =	stream.indirect_vreg.gather [hbm4b:s5+s3], $0x80, v3, vm0, $0xb8;
	[tilespmem:$0x12100] =	vst v63  }
0x2f5: {  	v3 =	vld [tilespmem:$0xF0];
	_ =	sdelay $0x4  }
0x2f6: {  	v63 =	vshll.u32 v3, $0x1  }
0x2f7: {  	v3 =	vand.u32 $0x7, v3;
	v4 =	vand.u32 $0xFFFFFFF0, v63  }
0x2f8: {  	v3 =	vor.u32 v3, v4  }
0x2f9: {  	v4 =	vperm.xlane v3, v0;
	_ =	sdelay $0x1  }
0x2fa: {  	v4 =	vadd.s32 v1, v4  }
0x2fb: {  	v3 =	vperm.xlane v3, v2;
	_ =	sdelay $0x1  }
0x2fc: {  	v3 =	vadd.s32 v1, v3;
	_ =	sdelay $0x1  }
0x2fd: {  	[tilespmem:s29], [sflag:$0x2] =	stream.indirect_vreg.gather [hbm4b:s5+s3], $0x80, v4, vm0, $0xb8;
	[tilespmem:$0x12100] =	vst v63  }
.Ltmp6:
0x2fe: {  	s17 =	sadd.s32 s13, s17;
	(pc) =	sbr.rel .LBB2_2-.Ltmp6, $4  }
0x2ff: {  	s17 =	sshll.u32 s17, $0x8  }
0x300: {  	[tilespmem:s30], [sflag:$0x2] =	stream.indirect_vreg.gather [hbm4b:s5+s3], $0x80, v3, vm0, $0xb8;
	[tilespmem:$0x12100] =	vst v63  }
0x301: {  	s9 =	sadd.s32 $0x1, s9;
	s17 =	sadd.s32 s6, s17  }
0x302: {  	[tilespmem:s31], [sflag:$0x4] =	stream.linear.gather [hbm4b:s17+s3], $0x800, $0x38;
	[tilespmem:$0x12100] =	vst v63  }
.LBB2_11:
0x303: {  	_ =	sfence.sel $0x180000  }
0x304: {  	[bflag:$0x0] =	sbarrier.arrive $0xFFFF  }
0x305: {  	_ =	strace $0x90000047  }
0x306: {  	s0 =	stileid.u32;
	[bflag:$0x2] =	sbarrier.arrive $0xFFFF  }
0x307: {  	p0 =	sne.s32 s0, $0x0;
	s0 =	rddreg [dreg:$0x2]  }
0x308: {  	s0 =	sadd.s32 @!p0 $0x100000, s0  }
0x309: {  	[sflag:s0] =	ssyncadd.tile.s32 @!p0 $0x1;
	_ =	shalt  }
.Lfunc_end2:
_tile_overlayer_lowered:
.L_overlay_start_2:
0x30a: {  	(tag) =	ssettag $0x2  }
0x30b: {  	s0 =	rddreg [dreg:$0x0];
	s2 =	stileid.u32  }
0x30c: {  	s1 =	rddreg [dreg:$0x1];
	p0 =	sne.s32 s2, $0x0  }
0x30d: {  	s3 =	rddreg [dreg:$0x2];
	[bflag:$0x3] =	sbarrier.arrive $0xFFFF;
	s2 =	simm.s32 @!p0 $0x1C07  }
0x30e: {  	[timem:s3], [sflag:s2] =	dma.local @!p0 [hbm:s0], s1  }
0x30f: {  	s0 =	simm.s32 @!p0 $0x7  }
0x310: {  	_ =	swait.ge @!p0 [sflag:s0], s1  }
0x311: {  	s1 =	ssub.s32 @!p0 $0x0, s1;
	[sflag:s0] =	ssyncset.done @!p0 $0x0  }
0x312: {  	[sflag:s0] =	ssyncadd.s32 @!p0 s1  }
0x313: {  	[bflag:$0x3] =	sbarrier.arrive $0xFFFF  }
0x314: {  	_ =	shalt  }

</sc_bundles>
